<compile_context>
chip_gen: v7x
topology: tpu7x:2x2x1
jax: 0.10.2.dev20260603
libtpu: 0.0.44.dev20260713+nightly
codegen_flags: <defaults>
</compile_context>

<pallas_src>
import functools

import jax
import jax.numpy as jnp
from jax import lax
from jax.experimental import pallas as pl
from jax.experimental.pallas import tpu as pltpu
from jax.experimental.pallas import tpu_sc as plsc

_NC = 2
_NS = 16
_NW = _NC * _NS
_CHUNK = 8192


def _sc_gather_t(tab2, xt):
    fd, v = tab2.shape
    f, b = xt.shape
    ha = (v // 2 // 128) * 128
    hb = v - ha
    n_jobs = fd // _NW
    oc = 4096
    nch = b // oc
    mesh = plsc.VectorSubcoreMesh(core_axis_name="c", subcore_axis_name="s")

    @functools.partial(
        pl.kernel,
        out_type=jax.ShapeDtypeStruct((fd, b), jnp.float32),
        mesh=mesh,
        compiler_params=pltpu.CompilerParams(needs_layout_passes=False),
        scratch_types=[
            pltpu.VMEM((ha,), jnp.float32),
            pltpu.VMEM((hb,), jnp.float32),
            pltpu.VMEM((oc,), jnp.int32),
            pltpu.VMEM((oc,), jnp.int32),
            pltpu.VMEM((b,), jnp.float32),
            pltpu.VMEM_SHARED((b,), jnp.int32),
            pltpu.VMEM_SHARED((b,), jnp.int32),
            pltpu.SemaphoreType.DMA,
            pltpu.SemaphoreType.DMA,
            pltpu.SemaphoreType.DMA,
            pltpu.SemaphoreType.DMA,
            pltpu.SemaphoreType.DMA,
        ],
    )
    def gather_k(tab_hbm, xt_hbm, out_hbm, row_a, row_b, idx_e, idx_o, outv,
                 spi_e, spi_o, sem_a, sem_b, sem_i, sem_o, sem_x):
        cid = lax.axis_index("c")
        sid = lax.axis_index("s")
        wid = sid * _NC + cid
        iota16 = lax.iota(jnp.int32, 16)

        pltpu.async_copy(tab_hbm.at[wid, pl.ds(0, ha)], row_a, sem_a)
        pltpu.async_copy(tab_hbm.at[wid, pl.ds(ha, hb)], row_b, sem_b)

        @pl.when(sid == 0)
        def _prime_idx():
            pltpu.async_copy(xt_hbm.at[0], spi_e, sem_x).wait()
        plsc.subcore_barrier()
        pltpu.async_copy(spi_e.at[pl.ds(0, oc)], idx_e, sem_i)

        def gather_chunk(spi, hi, c):
            gc = (4 if hi else 0) + c
            base = c * oc
            ib = idx_e if gc % 2 == 0 else idx_o
            pltpu.make_async_copy(spi.at[pl.ds(0, oc)], ib, sem_i).wait()
            if gc < 2 * nch - 1:
                nxt = idx_o if gc % 2 == 0 else idx_e
                ncol = ((gc + 1) % nch) * oc
                pltpu.async_copy(spi.at[pl.ds(ncol, oc)], nxt, sem_i)

            @plsc.parallel_loop(0, oc, step=16, unroll=8)
            def _g(i):
                iv = ib[pl.ds(i, 16)]
                if hi:
                    vc = jnp.maximum(iv - ha, 0)
                    val = plsc.load_gather(row_b, [vc])
                    pos = iota16 + (base + i)
                    plsc.store_scatter(outv, [pos], val, mask=iv >= ha)
                else:
                    sl = pl.ds(base + i, 16)
                    vc = jnp.minimum(iv, ha - 1)
                    outv[sl] = plsc.load_gather(row_a, [vc])

        def job(j, spi, spi_next, carry):
            r = j * _NW + wid
            r_next = r + _NW

            @pl.when(jnp.logical_and(sid == 0, j < n_jobs - 1))
            def _pf_idx():
                pltpu.async_copy(xt_hbm.at[j + 1], spi_next, sem_x)

            @pl.when(j > 0)
            def _drain():
                def w(c, cc):
                    pltpu.make_async_copy(
                        outv.at[pl.ds(0, oc)],
                        out_hbm.at[r, pl.ds(0, oc)], sem_o).wait()
                    return cc
                lax.fori_loop(0, nch, w, 0)

            pltpu.make_async_copy(tab_hbm.at[r, pl.ds(0, ha)], row_a,
                                  sem_a).wait()
            for c in range(nch):
                gather_chunk(spi, False, c)

            @pl.when(j < n_jobs - 1)
            def _pf_a():
                pltpu.async_copy(tab_hbm.at[r_next, pl.ds(0, ha)], row_a,
                                 sem_a)

            pltpu.make_async_copy(tab_hbm.at[r, pl.ds(ha, hb)], row_b,
                                  sem_b).wait()
            for c in range(nch):
                gather_chunk(spi, True, c)
                pltpu.async_copy(outv.at[pl.ds(c * oc, oc)],
                                 out_hbm.at[r, pl.ds(c * oc, oc)], sem_o)

            @pl.when(j < n_jobs - 1)
            def _pf_b():
                pltpu.async_copy(tab_hbm.at[r_next, pl.ds(ha, hb)], row_b,
                                 sem_b)

            @pl.when(jnp.logical_and(sid == 0, j < n_jobs - 1))
            def _wait_idx():
                pltpu.make_async_copy(xt_hbm.at[0], spi_next, sem_x).wait()
            plsc.subcore_barrier()
            @pl.when(j < n_jobs - 1)
            def _pf_c0():
                pltpu.async_copy(spi_next.at[pl.ds(0, oc)], idx_e, sem_i)
            return carry

        def job_pair(p, carry):
            job(2 * p, spi_e, spi_o, carry)
            job(2 * p + 1, spi_o, spi_e, carry)
            return carry

        lax.fori_loop(0, n_jobs // 2, job_pair, 0)
        for _c in range(nch):
            pltpu.make_async_copy(outv.at[pl.ds(0, oc)],
                                  out_hbm.at[0, pl.ds(0, oc)], sem_o).wait()

    return gather_k(tab2, xt)


def _mlp_body(embt_ref, s_ref, w1_ref, b1_ref, w2_ref, b2_ref, w3_ref, b3_ref,
              out_ref):
    dn = (((0,), (0,)), ((), ()))
    ft = embt_ref[...]
    sp = lax.dot_general(s_ref[...], ft, dn,
                         preferred_element_type=jnp.float32)
    left = jnp.sum(sp * sp, axis=0, keepdims=True)
    right = jnp.sum(ft * ft, axis=0, keepdims=True)
    fm = 0.5 * (left - right)
    h = lax.dot_general(w1_ref[...], ft, dn,
                        preferred_element_type=jnp.float32)
    h = jnp.maximum(h + b1_ref[...], 0.0)
    h = lax.dot_general(w2_ref[...], h, dn,
                        preferred_element_type=jnp.float32)
    h = jnp.maximum(h + b2_ref[...], 0.0)
    h = lax.dot_general(w3_ref[...], h, dn,
                        preferred_element_type=jnp.float32)
    h = jnp.maximum(h + b3_ref[...], 0.0)
    out_ref[...] = (fm + h)[:8]


def _tc_mlp_t(embt, s, w1, b1c, w2p, b2c, w3p, b3c, bb):
    din, b = embt.shape
    grid = (b // bb,)
    return pl.pallas_call(
        _mlp_body,
        grid=grid,
        in_specs=[
            pl.BlockSpec((din, bb), lambda i: (0, i)),
            pl.BlockSpec(s.shape, lambda i: (0, 0)),
            pl.BlockSpec(w1.shape, lambda i: (0, 0)),
            pl.BlockSpec(b1c.shape, lambda i: (0, 0)),
            pl.BlockSpec(w2p.shape, lambda i: (0, 0)),
            pl.BlockSpec(b2c.shape, lambda i: (0, 0)),
            pl.BlockSpec(w3p.shape, lambda i: (0, 0)),
            pl.BlockSpec(b3c.shape, lambda i: (0, 0)),
        ],
        out_specs=pl.BlockSpec((8, bb), lambda i: (0, i)),
        out_shape=jax.ShapeDtypeStruct((8, b), jnp.float32),
    )(embt, s, w1, b1c, w2p, b2c, w3p, b3c)


def kernel(x, tables, W1, b1, W2, b2, W3, b3):
    B, F = x.shape
    V, D = tables.shape[1], tables.shape[2]

    tab2 = tables.transpose(0, 2, 1).reshape(F * D, V)
    xt = x.T.astype(jnp.int32)

    embt = _sc_gather_t(tab2, xt)

    s = jnp.tile(jnp.eye(D, dtype=jnp.float32), (F, 1))
    b1c = b1.reshape(128, 1)
    w2p = jnp.pad(W2, ((0, 0), (0, 128 - W2.shape[1])))
    b2c = jnp.pad(b2, (0, 128 - b2.shape[0])).reshape(128, 1)
    w3p = jnp.pad(W3, ((0, 128 - W3.shape[0]), (0, 128 - W3.shape[1])))
    b3c = jnp.pad(b3, (0, 128 - b3.shape[0])).reshape(128, 1)

    out_t = _tc_mlp_t(embt, s, W1, b1c, w2p, b2c, w3p, b3c, bb=2048)
    return out_t[:2, :].T

# --- scband reference (transcript-rebuilt; emitter-appended) ---
"""Pipeline reference for scband-deep-fm-30949534334991 (READ-ONLY COPY).

The authoritative reference and input builder live on the scoring server;
editing this copy changes nothing except your own understanding.
"""

import jax, jax.numpy as jnp
import numpy as np

F_FIELDS = 26
VOCAB = 100000
EMBED_DIM = 32
BATCH = 16384

def setup_inputs(seed: int = 0) -> dict:
    key = jax.random.key(seed)
    ks = jax.random.split(key, 8)
    x = jax.random.randint(ks[0], (BATCH, F_FIELDS), 0, VOCAB, dtype=jnp.int64 if jax.config.jax_enable_x64 else jnp.int32)
    tables = jax.random.normal(ks[1], (F_FIELDS, VOCAB, EMBED_DIM), dtype=jnp.float32) * 0.01
    d_in = F_FIELDS * EMBED_DIM
    W1 = jax.random.normal(ks[2], (d_in, 128), dtype=jnp.float32) * (1.0 / np.sqrt(d_in))
    b1 = jnp.zeros((128,), dtype=jnp.float32)
    W2 = jax.random.normal(ks[3], (128, 16), dtype=jnp.float32) * (1.0 / np.sqrt(128))
    b2 = jnp.zeros((16,), dtype=jnp.float32)
    W3 = jax.random.normal(ks[4], (16, 2), dtype=jnp.float32) * (1.0 / np.sqrt(16))
    b3 = jnp.zeros((2,), dtype=jnp.float32)
    return {"x": x, "tables": tables, "W1": W1, "b1": b1, "W2": W2, "b2": b2, "W3": W3, "b3": b3}

def _fm(emb):
    # emb: [B, F, D]
    left = jnp.square(jnp.sum(emb, axis=1, keepdims=True))   # [B, 1, D]
    right = jnp.sum(jnp.square(emb), axis=1, keepdims=True)  # [B, 1, D]
    return 0.5 * jnp.sum(left - right, axis=2)               # [B, 1]

def reference(x, tables, W1, b1, W2, b2, W3, b3):
    B = x.shape[0]
    field_idx = jnp.arange(F_FIELDS)[None, :]  # [1, F]
    # gather per-field embeddings: [B, F, D]
    emb = tables[field_idx, x]
    fm_output = _fm(emb)                        # [B, 1]
    flat = emb.reshape(B, F_FIELDS * EMBED_DIM)  # concat order matches torch cat of per-field embeds
    h = jax.nn.relu(flat @ W1 + b1)  # dropout is identity at inference
    h = jax.nn.relu(h @ W2 + b2)
    h = jax.nn.relu(h @ W3 + b3)     # [B, 2]
    final_out = fm_output + h        # broadcast [B,1] + [B,2] -> [B,2]
    return final_out

if __name__ == "__main__":
    import jax
    _d = setup_inputs()
    print(jax.jit(kernel)(*tuple(_d.values())))

</pallas_src>

<mosaic_0001>
#map = affine_map<(d0, d1) -> (0, 0)>
module attributes {stable_mosaic.version = 14 : i64} {
  func.func @gather_k(%arg0: i32, %arg1: i32, %arg2: memref<832x100000xf32, #tpu.memory_space<hbm>>, %arg3: memref<26x16384xi32, #tpu.memory_space<hbm>>, %arg4: memref<832x16384xf32, #tpu.memory_space<hbm>>, %arg5: memref<49920xf32, #tpu.memory_space<vmem>>, %arg6: memref<50080xf32, #tpu.memory_space<vmem>>, %arg7: memref<4096xi32, #tpu.memory_space<vmem>>, %arg8: memref<4096xi32, #tpu.memory_space<vmem>>, %arg9: memref<16384xf32, #tpu.memory_space<vmem>>, %arg10: memref<16384xi32, #tpu.memory_space<vmem_shared>>, %arg11: memref<16384xi32, #tpu.memory_space<vmem_shared>>, %arg12: memref<!tpu.dma_semaphore, #tpu.memory_space<semaphore_mem>>, %arg13: memref<!tpu.dma_semaphore, #tpu.memory_space<semaphore_mem>>, %arg14: memref<!tpu.dma_semaphore, #tpu.memory_space<semaphore_mem>>, %arg15: memref<!tpu.dma_semaphore, #tpu.memory_space<semaphore_mem>>, %arg16: memref<!tpu.dma_semaphore, #tpu.memory_space<semaphore_mem>>) attributes {dimension_semantics = [#tpu.dimension_semantics<core_parallel>, #tpu.dimension_semantics<subcore_parallel>], iteration_bounds = array<i64: 2, 16>, scalar_prefetch = 0 : i64, scratch_operands = 12 : i64, tpu.core_type = #tpu.core_type<sc_vector_subcore>, window_params = [{transform_indices = #map}, {transform_indices = #map}, {transform_indices = #map}]} {
    %mul3A = arith.constant 2 : i32
    %mul3A_0 = arith.muli %arg1, %mul3A : i32
    %add3A = arith.addi %mul3A_0, %arg0 : i32
    %iota3A = tpu.iota {dimensions = array<i32: 0>} : vector<16xi32>
    %dma_start3A = arith.constant 0 : i32
    %dma_start3A_1 = tpu.memref_slice %arg2[%add3A, %dma_start3A] : memref<832x100000xf32, #tpu.memory_space<hbm>> -> memref<1x49920xf32, #tpu.memory_space<hbm>>
    %dma_start3A_2 = tpu.memref_squeeze %dma_start3A_1 : memref<1x49920xf32, #tpu.memory_space<hbm>> -> memref<49920xf32, #tpu.memory_space<hbm>>
    %dma_start3A_3 = arith.constant 0 : i32
    %dma_start3A_4 = tpu.memref_slice %arg2[%add3A, %dma_start3A_3] : memref<832x100000xf32, #tpu.memory_space<hbm>> -> memref<1x49920xf32, #tpu.memory_space<hbm>>
    %dma_start3A_5 = tpu.memref_squeeze %dma_start3A_4 : memref<1x49920xf32, #tpu.memory_space<hbm>> -> memref<49920xf32, #tpu.memory_space<hbm>>
    tpu.enqueue_dma source(%dma_start3A_5 : memref<49920xf32, #tpu.memory_space<hbm>>) target(%arg5 : memref<49920xf32, #tpu.memory_space<vmem>>) target_semaphore(%arg12 : memref<!tpu.dma_semaphore, #tpu.memory_space<semaphore_mem>>)
    %dma_start3A_6 = arith.constant 49920 : i32
    %dma_start3A_7 = tpu.memref_slice %arg2[%add3A, %dma_start3A_6] : memref<832x100000xf32, #tpu.memory_space<hbm>> -> memref<1x50080xf32, #tpu.memory_space<hbm>>
    %dma_start3A_8 = tpu.memref_squeeze %dma_start3A_7 : memref<1x50080xf32, #tpu.memory_space<hbm>> -> memref<50080xf32, #tpu.memory_space<hbm>>
    %dma_start3A_9 = arith.constant 49920 : i32
    %dma_start3A_10 = tpu.memref_slice %arg2[%add3A, %dma_start3A_9] : memref<832x100000xf32, #tpu.memory_space<hbm>> -> memref<1x50080xf32, #tpu.memory_space<hbm>>
    %dma_start3A_11 = tpu.memref_squeeze %dma_start3A_10 : memref<1x50080xf32, #tpu.memory_space<hbm>> -> memref<50080xf32, #tpu.memory_space<hbm>>
    tpu.enqueue_dma source(%dma_start3A_11 : memref<50080xf32, #tpu.memory_space<hbm>>) target(%arg6 : memref<50080xf32, #tpu.memory_space<vmem>>) target_semaphore(%arg13 : memref<!tpu.dma_semaphore, #tpu.memory_space<semaphore_mem>>)
    %eq3A = arith.constant 0 : i32
    %eq3A_12 = arith.cmpi eq, %arg1, %eq3A : i32
    %convert_element_type3A = arith.extui %eq3A_12 : i1 to i32
    %cond3A = arith.constant 0 : i32
    %cond3A_13 = arith.cmpi ne, %convert_element_type3A, %cond3A : i32
    scf.if %cond3A_13 {
      %dma_start3A_66 = arith.constant 0 : i32
      %dma_start3A_67 = arith.constant 0 : i32
      %dma_start3A_68 = tpu.memref_slice %arg3[%dma_start3A_66, %dma_start3A_67] : memref<26x16384xi32, #tpu.memory_space<hbm>> -> memref<1x16384xi32, #tpu.memory_space<hbm>>
      %dma_start3A_69 = tpu.memref_squeeze %dma_start3A_68 : memref<1x16384xi32, #tpu.memory_space<hbm>> -> memref<16384xi32, #tpu.memory_space<hbm>>
      tpu.enqueue_dma source(%dma_start3A_69 : memref<16384xi32, #tpu.memory_space<hbm>>) target(%arg10 : memref<16384xi32, #tpu.memory_space<vmem_shared>>) target_semaphore(%arg16 : memref<!tpu.dma_semaphore, #tpu.memory_space<semaphore_mem>>)
      %dma_wait3A_70 = arith.constant 0 : i32
      %dma_wait3A_71 = arith.constant 0 : i32
      %dma_wait3A_72 = tpu.memref_slice %arg3[%dma_wait3A_70, %dma_wait3A_71] : memref<26x16384xi32, #tpu.memory_space<hbm>> -> memref<1x16384xi32, #tpu.memory_space<hbm>>
      %dma_wait3A_73 = tpu.memref_squeeze %dma_wait3A_72 : memref<1x16384xi32, #tpu.memory_space<hbm>> -> memref<16384xi32, #tpu.memory_space<hbm>>
      tpu.wait_dma2 semaphore(%arg16 : memref<!tpu.dma_semaphore, #tpu.memory_space<semaphore_mem>>) src(%dma_wait3A_73 : memref<16384xi32, #tpu.memory_space<hbm>>) dst(%arg10 : memref<16384xi32, #tpu.memory_space<vmem_shared>>)
    } else {
    }
    %barrier3A = arith.constant 0 : index
    tpu.barrier barrier_id(%barrier3A)
    %dma_start3A_14 = arith.constant 0 : i32
    %dma_start3A_15 = tpu.memref_slice %arg10[%dma_start3A_14] : memref<16384xi32, #tpu.memory_space<vmem_shared>> -> memref<4096xi32, #tpu.memory_space<vmem_shared>>
    %dma_start3A_16 = arith.constant 0 : i32
    %dma_start3A_17 = tpu.memref_slice %arg10[%dma_start3A_16] : memref<16384xi32, #tpu.memory_space<vmem_shared>> -> memref<4096xi32, #tpu.memory_space<vmem_shared>>
    tpu.enqueue_dma source(%dma_start3A_17 : memref<4096xi32, #tpu.memory_space<vmem_shared>>) target(%arg7 : memref<4096xi32, #tpu.memory_space<vmem>>) target_semaphore(%arg14 : memref<!tpu.dma_semaphore, #tpu.memory_space<semaphore_mem>>)
    %scan3A = arith.constant 0 : i32
    %scan3A_18 = arith.constant 0 : i32
    %scan3A_19 = arith.constant 13 : i32
    %scan3A_20 = arith.addi %scan3A_18, %scan3A_19 : i32
    %scan3A_21 = arith.constant 1 : i32
    scf.for %scan3A_66 = %scan3A_18 to %scan3A_20 step %scan3A_21  : i32 {
      %mul3A_67 = arith.constant 2 : i32
      %mul3A_68 = arith.muli %mul3A_67, %scan3A_66 : i32
      %mul3A_69 = arith.constant 32 : i32
      %mul3A_70 = arith.muli %mul3A_68, %mul3A_69 : i32
      %add3A_71 = arith.addi %mul3A_70, %add3A : i32
      %add3A_72 = arith.constant 32 : i32
      %add3A_73 = arith.addi %add3A_71, %add3A_72 : i32
      %eq3A_74 = arith.constant 0 : i32
      %eq3A_75 = arith.cmpi eq, %arg1, %eq3A_74 : i32
      %lt3A = arith.constant 25 : i32
      %lt3A_76 = arith.cmpi slt, %mul3A_68, %lt3A : i32
      %and3A = arith.andi %eq3A_75, %lt3A_76 : i1
      %convert_element_type3A_77 = arith.extui %and3A : i1 to i32
      %cond3A_78 = arith.constant 0 : i32
      %cond3A_79 = arith.cmpi ne, %convert_element_type3A_77, %cond3A_78 : i32
      scf.if %cond3A_79 {
        %add3A_425 = arith.constant 1 : i32
        %add3A_426 = arith.addi %mul3A_68, %add3A_425 : i32
        %dma_start3A_427 = arith.constant 0 : i32
        %dma_start3A_428 = tpu.memref_slice %arg3[%add3A_426, %dma_start3A_427] : memref<26x16384xi32, #tpu.memory_space<hbm>> -> memref<1x16384xi32, #tpu.memory_space<hbm>>
        %dma_start3A_429 = tpu.memref_squeeze %dma_start3A_428 : memref<1x16384xi32, #tpu.memory_space<hbm>> -> memref<16384xi32, #tpu.memory_space<hbm>>
        tpu.enqueue_dma source(%dma_start3A_429 : memref<16384xi32, #tpu.memory_space<hbm>>) target(%arg11 : memref<16384xi32, #tpu.memory_space<vmem_shared>>) target_semaphore(%arg16 : memref<!tpu.dma_semaphore, #tpu.memory_space<semaphore_mem>>)
      } else {
      }
      %gt3A = arith.constant 0 : i32
      %gt3A_80 = arith.cmpi sgt, %mul3A_68, %gt3A : i32
      %convert_element_type3A_81 = arith.extui %gt3A_80 : i1 to i32
      %cond3A_82 = arith.constant 0 : i32
      %cond3A_83 = arith.cmpi ne, %convert_element_type3A_81, %cond3A_82 : i32
      scf.if %cond3A_83 {
        %scan3A_425 = arith.constant 0 : i32
        %scan3A_426 = arith.constant 0 : i32
        %scan3A_427 = arith.constant 4 : i32
        %scan3A_428 = arith.addi %scan3A_426, %scan3A_427 : i32
        %scan3A_429 = arith.constant 1 : i32
        scf.for %scan3A_431 = %scan3A_426 to %scan3A_428 step %scan3A_429  : i32 {
          %dma_wait3A_432 = arith.constant 0 : i32
          %dma_wait3A_433 = tpu.memref_slice %arg9[%dma_wait3A_432] : memref<16384xf32, #tpu.memory_space<vmem>> -> memref<4096xf32, #tpu.memory_space<vmem>>
          %dma_wait3A_434 = arith.constant 0 : i32
          %dma_wait3A_435 = tpu.memref_slice %arg4[%add3A_71, %dma_wait3A_434] : memref<832x16384xf32, #tpu.memory_space<hbm>> -> memref<1x4096xf32, #tpu.memory_space<hbm>>
          %dma_wait3A_436 = tpu.memref_squeeze %dma_wait3A_435 : memref<1x4096xf32, #tpu.memory_space<hbm>> -> memref<4096xf32, #tpu.memory_space<hbm>>
          %dma_wait3A_437 = arith.constant 0 : i32
          %dma_wait3A_438 = tpu.memref_slice %arg4[%add3A_71, %dma_wait3A_437] : memref<832x16384xf32, #tpu.memory_space<hbm>> -> memref<1x4096xf32, #tpu.memory_space<hbm>>
          %dma_wait3A_439 = tpu.memref_squeeze %dma_wait3A_438 : memref<1x4096xf32, #tpu.memory_space<hbm>> -> memref<4096xf32, #tpu.memory_space<hbm>>
          %dma_wait3A_440 = arith.constant 0 : i32
          %dma_wait3A_441 = tpu.memref_slice %arg9[%dma_wait3A_440] : memref<16384xf32, #tpu.memory_space<vmem>> -> memref<4096xf32, #tpu.memory_space<vmem>>
          tpu.wait_dma2 semaphore(%arg15 : memref<!tpu.dma_semaphore, #tpu.memory_space<semaphore_mem>>) src(%dma_wait3A_441 : memref<4096xf32, #tpu.memory_space<vmem>>) dst(%dma_wait3A_439 : memref<4096xf32, #tpu.memory_space<hbm>>)
        }
        %scan3A_430 = arith.constant 4 : i32
      } else {
      }
      %dma_wait3A_84 = arith.constant 0 : i32
      %dma_wait3A_85 = tpu.memref_slice %arg2[%add3A_71, %dma_wait3A_84] : memref<832x100000xf32, #tpu.memory_space<hbm>> -> memref<1x49920xf32, #tpu.memory_space<hbm>>
      %dma_wait3A_86 = tpu.memref_squeeze %dma_wait3A_85 : memref<1x49920xf32, #tpu.memory_space<hbm>> -> memref<49920xf32, #tpu.memory_space<hbm>>
      %dma_wait3A_87 = arith.constant 0 : i32
      %dma_wait3A_88 = tpu.memref_slice %arg2[%add3A_71, %dma_wait3A_87] : memref<832x100000xf32, #tpu.memory_space<hbm>> -> memref<1x49920xf32, #tpu.memory_space<hbm>>
      %dma_wait3A_89 = tpu.memref_squeeze %dma_wait3A_88 : memref<1x49920xf32, #tpu.memory_space<hbm>> -> memref<49920xf32, #tpu.memory_space<hbm>>
      tpu.wait_dma2 semaphore(%arg12 : memref<!tpu.dma_semaphore, #tpu.memory_space<semaphore_mem>>) src(%dma_wait3A_89 : memref<49920xf32, #tpu.memory_space<hbm>>) dst(%arg5 : memref<49920xf32, #tpu.memory_space<vmem>>)
      %dma_wait3A_90 = arith.constant 0 : i32
      %dma_wait3A_91 = tpu.memref_slice %arg10[%dma_wait3A_90] : memref<16384xi32, #tpu.memory_space<vmem_shared>> -> memref<4096xi32, #tpu.memory_space<vmem_shared>>
      %dma_wait3A_92 = arith.constant 0 : i32
      %dma_wait3A_93 = tpu.memref_slice %arg10[%dma_wait3A_92] : memref<16384xi32, #tpu.memory_space<vmem_shared>> -> memref<4096xi32, #tpu.memory_space<vmem_shared>>
      tpu.wait_dma2 semaphore(%arg14 : memref<!tpu.dma_semaphore, #tpu.memory_space<semaphore_mem>>) src(%dma_wait3A_93 : memref<4096xi32, #tpu.memory_space<vmem_shared>>) dst(%arg7 : memref<4096xi32, #tpu.memory_space<vmem>>)
      %dma_start3A_94 = arith.constant 4096 : i32
      %dma_start3A_95 = tpu.memref_slice %arg10[%dma_start3A_94] : memref<16384xi32, #tpu.memory_space<vmem_shared>> -> memref<4096xi32, #tpu.memory_space<vmem_shared>>
      %dma_start3A_96 = arith.constant 4096 : i32
      %dma_start3A_97 = tpu.memref_slice %arg10[%dma_start3A_96] : memref<16384xi32, #tpu.memory_space<vmem_shared>> -> memref<4096xi32, #tpu.memory_space<vmem_shared>>
      tpu.enqueue_dma source(%dma_start3A_97 : memref<4096xi32, #tpu.memory_space<vmem_shared>>) target(%arg8 : memref<4096xi32, #tpu.memory_space<vmem>>) target_semaphore(%arg14 : memref<!tpu.dma_semaphore, #tpu.memory_space<semaphore_mem>>)
      %parallel_loop3A = arith.constant 0 : i32
      %parallel_loop3A_98 = arith.constant 4096 : i32
      %parallel_loop3A_99 = arith.constant 16 : i32
      scf.for %parallel_loop3A_425 = %parallel_loop3A to %parallel_loop3A_98 step %parallel_loop3A_99  : i32 {
        %parallel_loop3A_426 = arith.index_cast %parallel_loop3A_425 : i32 to index
        %parallel_loop3A_427 = tpu.vector_load %arg7[%parallel_loop3A_426] {strides = array<i32>} : memref<4096xi32, #tpu.memory_space<vmem>>, vector<16xi32>,
        %parallel_loop3A_428 = arith.constant 0 : i32
        %parallel_loop3A_429 = arith.addi %parallel_loop3A_428, %parallel_loop3A_425 : i32
        %parallel_loop3A_430 = arith.constant 49919 : i32
        %parallel_loop3A_431 = vector.broadcast %parallel_loop3A_430 : i32 to vector<16xi32>
        %parallel_loop3A_432 = arith.minsi %parallel_loop3A_427, %parallel_loop3A_431 : vector<16xi32>
        %parallel_loop3A_433 = tpu.vector_load_idx %arg5[%parallel_loop3A_432] : memref<49920xf32, #tpu.memory_space<vmem>>[vector<16xi32>], vector<16xf32>,
        %parallel_loop3A_434 = arith.index_cast %parallel_loop3A_429 : i32 to index
        %parallel_loop3A_435 = tpu.vector_load %arg9[%parallel_loop3A_434] {strides = array<i32>} : memref<16384xf32, #tpu.memory_space<vmem>>, vector<16xf32>,
        tpu.vector_store %arg9[%parallel_loop3A_434], %parallel_loop3A_433 {strides = array<i32>} : memref<16384xf32, #tpu.memory_space<vmem>>, vector<16xf32>,
      } {sc.loop_unroll_factor = 8 : i64, sc.parallel_access}
      %dma_wait3A_100 = arith.constant 0 : i32
      %dma_wait3A_101 = tpu.memref_slice %arg10[%dma_wait3A_100] : memref<16384xi32, #tpu.memory_space<vmem_shared>> -> memref<4096xi32, #tpu.memory_space<vmem_shared>>
      %dma_wait3A_102 = arith.constant 0 : i32
      %dma_wait3A_103 = tpu.memref_slice %arg10[%dma_wait3A_102] : memref<16384xi32, #tpu.memory_space<vmem_shared>> -> memref<4096xi32, #tpu.memory_space<vmem_shared>>
      tpu.wait_dma2 semaphore(%arg14 : memref<!tpu.dma_semaphore, #tpu.memory_space<semaphore_mem>>) src(%dma_wait3A_103 : memref<4096xi32, #tpu.memory_space<vmem_shared>>) dst(%arg8 : memref<4096xi32, #tpu.memory_space<vmem>>)
      %dma_start3A_104 = arith.constant 8192 : i32
      %dma_start3A_105 = tpu.memref_slice %arg10[%dma_start3A_104] : memref<16384xi32, #tpu.memory_space<vmem_shared>> -> memref<4096xi32, #tpu.memory_space<vmem_shared>>
      %dma_start3A_106 = arith.constant 8192 : i32
      %dma_start3A_107 = tpu.memref_slice %arg10[%dma_start3A_106] : memref<16384xi32, #tpu.memory_space<vmem_shared>> -> memref<4096xi32, #tpu.memory_space<vmem_shared>>
      tpu.enqueue_dma source(%dma_start3A_107 : memref<4096xi32, #tpu.memory_space<vmem_shared>>) target(%arg7 : memref<4096xi32, #tpu.memory_space<vmem>>) target_semaphore(%arg14 : memref<!tpu.dma_semaphore, #tpu.memory_space<semaphore_mem>>)
      %parallel_loop3A_108 = arith.constant 0 : i32
      %parallel_loop3A_109 = arith.constant 4096 : i32
      %parallel_loop3A_110 = arith.constant 16 : i32
      scf.for %parallel_loop3A_425 = %parallel_loop3A_108 to %parallel_loop3A_109 step %parallel_loop3A_110  : i32 {
        %parallel_loop3A_426 = arith.index_cast %parallel_loop3A_425 : i32 to index
        %parallel_loop3A_427 = tpu.vector_load %arg8[%parallel_loop3A_426] {strides = array<i32>} : memref<4096xi32, #tpu.memory_space<vmem>>, vector<16xi32>,
        %parallel_loop3A_428 = arith.constant 4096 : i32
        %parallel_loop3A_429 = arith.addi %parallel_loop3A_428, %parallel_loop3A_425 : i32
        %parallel_loop3A_430 = arith.constant 49919 : i32
        %parallel_loop3A_431 = vector.broadcast %parallel_loop3A_430 : i32 to vector<16xi32>
        %parallel_loop3A_432 = arith.minsi %parallel_loop3A_427, %parallel_loop3A_431 : vector<16xi32>
        %parallel_loop3A_433 = tpu.vector_load_idx %arg5[%parallel_loop3A_432] : memref<49920xf32, #tpu.memory_space<vmem>>[vector<16xi32>], vector<16xf32>,
        %parallel_loop3A_434 = arith.index_cast %parallel_loop3A_429 : i32 to index
        %parallel_loop3A_435 = tpu.vector_load %arg9[%parallel_loop3A_434] {strides = array<i32>} : memref<16384xf32, #tpu.memory_space<vmem>>, vector<16xf32>,
        tpu.vector_store %arg9[%parallel_loop3A_434], %parallel_loop3A_433 {strides = array<i32>} : memref<16384xf32, #tpu.memory_space<vmem>>, vector<16xf32>,
      } {sc.loop_unroll_factor = 8 : i64, sc.parallel_access}
      %dma_wait3A_111 = arith.constant 0 : i32
      %dma_wait3A_112 = tpu.memref_slice %arg10[%dma_wait3A_111] : memref<16384xi32, #tpu.memory_space<vmem_shared>> -> memref<4096xi32, #tpu.memory_space<vmem_shared>>
      %dma_wait3A_113 = arith.constant 0 : i32
      %dma_wait3A_114 = tpu.memref_slice %arg10[%dma_wait3A_113] : memref<16384xi32, #tpu.memory_space<vmem_shared>> -> memref<4096xi32, #tpu.memory_space<vmem_shared>>
      tpu.wait_dma2 semaphore(%arg14 : memref<!tpu.dma_semaphore, #tpu.memory_space<semaphore_mem>>) src(%dma_wait3A_114 : memref<4096xi32, #tpu.memory_space<vmem_shared>>) dst(%arg7 : memref<4096xi32, #tpu.memory_space<vmem>>)
      %dma_start3A_115 = arith.constant 12288 : i32
      %dma_start3A_116 = tpu.memref_slice %arg10[%dma_start3A_115] : memref<16384xi32, #tpu.memory_space<vmem_shared>> -> memref<4096xi32, #tpu.memory_space<vmem_shared>>
      %dma_start3A_117 = arith.constant 12288 : i32
      %dma_start3A_118 = tpu.memref_slice %arg10[%dma_start3A_117] : memref<16384xi32, #tpu.memory_space<vmem_shared>> -> memref<4096xi32, #tpu.memory_space<vmem_shared>>
      tpu.enqueue_dma source(%dma_start3A_118 : memref<4096xi32, #tpu.memory_space<vmem_shared>>) target(%arg8 : memref<4096xi32, #tpu.memory_space<vmem>>) target_semaphore(%arg14 : memref<!tpu.dma_semaphore, #tpu.memory_space<semaphore_mem>>)
      %parallel_loop3A_119 = arith.constant 0 : i32
      %parallel_loop3A_120 = arith.constant 4096 : i32
      %parallel_loop3A_121 = arith.constant 16 : i32
      scf.for %parallel_loop3A_425 = %parallel_loop3A_119 to %parallel_loop3A_120 step %parallel_loop3A_121  : i32 {
        %parallel_loop3A_426 = arith.index_cast %parallel_loop3A_425 : i32 to index
        %parallel_loop3A_427 = tpu.vector_load %arg7[%parallel_loop3A_426] {strides = array<i32>} : memref<4096xi32, #tpu.memory_space<vmem>>, vector<16xi32>,
        %parallel_loop3A_428 = arith.constant 8192 : i32
        %parallel_loop3A_429 = arith.addi %parallel_loop3A_428, %parallel_loop3A_425 : i32
        %parallel_loop3A_430 = arith.constant 49919 : i32
        %parallel_loop3A_431 = vector.broadcast %parallel_loop3A_430 : i32 to vector<16xi32>
        %parallel_loop3A_432 = arith.minsi %parallel_loop3A_427, %parallel_loop3A_431 : vector<16xi32>
        %parallel_loop3A_433 = tpu.vector_load_idx %arg5[%parallel_loop3A_432] : memref<49920xf32, #tpu.memory_space<vmem>>[vector<16xi32>], vector<16xf32>,
        %parallel_loop3A_434 = arith.index_cast %parallel_loop3A_429 : i32 to index
        %parallel_loop3A_435 = tpu.vector_load %arg9[%parallel_loop3A_434] {strides = array<i32>} : memref<16384xf32, #tpu.memory_space<vmem>>, vector<16xf32>,
        tpu.vector_store %arg9[%parallel_loop3A_434], %parallel_loop3A_433 {strides = array<i32>} : memref<16384xf32, #tpu.memory_space<vmem>>, vector<16xf32>,
      } {sc.loop_unroll_factor = 8 : i64, sc.parallel_access}
      %dma_wait3A_122 = arith.constant 0 : i32
      %dma_wait3A_123 = tpu.memref_slice %arg10[%dma_wait3A_122] : memref<16384xi32, #tpu.memory_space<vmem_shared>> -> memref<4096xi32, #tpu.memory_space<vmem_shared>>
      %dma_wait3A_124 = arith.constant 0 : i32
      %dma_wait3A_125 = tpu.memref_slice %arg10[%dma_wait3A_124] : memref<16384xi32, #tpu.memory_space<vmem_shared>> -> memref<4096xi32, #tpu.memory_space<vmem_shared>>
      tpu.wait_dma2 semaphore(%arg14 : memref<!tpu.dma_semaphore, #tpu.memory_space<semaphore_mem>>) src(%dma_wait3A_125 : memref<4096xi32, #tpu.memory_space<vmem_shared>>) dst(%arg8 : memref<4096xi32, #tpu.memory_space<vmem>>)
      %dma_start3A_126 = arith.constant 0 : i32
      %dma_start3A_127 = tpu.memref_slice %arg10[%dma_start3A_126] : memref<16384xi32, #tpu.memory_space<vmem_shared>> -> memref<4096xi32, #tpu.memory_space<vmem_shared>>
      %dma_start3A_128 = arith.constant 0 : i32
      %dma_start3A_129 = tpu.memref_slice %arg10[%dma_start3A_128] : memref<16384xi32, #tpu.memory_space<vmem_shared>> -> memref<4096xi32, #tpu.memory_space<vmem_shared>>
      tpu.enqueue_dma source(%dma_start3A_129 : memref<4096xi32, #tpu.memory_space<vmem_shared>>) target(%arg7 : memref<4096xi32, #tpu.memory_space<vmem>>) target_semaphore(%arg14 : memref<!tpu.dma_semaphore, #tpu.memory_space<semaphore_mem>>)
      %parallel_loop3A_130 = arith.constant 0 : i32
      %parallel_loop3A_131 = arith.constant 4096 : i32
      %parallel_loop3A_132 = arith.constant 16 : i32
      scf.for %parallel_loop3A_425 = %parallel_loop3A_130 to %parallel_loop3A_131 step %parallel_loop3A_132  : i32 {
        %parallel_loop3A_426 = arith.index_cast %parallel_loop3A_425 : i32 to index
        %parallel_loop3A_427 = tpu.vector_load %arg8[%parallel_loop3A_426] {strides = array<i32>} : memref<4096xi32, #tpu.memory_space<vmem>>, vector<16xi32>,
        %parallel_loop3A_428 = arith.constant 12288 : i32
        %parallel_loop3A_429 = arith.addi %parallel_loop3A_428, %parallel_loop3A_425 : i32
        %parallel_loop3A_430 = arith.constant 49919 : i32
        %parallel_loop3A_431 = vector.broadcast %parallel_loop3A_430 : i32 to vector<16xi32>
        %parallel_loop3A_432 = arith.minsi %parallel_loop3A_427, %parallel_loop3A_431 : vector<16xi32>
        %parallel_loop3A_433 = tpu.vector_load_idx %arg5[%parallel_loop3A_432] : memref<49920xf32, #tpu.memory_space<vmem>>[vector<16xi32>], vector<16xf32>,
        %parallel_loop3A_434 = arith.index_cast %parallel_loop3A_429 : i32 to index
        %parallel_loop3A_435 = tpu.vector_load %arg9[%parallel_loop3A_434] {strides = array<i32>} : memref<16384xf32, #tpu.memory_space<vmem>>, vector<16xf32>,
        tpu.vector_store %arg9[%parallel_loop3A_434], %parallel_loop3A_433 {strides = array<i32>} : memref<16384xf32, #tpu.memory_space<vmem>>, vector<16xf32>,
      } {sc.loop_unroll_factor = 8 : i64, sc.parallel_access}
      %lt3A_133 = arith.constant 25 : i32
      %lt3A_134 = arith.cmpi slt, %mul3A_68, %lt3A_133 : i32
      %convert_element_type3A_135 = arith.extui %lt3A_134 : i1 to i32
      %cond3A_136 = arith.constant 0 : i32
      %cond3A_137 = arith.cmpi ne, %convert_element_type3A_135, %cond3A_136 : i32
      scf.if %cond3A_137 {
        %dma_start3A_425 = arith.constant 0 : i32
        %dma_start3A_426 = tpu.memref_slice %arg2[%add3A_73, %dma_start3A_425] : memref<832x100000xf32, #tpu.memory_space<hbm>> -> memref<1x49920xf32, #tpu.memory_space<hbm>>
        %dma_start3A_427 = tpu.memref_squeeze %dma_start3A_426 : memref<1x49920xf32, #tpu.memory_space<hbm>> -> memref<49920xf32, #tpu.memory_space<hbm>>
        %dma_start3A_428 = arith.constant 0 : i32
        %dma_start3A_429 = tpu.memref_slice %arg2[%add3A_73, %dma_start3A_428] : memref<832x100000xf32, #tpu.memory_space<hbm>> -> memref<1x49920xf32, #tpu.memory_space<hbm>>
        %dma_start3A_430 = tpu.memref_squeeze %dma_start3A_429 : memref<1x49920xf32, #tpu.memory_space<hbm>> -> memref<49920xf32, #tpu.memory_space<hbm>>
        tpu.enqueue_dma source(%dma_start3A_430 : memref<49920xf32, #tpu.memory_space<hbm>>) target(%arg5 : memref<49920xf32, #tpu.memory_space<vmem>>) target_semaphore(%arg12 : memref<!tpu.dma_semaphore, #tpu.memory_space<semaphore_mem>>)
      } else {
      }
      %dma_wait3A_138 = arith.constant 49920 : i32
      %dma_wait3A_139 = tpu.memref_slice %arg2[%add3A_71, %dma_wait3A_138] : memref<832x100000xf32, #tpu.memory_space<hbm>> -> memref<1x50080xf32, #tpu.memory_space<hbm>>
      %dma_wait3A_140 = tpu.memref_squeeze %dma_wait3A_139 : memref<1x50080xf32, #tpu.memory_space<hbm>> -> memref<50080xf32, #tpu.memory_space<hbm>>
      %dma_wait3A_141 = arith.constant 49920 : i32
      %dma_wait3A_142 = tpu.memref_slice %arg2[%add3A_71, %dma_wait3A_141] : memref<832x100000xf32, #tpu.memory_space<hbm>> -> memref<1x50080xf32, #tpu.memory_space<hbm>>
      %dma_wait3A_143 = tpu.memref_squeeze %dma_wait3A_142 : memref<1x50080xf32, #tpu.memory_space<hbm>> -> memref<50080xf32, #tpu.memory_space<hbm>>
      tpu.wait_dma2 semaphore(%arg13 : memref<!tpu.dma_semaphore, #tpu.memory_space<semaphore_mem>>) src(%dma_wait3A_143 : memref<50080xf32, #tpu.memory_space<hbm>>) dst(%arg6 : memref<50080xf32, #tpu.memory_space<vmem>>)
      %dma_wait3A_144 = arith.constant 0 : i32
      %dma_wait3A_145 = tpu.memref_slice %arg10[%dma_wait3A_144] : memref<16384xi32, #tpu.memory_space<vmem_shared>> -> memref<4096xi32, #tpu.memory_space<vmem_shared>>
      %dma_wait3A_146 = arith.constant 0 : i32
      %dma_wait3A_147 = tpu.memref_slice %arg10[%dma_wait3A_146] : memref<16384xi32, #tpu.memory_space<vmem_shared>> -> memref<4096xi32, #tpu.memory_space<vmem_shared>>
      tpu.wait_dma2 semaphore(%arg14 : memref<!tpu.dma_semaphore, #tpu.memory_space<semaphore_mem>>) src(%dma_wait3A_147 : memref<4096xi32, #tpu.memory_space<vmem_shared>>) dst(%arg7 : memref<4096xi32, #tpu.memory_space<vmem>>)
      %dma_start3A_148 = arith.constant 4096 : i32
      %dma_start3A_149 = tpu.memref_slice %arg10[%dma_start3A_148] : memref<16384xi32, #tpu.memory_space<vmem_shared>> -> memref<4096xi32, #tpu.memory_space<vmem_shared>>
      %dma_start3A_150 = arith.constant 4096 : i32
      %dma_start3A_151 = tpu.memref_slice %arg10[%dma_start3A_150] : memref<16384xi32, #tpu.memory_space<vmem_shared>> -> memref<4096xi32, #tpu.memory_space<vmem_shared>>
      tpu.enqueue_dma source(%dma_start3A_151 : memref<4096xi32, #tpu.memory_space<vmem_shared>>) target(%arg8 : memref<4096xi32, #tpu.memory_space<vmem>>) target_semaphore(%arg14 : memref<!tpu.dma_semaphore, #tpu.memory_space<semaphore_mem>>)
      %parallel_loop3A_152 = arith.constant 0 : i32
      %parallel_loop3A_153 = arith.constant 4096 : i32
      %parallel_loop3A_154 = arith.constant 16 : i32
      scf.for %parallel_loop3A_425 = %parallel_loop3A_152 to %parallel_loop3A_153 step %parallel_loop3A_154  : i32 {
        %parallel_loop3A_426 = arith.index_cast %parallel_loop3A_425 : i32 to index
        %parallel_loop3A_427 = tpu.vector_load %arg7[%parallel_loop3A_426] {strides = array<i32>} : memref<4096xi32, #tpu.memory_space<vmem>>, vector<16xi32>,
        %parallel_loop3A_428 = arith.constant 49920 : i32
        %parallel_loop3A_429 = vector.broadcast %parallel_loop3A_428 : i32 to vector<16xi32>
        %parallel_loop3A_430 = arith.subi %parallel_loop3A_427, %parallel_loop3A_429 : vector<16xi32>
        %parallel_loop3A_431 = arith.constant 0 : i32
        %parallel_loop3A_432 = vector.broadcast %parallel_loop3A_431 : i32 to vector<16xi32>
        %parallel_loop3A_433 = arith.maxsi %parallel_loop3A_430, %parallel_loop3A_432 : vector<16xi32>
        %parallel_loop3A_434 = tpu.vector_load_idx %arg6[%parallel_loop3A_433] : memref<50080xf32, #tpu.memory_space<vmem>>[vector<16xi32>], vector<16xf32>,
        %parallel_loop3A_435 = arith.constant 0 : i32
        %parallel_loop3A_436 = arith.addi %parallel_loop3A_435, %parallel_loop3A_425 : i32
        %parallel_loop3A_437 = vector.broadcast %parallel_loop3A_436 : i32 to vector<16xi32>
        %parallel_loop3A_438 = arith.addi %iota3A, %parallel_loop3A_437 : vector<16xi32>
        %parallel_loop3A_439 = arith.constant 49920 : i32
        %parallel_loop3A_440 = vector.broadcast %parallel_loop3A_439 : i32 to vector<16xi32>
        %parallel_loop3A_441 = arith.cmpi sge, %parallel_loop3A_427, %parallel_loop3A_440 : vector<16xi32>
        tpu.vector_store_idx %arg9[%parallel_loop3A_438], %parallel_loop3A_434 masked %parallel_loop3A_441 : memref<16384xf32, #tpu.memory_space<vmem>>[vector<16xi32>], vector<16xf32>, vector<16xi1>
      } {sc.loop_unroll_factor = 8 : i64, sc.parallel_access}
      %dma_start3A_155 = arith.constant 0 : i32
      %dma_start3A_156 = tpu.memref_slice %arg9[%dma_start3A_155] : memref<16384xf32, #tpu.memory_space<vmem>> -> memref<4096xf32, #tpu.memory_space<vmem>>
      %dma_start3A_157 = arith.constant 0 : i32
      %dma_start3A_158 = tpu.memref_slice %arg4[%add3A_71, %dma_start3A_157] : memref<832x16384xf32, #tpu.memory_space<hbm>> -> memref<1x4096xf32, #tpu.memory_space<hbm>>
      %dma_start3A_159 = tpu.memref_squeeze %dma_start3A_158 : memref<1x4096xf32, #tpu.memory_space<hbm>> -> memref<4096xf32, #tpu.memory_space<hbm>>
      %dma_start3A_160 = arith.constant 0 : i32
      %dma_start3A_161 = tpu.memref_slice %arg4[%add3A_71, %dma_start3A_160] : memref<832x16384xf32, #tpu.memory_space<hbm>> -> memref<1x4096xf32, #tpu.memory_space<hbm>>
      %dma_start3A_162 = tpu.memref_squeeze %dma_start3A_161 : memref<1x4096xf32, #tpu.memory_space<hbm>> -> memref<4096xf32, #tpu.memory_space<hbm>>
      %dma_start3A_163 = arith.constant 0 : i32
      %dma_start3A_164 = tpu.memref_slice %arg9[%dma_start3A_163] : memref<16384xf32, #tpu.memory_space<vmem>> -> memref<4096xf32, #tpu.memory_space<vmem>>
      tpu.enqueue_dma source(%dma_start3A_164 : memref<4096xf32, #tpu.memory_space<vmem>>) target(%dma_start3A_162 : memref<4096xf32, #tpu.memory_space<hbm>>) target_semaphore(%arg15 : memref<!tpu.dma_semaphore, #tpu.memory_space<semaphore_mem>>)
      %dma_wait3A_165 = arith.constant 0 : i32
      %dma_wait3A_166 = tpu.memref_slice %arg10[%dma_wait3A_165] : memref<16384xi32, #tpu.memory_space<vmem_shared>> -> memref<4096xi32, #tpu.memory_space<vmem_shared>>
      %dma_wait3A_167 = arith.constant 0 : i32
      %dma_wait3A_168 = tpu.memref_slice %arg10[%dma_wait3A_167] : memref<16384xi32, #tpu.memory_space<vmem_shared>> -> memref<4096xi32, #tpu.memory_space<vmem_shared>>
      tpu.wait_dma2 semaphore(%arg14 : memref<!tpu.dma_semaphore, #tpu.memory_space<semaphore_mem>>) src(%dma_wait3A_168 : memref<4096xi32, #tpu.memory_space<vmem_shared>>) dst(%arg8 : memref<4096xi32, #tpu.memory_space<vmem>>)
      %dma_start3A_169 = arith.constant 8192 : i32
      %dma_start3A_170 = tpu.memref_slice %arg10[%dma_start3A_169] : memref<16384xi32, #tpu.memory_space<vmem_shared>> -> memref<4096xi32, #tpu.memory_space<vmem_shared>>
      %dma_start3A_171 = arith.constant 8192 : i32
      %dma_start3A_172 = tpu.memref_slice %arg10[%dma_start3A_171] : memref<16384xi32, #tpu.memory_space<vmem_shared>> -> memref<4096xi32, #tpu.memory_space<vmem_shared>>
      tpu.enqueue_dma source(%dma_start3A_172 : memref<4096xi32, #tpu.memory_space<vmem_shared>>) target(%arg7 : memref<4096xi32, #tpu.memory_space<vmem>>) target_semaphore(%arg14 : memref<!tpu.dma_semaphore, #tpu.memory_space<semaphore_mem>>)
      %parallel_loop3A_173 = arith.constant 0 : i32
      %parallel_loop3A_174 = arith.constant 4096 : i32
      %parallel_loop3A_175 = arith.constant 16 : i32
      scf.for %parallel_loop3A_425 = %parallel_loop3A_173 to %parallel_loop3A_174 step %parallel_loop3A_175  : i32 {
        %parallel_loop3A_426 = arith.index_cast %parallel_loop3A_425 : i32 to index
        %parallel_loop3A_427 = tpu.vector_load %arg8[%parallel_loop3A_426] {strides = array<i32>} : memref<4096xi32, #tpu.memory_space<vmem>>, vector<16xi32>,
        %parallel_loop3A_428 = arith.constant 49920 : i32
        %parallel_loop3A_429 = vector.broadcast %parallel_loop3A_428 : i32 to vector<16xi32>
        %parallel_loop3A_430 = arith.subi %parallel_loop3A_427, %parallel_loop3A_429 : vector<16xi32>
        %parallel_loop3A_431 = arith.constant 0 : i32
        %parallel_loop3A_432 = vector.broadcast %parallel_loop3A_431 : i32 to vector<16xi32>
        %parallel_loop3A_433 = arith.maxsi %parallel_loop3A_430, %parallel_loop3A_432 : vector<16xi32>
        %parallel_loop3A_434 = tpu.vector_load_idx %arg6[%parallel_loop3A_433] : memref<50080xf32, #tpu.memory_space<vmem>>[vector<16xi32>], vector<16xf32>,
        %parallel_loop3A_435 = arith.constant 4096 : i32
        %parallel_loop3A_436 = arith.addi %parallel_loop3A_435, %parallel_loop3A_425 : i32
        %parallel_loop3A_437 = vector.broadcast %parallel_loop3A_436 : i32 to vector<16xi32>
        %parallel_loop3A_438 = arith.addi %iota3A, %parallel_loop3A_437 : vector<16xi32>
        %parallel_loop3A_439 = arith.constant 49920 : i32
        %parallel_loop3A_440 = vector.broadcast %parallel_loop3A_439 : i32 to vector<16xi32>
        %parallel_loop3A_441 = arith.cmpi sge, %parallel_loop3A_427, %parallel_loop3A_440 : vector<16xi32>
        tpu.vector_store_idx %arg9[%parallel_loop3A_438], %parallel_loop3A_434 masked %parallel_loop3A_441 : memref<16384xf32, #tpu.memory_space<vmem>>[vector<16xi32>], vector<16xf32>, vector<16xi1>
      } {sc.loop_unroll_factor = 8 : i64, sc.parallel_access}
      %dma_start3A_176 = arith.constant 4096 : i32
      %dma_start3A_177 = tpu.memref_slice %arg9[%dma_start3A_176] : memref<16384xf32, #tpu.memory_space<vmem>> -> memref<4096xf32, #tpu.memory_space<vmem>>
      %dma_start3A_178 = arith.constant 4096 : i32
      %dma_start3A_179 = tpu.memref_slice %arg4[%add3A_71, %dma_start3A_178] : memref<832x16384xf32, #tpu.memory_space<hbm>> -> memref<1x4096xf32, #tpu.memory_space<hbm>>
      %dma_start3A_180 = tpu.memref_squeeze %dma_start3A_179 : memref<1x4096xf32, #tpu.memory_space<hbm>> -> memref<4096xf32, #tpu.memory_space<hbm>>
      %dma_start3A_181 = arith.constant 4096 : i32
      %dma_start3A_182 = tpu.memref_slice %arg4[%add3A_71, %dma_start3A_181] : memref<832x16384xf32, #tpu.memory_space<hbm>> -> memref<1x4096xf32, #tpu.memory_space<hbm>>
      %dma_start3A_183 = tpu.memref_squeeze %dma_start3A_182 : memref<1x4096xf32, #tpu.memory_space<hbm>> -> memref<4096xf32, #tpu.memory_space<hbm>>
      %dma_start3A_184 = arith.constant 4096 : i32
      %dma_start3A_185 = tpu.memref_slice %arg9[%dma_start3A_184] : memref<16384xf32, #tpu.memory_space<vmem>> -> memref<4096xf32, #tpu.memory_space<vmem>>
      tpu.enqueue_dma source(%dma_start3A_185 : memref<4096xf32, #tpu.memory_space<vmem>>) target(%dma_start3A_183 : memref<4096xf32, #tpu.memory_space<hbm>>) target_semaphore(%arg15 : memref<!tpu.dma_semaphore, #tpu.memory_space<semaphore_mem>>)
      %dma_wait3A_186 = arith.constant 0 : i32
      %dma_wait3A_187 = tpu.memref_slice %arg10[%dma_wait3A_186] : memref<16384xi32, #tpu.memory_space<vmem_shared>> -> memref<4096xi32, #tpu.memory_space<vmem_shared>>
      %dma_wait3A_188 = arith.constant 0 : i32
      %dma_wait3A_189 = tpu.memref_slice %arg10[%dma_wait3A_188] : memref<16384xi32, #tpu.memory_space<vmem_shared>> -> memref<4096xi32, #tpu.memory_space<vmem_shared>>
      tpu.wait_dma2 semaphore(%arg14 : memref<!tpu.dma_semaphore, #tpu.memory_space<semaphore_mem>>) src(%dma_wait3A_189 : memref<4096xi32, #tpu.memory_space<vmem_shared>>) dst(%arg7 : memref<4096xi32, #tpu.memory_space<vmem>>)
      %dma_start3A_190 = arith.constant 12288 : i32
      %dma_start3A_191 = tpu.memref_slice %arg10[%dma_start3A_190] : memref<16384xi32, #tpu.memory_space<vmem_shared>> -> memref<4096xi32, #tpu.memory_space<vmem_shared>>
      %dma_start3A_192 = arith.constant 12288 : i32
      %dma_start3A_193 = tpu.memref_slice %arg10[%dma_start3A_192] : memref<16384xi32, #tpu.memory_space<vmem_shared>> -> memref<4096xi32, #tpu.memory_space<vmem_shared>>
      tpu.enqueue_dma source(%dma_start3A_193 : memref<4096xi32, #tpu.memory_space<vmem_shared>>) target(%arg8 : memref<4096xi32, #tpu.memory_space<vmem>>) target_semaphore(%arg14 : memref<!tpu.dma_semaphore, #tpu.memory_space<semaphore_mem>>)
      %parallel_loop3A_194 = arith.constant 0 : i32
      %parallel_loop3A_195 = arith.constant 4096 : i32
      %parallel_loop3A_196 = arith.constant 16 : i32
      scf.for %parallel_loop3A_425 = %parallel_loop3A_194 to %parallel_loop3A_195 step %parallel_loop3A_196  : i32 {
        %parallel_loop3A_426 = arith.index_cast %parallel_loop3A_425 : i32 to index
        %parallel_loop3A_427 = tpu.vector_load %arg7[%parallel_loop3A_426] {strides = array<i32>} : memref<4096xi32, #tpu.memory_space<vmem>>, vector<16xi32>,
        %parallel_loop3A_428 = arith.constant 49920 : i32
        %parallel_loop3A_429 = vector.broadcast %parallel_loop3A_428 : i32 to vector<16xi32>
        %parallel_loop3A_430 = arith.subi %parallel_loop3A_427, %parallel_loop3A_429 : vector<16xi32>
        %parallel_loop3A_431 = arith.constant 0 : i32
        %parallel_loop3A_432 = vector.broadcast %parallel_loop3A_431 : i32 to vector<16xi32>
        %parallel_loop3A_433 = arith.maxsi %parallel_loop3A_430, %parallel_loop3A_432 : vector<16xi32>
        %parallel_loop3A_434 = tpu.vector_load_idx %arg6[%parallel_loop3A_433] : memref<50080xf32, #tpu.memory_space<vmem>>[vector<16xi32>], vector<16xf32>,
        %parallel_loop3A_435 = arith.constant 8192 : i32
        %parallel_loop3A_436 = arith.addi %parallel_loop3A_435, %parallel_loop3A_425 : i32
        %parallel_loop3A_437 = vector.broadcast %parallel_loop3A_436 : i32 to vector<16xi32>
        %parallel_loop3A_438 = arith.addi %iota3A, %parallel_loop3A_437 : vector<16xi32>
        %parallel_loop3A_439 = arith.constant 49920 : i32
        %parallel_loop3A_440 = vector.broadcast %parallel_loop3A_439 : i32 to vector<16xi32>
        %parallel_loop3A_441 = arith.cmpi sge, %parallel_loop3A_427, %parallel_loop3A_440 : vector<16xi32>
        tpu.vector_store_idx %arg9[%parallel_loop3A_438], %parallel_loop3A_434 masked %parallel_loop3A_441 : memref<16384xf32, #tpu.memory_space<vmem>>[vector<16xi32>], vector<16xf32>, vector<16xi1>
      } {sc.loop_unroll_factor = 8 : i64, sc.parallel_access}
      %dma_start3A_197 = arith.constant 8192 : i32
      %dma_start3A_198 = tpu.memref_slice %arg9[%dma_start3A_197] : memref<16384xf32, #tpu.memory_space<vmem>> -> memref<4096xf32, #tpu.memory_space<vmem>>
      %dma_start3A_199 = arith.constant 8192 : i32
      %dma_start3A_200 = tpu.memref_slice %arg4[%add3A_71, %dma_start3A_199] : memref<832x16384xf32, #tpu.memory_space<hbm>> -> memref<1x4096xf32, #tpu.memory_space<hbm>>
      %dma_start3A_201 = tpu.memref_squeeze %dma_start3A_200 : memref<1x4096xf32, #tpu.memory_space<hbm>> -> memref<4096xf32, #tpu.memory_space<hbm>>
      %dma_start3A_202 = arith.constant 8192 : i32
      %dma_start3A_203 = tpu.memref_slice %arg4[%add3A_71, %dma_start3A_202] : memref<832x16384xf32, #tpu.memory_space<hbm>> -> memref<1x4096xf32, #tpu.memory_space<hbm>>
      %dma_start3A_204 = tpu.memref_squeeze %dma_start3A_203 : memref<1x4096xf32, #tpu.memory_space<hbm>> -> memref<4096xf32, #tpu.memory_space<hbm>>
      %dma_start3A_205 = arith.constant 8192 : i32
      %dma_start3A_206 = tpu.memref_slice %arg9[%dma_start3A_205] : memref<16384xf32, #tpu.memory_space<vmem>> -> memref<4096xf32, #tpu.memory_space<vmem>>
      tpu.enqueue_dma source(%dma_start3A_206 : memref<4096xf32, #tpu.memory_space<vmem>>) target(%dma_start3A_204 : memref<4096xf32, #tpu.memory_space<hbm>>) target_semaphore(%arg15 : memref<!tpu.dma_semaphore, #tpu.memory_space<semaphore_mem>>)
      %dma_wait3A_207 = arith.constant 0 : i32
      %dma_wait3A_208 = tpu.memref_slice %arg10[%dma_wait3A_207] : memref<16384xi32, #tpu.memory_space<vmem_shared>> -> memref<4096xi32, #tpu.memory_space<vmem_shared>>
      %dma_wait3A_209 = arith.constant 0 : i32
      %dma_wait3A_210 = tpu.memref_slice %arg10[%dma_wait3A_209] : memref<16384xi32, #tpu.memory_space<vmem_shared>> -> memref<4096xi32, #tpu.memory_space<vmem_shared>>
      tpu.wait_dma2 semaphore(%arg14 : memref<!tpu.dma_semaphore, #tpu.memory_space<semaphore_mem>>) src(%dma_wait3A_210 : memref<4096xi32, #tpu.memory_space<vmem_shared>>) dst(%arg8 : memref<4096xi32, #tpu.memory_space<vmem>>)
      %parallel_loop3A_211 = arith.constant 0 : i32
      %parallel_loop3A_212 = arith.constant 4096 : i32
      %parallel_loop3A_213 = arith.constant 16 : i32
      scf.for %parallel_loop3A_425 = %parallel_loop3A_211 to %parallel_loop3A_212 step %parallel_loop3A_213  : i32 {
        %parallel_loop3A_426 = arith.index_cast %parallel_loop3A_425 : i32 to index
        %parallel_loop3A_427 = tpu.vector_load %arg8[%parallel_loop3A_426] {strides = array<i32>} : memref<4096xi32, #tpu.memory_space<vmem>>, vector<16xi32>,
        %parallel_loop3A_428 = arith.constant 49920 : i32
        %parallel_loop3A_429 = vector.broadcast %parallel_loop3A_428 : i32 to vector<16xi32>
        %parallel_loop3A_430 = arith.subi %parallel_loop3A_427, %parallel_loop3A_429 : vector<16xi32>
        %parallel_loop3A_431 = arith.constant 0 : i32
        %parallel_loop3A_432 = vector.broadcast %parallel_loop3A_431 : i32 to vector<16xi32>
        %parallel_loop3A_433 = arith.maxsi %parallel_loop3A_430, %parallel_loop3A_432 : vector<16xi32>
        %parallel_loop3A_434 = tpu.vector_load_idx %arg6[%parallel_loop3A_433] : memref<50080xf32, #tpu.memory_space<vmem>>[vector<16xi32>], vector<16xf32>,
        %parallel_loop3A_435 = arith.constant 12288 : i32
        %parallel_loop3A_436 = arith.addi %parallel_loop3A_435, %parallel_loop3A_425 : i32
        %parallel_loop3A_437 = vector.broadcast %parallel_loop3A_436 : i32 to vector<16xi32>
        %parallel_loop3A_438 = arith.addi %iota3A, %parallel_loop3A_437 : vector<16xi32>
        %parallel_loop3A_439 = arith.constant 49920 : i32
        %parallel_loop3A_440 = vector.broadcast %parallel_loop3A_439 : i32 to vector<16xi32>
        %parallel_loop3A_441 = arith.cmpi sge, %parallel_loop3A_427, %parallel_loop3A_440 : vector<16xi32>
        tpu.vector_store_idx %arg9[%parallel_loop3A_438], %parallel_loop3A_434 masked %parallel_loop3A_441 : memref<16384xf32, #tpu.memory_space<vmem>>[vector<16xi32>], vector<16xf32>, vector<16xi1>
      } {sc.loop_unroll_factor = 8 : i64, sc.parallel_access}
      %dma_start3A_214 = arith.constant 12288 : i32
      %dma_start3A_215 = tpu.memref_slice %arg9[%dma_start3A_214] : memref<16384xf32, #tpu.memory_space<vmem>> -> memref<4096xf32, #tpu.memory_space<vmem>>
      %dma_start3A_216 = arith.constant 12288 : i32
      %dma_start3A_217 = tpu.memref_slice %arg4[%add3A_71, %dma_start3A_216] : memref<832x16384xf32, #tpu.memory_space<hbm>> -> memref<1x4096xf32, #tpu.memory_space<hbm>>
      %dma_start3A_218 = tpu.memref_squeeze %dma_start3A_217 : memref<1x4096xf32, #tpu.memory_space<hbm>> -> memref<4096xf32, #tpu.memory_space<hbm>>
      %dma_start3A_219 = arith.constant 12288 : i32
      %dma_start3A_220 = tpu.memref_slice %arg4[%add3A_71, %dma_start3A_219] : memref<832x16384xf32, #tpu.memory_space<hbm>> -> memref<1x4096xf32, #tpu.memory_space<hbm>>
      %dma_start3A_221 = tpu.memref_squeeze %dma_start3A_220 : memref<1x4096xf32, #tpu.memory_space<hbm>> -> memref<4096xf32, #tpu.memory_space<hbm>>
      %dma_start3A_222 = arith.constant 12288 : i32
      %dma_start3A_223 = tpu.memref_slice %arg9[%dma_start3A_222] : memref<16384xf32, #tpu.memory_space<vmem>> -> memref<4096xf32, #tpu.memory_space<vmem>>
      tpu.enqueue_dma source(%dma_start3A_223 : memref<4096xf32, #tpu.memory_space<vmem>>) target(%dma_start3A_221 : memref<4096xf32, #tpu.memory_space<hbm>>) target_semaphore(%arg15 : memref<!tpu.dma_semaphore, #tpu.memory_space<semaphore_mem>>)
      %lt3A_224 = arith.constant 25 : i32
      %lt3A_225 = arith.cmpi slt, %mul3A_68, %lt3A_224 : i32
      %convert_element_type3A_226 = arith.extui %lt3A_225 : i1 to i32
      %cond3A_227 = arith.constant 0 : i32
      %cond3A_228 = arith.cmpi ne, %convert_element_type3A_226, %cond3A_227 : i32
      scf.if %cond3A_228 {
        %dma_start3A_425 = arith.constant 49920 : i32
        %dma_start3A_426 = tpu.memref_slice %arg2[%add3A_73, %dma_start3A_425] : memref<832x100000xf32, #tpu.memory_space<hbm>> -> memref<1x50080xf32, #tpu.memory_space<hbm>>
        %dma_start3A_427 = tpu.memref_squeeze %dma_start3A_426 : memref<1x50080xf32, #tpu.memory_space<hbm>> -> memref<50080xf32, #tpu.memory_space<hbm>>
        %dma_start3A_428 = arith.constant 49920 : i32
        %dma_start3A_429 = tpu.memref_slice %arg2[%add3A_73, %dma_start3A_428] : memref<832x100000xf32, #tpu.memory_space<hbm>> -> memref<1x50080xf32, #tpu.memory_space<hbm>>
        %dma_start3A_430 = tpu.memref_squeeze %dma_start3A_429 : memref<1x50080xf32, #tpu.memory_space<hbm>> -> memref<50080xf32, #tpu.memory_space<hbm>>
        tpu.enqueue_dma source(%dma_start3A_430 : memref<50080xf32, #tpu.memory_space<hbm>>) target(%arg6 : memref<50080xf32, #tpu.memory_space<vmem>>) target_semaphore(%arg13 : memref<!tpu.dma_semaphore, #tpu.memory_space<semaphore_mem>>)
      } else {
      }
      %eq3A_229 = arith.constant 0 : i32
      %eq3A_230 = arith.cmpi eq, %arg1, %eq3A_229 : i32
      %lt3A_231 = arith.constant 25 : i32
      %lt3A_232 = arith.cmpi slt, %mul3A_68, %lt3A_231 : i32
      %and3A_233 = arith.andi %eq3A_230, %lt3A_232 : i1
      %convert_element_type3A_234 = arith.extui %and3A_233 : i1 to i32
      %cond3A_235 = arith.constant 0 : i32
      %cond3A_236 = arith.cmpi ne, %convert_element_type3A_234, %cond3A_235 : i32
      scf.if %cond3A_236 {
        %dma_wait3A_425 = arith.constant 0 : i32
        %dma_wait3A_426 = arith.constant 0 : i32
        %dma_wait3A_427 = tpu.memref_slice %arg3[%dma_wait3A_425, %dma_wait3A_426] : memref<26x16384xi32, #tpu.memory_space<hbm>> -> memref<1x16384xi32, #tpu.memory_space<hbm>>
        %dma_wait3A_428 = tpu.memref_squeeze %dma_wait3A_427 : memref<1x16384xi32, #tpu.memory_space<hbm>> -> memref<16384xi32, #tpu.memory_space<hbm>>
        tpu.wait_dma2 semaphore(%arg16 : memref<!tpu.dma_semaphore, #tpu.memory_space<semaphore_mem>>) src(%dma_wait3A_428 : memref<16384xi32, #tpu.memory_space<hbm>>) dst(%arg11 : memref<16384xi32, #tpu.memory_space<vmem_shared>>)
      } else {
      }
      %barrier3A_237 = arith.constant 0 : index
      tpu.barrier barrier_id(%barrier3A_237)
      %lt3A_238 = arith.constant 25 : i32
      %lt3A_239 = arith.cmpi slt, %mul3A_68, %lt3A_238 : i32
      %convert_element_type3A_240 = arith.extui %lt3A_239 : i1 to i32
      %cond3A_241 = arith.constant 0 : i32
      %cond3A_242 = arith.cmpi ne, %convert_element_type3A_240, %cond3A_241 : i32
      scf.if %cond3A_242 {
        %dma_start3A_425 = arith.constant 0 : i32
        %dma_start3A_426 = tpu.memref_slice %arg11[%dma_start3A_425] : memref<16384xi32, #tpu.memory_space<vmem_shared>> -> memref<4096xi32, #tpu.memory_space<vmem_shared>>
        %dma_start3A_427 = arith.constant 0 : i32
        %dma_start3A_428 = tpu.memref_slice %arg11[%dma_start3A_427] : memref<16384xi32, #tpu.memory_space<vmem_shared>> -> memref<4096xi32, #tpu.memory_space<vmem_shared>>
        tpu.enqueue_dma source(%dma_start3A_428 : memref<4096xi32, #tpu.memory_space<vmem_shared>>) target(%arg7 : memref<4096xi32, #tpu.memory_space<vmem>>) target_semaphore(%arg14 : memref<!tpu.dma_semaphore, #tpu.memory_space<semaphore_mem>>)
      } else {
      }
      %mul3A_243 = arith.constant 2 : i32
      %mul3A_244 = arith.muli %mul3A_243, %scan3A_66 : i32
      %add3A_245 = arith.constant 1 : i32
      %add3A_246 = arith.addi %mul3A_244, %add3A_245 : i32
      %mul3A_247 = arith.constant 32 : i32
      %mul3A_248 = arith.muli %add3A_246, %mul3A_247 : i32
      %add3A_249 = arith.addi %mul3A_248, %add3A : i32
      %add3A_250 = arith.constant 32 : i32
      %add3A_251 = arith.addi %add3A_249, %add3A_250 : i32
      %eq3A_252 = arith.constant 0 : i32
      %eq3A_253 = arith.cmpi eq, %arg1, %eq3A_252 : i32
      %lt3A_254 = arith.constant 25 : i32
      %lt3A_255 = arith.cmpi slt, %add3A_246, %lt3A_254 : i32
      %and3A_256 = arith.andi %eq3A_253, %lt3A_255 : i1
      %convert_element_type3A_257 = arith.extui %and3A_256 : i1 to i32
      %cond3A_258 = arith.constant 0 : i32
      %cond3A_259 = arith.cmpi ne, %convert_element_type3A_257, %cond3A_258 : i32
      scf.if %cond3A_259 {
        %add3A_425 = arith.constant 1 : i32
        %add3A_426 = arith.addi %add3A_246, %add3A_425 : i32
        %dma_start3A_427 = arith.constant 0 : i32
        %dma_start3A_428 = tpu.memref_slice %arg3[%add3A_426, %dma_start3A_427] : memref<26x16384xi32, #tpu.memory_space<hbm>> -> memref<1x16384xi32, #tpu.memory_space<hbm>>
        %dma_start3A_429 = tpu.memref_squeeze %dma_start3A_428 : memref<1x16384xi32, #tpu.memory_space<hbm>> -> memref<16384xi32, #tpu.memory_space<hbm>>
        tpu.enqueue_dma source(%dma_start3A_429 : memref<16384xi32, #tpu.memory_space<hbm>>) target(%arg10 : memref<16384xi32, #tpu.memory_space<vmem_shared>>) target_semaphore(%arg16 : memref<!tpu.dma_semaphore, #tpu.memory_space<semaphore_mem>>)
      } else {
      }
      %gt3A_260 = arith.constant 0 : i32
      %gt3A_261 = arith.cmpi sgt, %add3A_246, %gt3A_260 : i32
      %convert_element_type3A_262 = arith.extui %gt3A_261 : i1 to i32
      %cond3A_263 = arith.constant 0 : i32
      %cond3A_264 = arith.cmpi ne, %convert_element_type3A_262, %cond3A_263 : i32
      scf.if %cond3A_264 {
        %scan3A_425 = arith.constant 0 : i32
        %scan3A_426 = arith.constant 0 : i32
        %scan3A_427 = arith.constant 4 : i32
        %scan3A_428 = arith.addi %scan3A_426, %scan3A_427 : i32
        %scan3A_429 = arith.constant 1 : i32
        scf.for %scan3A_431 = %scan3A_426 to %scan3A_428 step %scan3A_429  : i32 {
          %dma_wait3A_432 = arith.constant 0 : i32
          %dma_wait3A_433 = tpu.memref_slice %arg9[%dma_wait3A_432] : memref<16384xf32, #tpu.memory_space<vmem>> -> memref<4096xf32, #tpu.memory_space<vmem>>
          %dma_wait3A_434 = arith.constant 0 : i32
          %dma_wait3A_435 = tpu.memref_slice %arg4[%add3A_249, %dma_wait3A_434] : memref<832x16384xf32, #tpu.memory_space<hbm>> -> memref<1x4096xf32, #tpu.memory_space<hbm>>
          %dma_wait3A_436 = tpu.memref_squeeze %dma_wait3A_435 : memref<1x4096xf32, #tpu.memory_space<hbm>> -> memref<4096xf32, #tpu.memory_space<hbm>>
          %dma_wait3A_437 = arith.constant 0 : i32
          %dma_wait3A_438 = tpu.memref_slice %arg4[%add3A_249, %dma_wait3A_437] : memref<832x16384xf32, #tpu.memory_space<hbm>> -> memref<1x4096xf32, #tpu.memory_space<hbm>>
          %dma_wait3A_439 = tpu.memref_squeeze %dma_wait3A_438 : memref<1x4096xf32, #tpu.memory_space<hbm>> -> memref<4096xf32, #tpu.memory_space<hbm>>
          %dma_wait3A_440 = arith.constant 0 : i32
          %dma_wait3A_441 = tpu.memref_slice %arg9[%dma_wait3A_440] : memref<16384xf32, #tpu.memory_space<vmem>> -> memref<4096xf32, #tpu.memory_space<vmem>>
          tpu.wait_dma2 semaphore(%arg15 : memref<!tpu.dma_semaphore, #tpu.memory_space<semaphore_mem>>) src(%dma_wait3A_441 : memref<4096xf32, #tpu.memory_space<vmem>>) dst(%dma_wait3A_439 : memref<4096xf32, #tpu.memory_space<hbm>>)
        }
        %scan3A_430 = arith.constant 4 : i32
      } else {
      }
      %dma_wait3A_265 = arith.constant 0 : i32
      %dma_wait3A_266 = tpu.memref_slice %arg2[%add3A_249, %dma_wait3A_265] : memref<832x100000xf32, #tpu.memory_space<hbm>> -> memref<1x49920xf32, #tpu.memory_space<hbm>>
      %dma_wait3A_267 = tpu.memref_squeeze %dma_wait3A_266 : memref<1x49920xf32, #tpu.memory_space<hbm>> -> memref<49920xf32, #tpu.memory_space<hbm>>
      %dma_wait3A_268 = arith.constant 0 : i32
      %dma_wait3A_269 = tpu.memref_slice %arg2[%add3A_249, %dma_wait3A_268] : memref<832x100000xf32, #tpu.memory_space<hbm>> -> memref<1x49920xf32, #tpu.memory_space<hbm>>
      %dma_wait3A_270 = tpu.memref_squeeze %dma_wait3A_269 : memref<1x49920xf32, #tpu.memory_space<hbm>> -> memref<49920xf32, #tpu.memory_space<hbm>>
      tpu.wait_dma2 semaphore(%arg12 : memref<!tpu.dma_semaphore, #tpu.memory_space<semaphore_mem>>) src(%dma_wait3A_270 : memref<49920xf32, #tpu.memory_space<hbm>>) dst(%arg5 : memref<49920xf32, #tpu.memory_space<vmem>>)
      %dma_wait3A_271 = arith.constant 0 : i32
      %dma_wait3A_272 = tpu.memref_slice %arg11[%dma_wait3A_271] : memref<16384xi32, #tpu.memory_space<vmem_shared>> -> memref<4096xi32, #tpu.memory_space<vmem_shared>>
      %dma_wait3A_273 = arith.constant 0 : i32
      %dma_wait3A_274 = tpu.memref_slice %arg11[%dma_wait3A_273] : memref<16384xi32, #tpu.memory_space<vmem_shared>> -> memref<4096xi32, #tpu.memory_space<vmem_shared>>
      tpu.wait_dma2 semaphore(%arg14 : memref<!tpu.dma_semaphore, #tpu.memory_space<semaphore_mem>>) src(%dma_wait3A_274 : memref<4096xi32, #tpu.memory_space<vmem_shared>>) dst(%arg7 : memref<4096xi32, #tpu.memory_space<vmem>>)
      %dma_start3A_275 = arith.constant 4096 : i32
      %dma_start3A_276 = tpu.memref_slice %arg11[%dma_start3A_275] : memref<16384xi32, #tpu.memory_space<vmem_shared>> -> memref<4096xi32, #tpu.memory_space<vmem_shared>>
      %dma_start3A_277 = arith.constant 4096 : i32
      %dma_start3A_278 = tpu.memref_slice %arg11[%dma_start3A_277] : memref<16384xi32, #tpu.memory_space<vmem_shared>> -> memref<4096xi32, #tpu.memory_space<vmem_shared>>
      tpu.enqueue_dma source(%dma_start3A_278 : memref<4096xi32, #tpu.memory_space<vmem_shared>>) target(%arg8 : memref<4096xi32, #tpu.memory_space<vmem>>) target_semaphore(%arg14 : memref<!tpu.dma_semaphore, #tpu.memory_space<semaphore_mem>>)
      %parallel_loop3A_279 = arith.constant 0 : i32
      %parallel_loop3A_280 = arith.constant 4096 : i32
      %parallel_loop3A_281 = arith.constant 16 : i32
      scf.for %parallel_loop3A_425 = %parallel_loop3A_279 to %parallel_loop3A_280 step %parallel_loop3A_281  : i32 {
        %parallel_loop3A_426 = arith.index_cast %parallel_loop3A_425 : i32 to index
        %parallel_loop3A_427 = tpu.vector_load %arg7[%parallel_loop3A_426] {strides = array<i32>} : memref<4096xi32, #tpu.memory_space<vmem>>, vector<16xi32>,
        %parallel_loop3A_428 = arith.constant 0 : i32
        %parallel_loop3A_429 = arith.addi %parallel_loop3A_428, %parallel_loop3A_425 : i32
        %parallel_loop3A_430 = arith.constant 49919 : i32
        %parallel_loop3A_431 = vector.broadcast %parallel_loop3A_430 : i32 to vector<16xi32>
        %parallel_loop3A_432 = arith.minsi %parallel_loop3A_427, %parallel_loop3A_431 : vector<16xi32>
        %parallel_loop3A_433 = tpu.vector_load_idx %arg5[%parallel_loop3A_432] : memref<49920xf32, #tpu.memory_space<vmem>>[vector<16xi32>], vector<16xf32>,
        %parallel_loop3A_434 = arith.index_cast %parallel_loop3A_429 : i32 to index
        %parallel_loop3A_435 = tpu.vector_load %arg9[%parallel_loop3A_434] {strides = array<i32>} : memref<16384xf32, #tpu.memory_space<vmem>>, vector<16xf32>,
        tpu.vector_store %arg9[%parallel_loop3A_434], %parallel_loop3A_433 {strides = array<i32>} : memref<16384xf32, #tpu.memory_space<vmem>>, vector<16xf32>,
      } {sc.loop_unroll_factor = 8 : i64, sc.parallel_access}
      %dma_wait3A_282 = arith.constant 0 : i32
      %dma_wait3A_283 = tpu.memref_slice %arg11[%dma_wait3A_282] : memref<16384xi32, #tpu.memory_space<vmem_shared>> -> memref<4096xi32, #tpu.memory_space<vmem_shared>>
      %dma_wait3A_284 = arith.constant 0 : i32
      %dma_wait3A_285 = tpu.memref_slice %arg11[%dma_wait3A_284] : memref<16384xi32, #tpu.memory_space<vmem_shared>> -> memref<4096xi32, #tpu.memory_space<vmem_shared>>
      tpu.wait_dma2 semaphore(%arg14 : memref<!tpu.dma_semaphore, #tpu.memory_space<semaphore_mem>>) src(%dma_wait3A_285 : memref<4096xi32, #tpu.memory_space<vmem_shared>>) dst(%arg8 : memref<4096xi32, #tpu.memory_space<vmem>>)
      %dma_start3A_286 = arith.constant 8192 : i32
      %dma_start3A_287 = tpu.memref_slice %arg11[%dma_start3A_286] : memref<16384xi32, #tpu.memory_space<vmem_shared>> -> memref<4096xi32, #tpu.memory_space<vmem_shared>>
      %dma_start3A_288 = arith.constant 8192 : i32
      %dma_start3A_289 = tpu.memref_slice %arg11[%dma_start3A_288] : memref<16384xi32, #tpu.memory_space<vmem_shared>> -> memref<4096xi32, #tpu.memory_space<vmem_shared>>
      tpu.enqueue_dma source(%dma_start3A_289 : memref<4096xi32, #tpu.memory_space<vmem_shared>>) target(%arg7 : memref<4096xi32, #tpu.memory_space<vmem>>) target_semaphore(%arg14 : memref<!tpu.dma_semaphore, #tpu.memory_space<semaphore_mem>>)
      %parallel_loop3A_290 = arith.constant 0 : i32
      %parallel_loop3A_291 = arith.constant 4096 : i32
      %parallel_loop3A_292 = arith.constant 16 : i32
      scf.for %parallel_loop3A_425 = %parallel_loop3A_290 to %parallel_loop3A_291 step %parallel_loop3A_292  : i32 {
        %parallel_loop3A_426 = arith.index_cast %parallel_loop3A_425 : i32 to index
        %parallel_loop3A_427 = tpu.vector_load %arg8[%parallel_loop3A_426] {strides = array<i32>} : memref<4096xi32, #tpu.memory_space<vmem>>, vector<16xi32>,
        %parallel_loop3A_428 = arith.constant 4096 : i32
        %parallel_loop3A_429 = arith.addi %parallel_loop3A_428, %parallel_loop3A_425 : i32
        %parallel_loop3A_430 = arith.constant 49919 : i32
        %parallel_loop3A_431 = vector.broadcast %parallel_loop3A_430 : i32 to vector<16xi32>
        %parallel_loop3A_432 = arith.minsi %parallel_loop3A_427, %parallel_loop3A_431 : vector<16xi32>
        %parallel_loop3A_433 = tpu.vector_load_idx %arg5[%parallel_loop3A_432] : memref<49920xf32, #tpu.memory_space<vmem>>[vector<16xi32>], vector<16xf32>,
        %parallel_loop3A_434 = arith.index_cast %parallel_loop3A_429 : i32 to index
        %parallel_loop3A_435 = tpu.vector_load %arg9[%parallel_loop3A_434] {strides = array<i32>} : memref<16384xf32, #tpu.memory_space<vmem>>, vector<16xf32>,
        tpu.vector_store %arg9[%parallel_loop3A_434], %parallel_loop3A_433 {strides = array<i32>} : memref<16384xf32, #tpu.memory_space<vmem>>, vector<16xf32>,
      } {sc.loop_unroll_factor = 8 : i64, sc.parallel_access}
      %dma_wait3A_293 = arith.constant 0 : i32
      %dma_wait3A_294 = tpu.memref_slice %arg11[%dma_wait3A_293] : memref<16384xi32, #tpu.memory_space<vmem_shared>> -> memref<4096xi32, #tpu.memory_space<vmem_shared>>
      %dma_wait3A_295 = arith.constant 0 : i32
      %dma_wait3A_296 = tpu.memref_slice %arg11[%dma_wait3A_295] : memref<16384xi32, #tpu.memory_space<vmem_shared>> -> memref<4096xi32, #tpu.memory_space<vmem_shared>>
      tpu.wait_dma2 semaphore(%arg14 : memref<!tpu.dma_semaphore, #tpu.memory_space<semaphore_mem>>) src(%dma_wait3A_296 : memref<4096xi32, #tpu.memory_space<vmem_shared>>) dst(%arg7 : memref<4096xi32, #tpu.memory_space<vmem>>)
      %dma_start3A_297 = arith.constant 12288 : i32
      %dma_start3A_298 = tpu.memref_slice %arg11[%dma_start3A_297] : memref<16384xi32, #tpu.memory_space<vmem_shared>> -> memref<4096xi32, #tpu.memory_space<vmem_shared>>
      %dma_start3A_299 = arith.constant 12288 : i32
      %dma_start3A_300 = tpu.memref_slice %arg11[%dma_start3A_299] : memref<16384xi32, #tpu.memory_space<vmem_shared>> -> memref<4096xi32, #tpu.memory_space<vmem_shared>>
      tpu.enqueue_dma source(%dma_start3A_300 : memref<4096xi32, #tpu.memory_space<vmem_shared>>) target(%arg8 : memref<4096xi32, #tpu.memory_space<vmem>>) target_semaphore(%arg14 : memref<!tpu.dma_semaphore, #tpu.memory_space<semaphore_mem>>)
      %parallel_loop3A_301 = arith.constant 0 : i32
      %parallel_loop3A_302 = arith.constant 4096 : i32
      %parallel_loop3A_303 = arith.constant 16 : i32
      scf.for %parallel_loop3A_425 = %parallel_loop3A_301 to %parallel_loop3A_302 step %parallel_loop3A_303  : i32 {
        %parallel_loop3A_426 = arith.index_cast %parallel_loop3A_425 : i32 to index
        %parallel_loop3A_427 = tpu.vector_load %arg7[%parallel_loop3A_426] {strides = array<i32>} : memref<4096xi32, #tpu.memory_space<vmem>>, vector<16xi32>,
        %parallel_loop3A_428 = arith.constant 8192 : i32
        %parallel_loop3A_429 = arith.addi %parallel_loop3A_428, %parallel_loop3A_425 : i32
        %parallel_loop3A_430 = arith.constant 49919 : i32
        %parallel_loop3A_431 = vector.broadcast %parallel_loop3A_430 : i32 to vector<16xi32>
        %parallel_loop3A_432 = arith.minsi %parallel_loop3A_427, %parallel_loop3A_431 : vector<16xi32>
        %parallel_loop3A_433 = tpu.vector_load_idx %arg5[%parallel_loop3A_432] : memref<49920xf32, #tpu.memory_space<vmem>>[vector<16xi32>], vector<16xf32>,
        %parallel_loop3A_434 = arith.index_cast %parallel_loop3A_429 : i32 to index
        %parallel_loop3A_435 = tpu.vector_load %arg9[%parallel_loop3A_434] {strides = array<i32>} : memref<16384xf32, #tpu.memory_space<vmem>>, vector<16xf32>,
        tpu.vector_store %arg9[%parallel_loop3A_434], %parallel_loop3A_433 {strides = array<i32>} : memref<16384xf32, #tpu.memory_space<vmem>>, vector<16xf32>,
      } {sc.loop_unroll_factor = 8 : i64, sc.parallel_access}
      %dma_wait3A_304 = arith.constant 0 : i32
      %dma_wait3A_305 = tpu.memref_slice %arg11[%dma_wait3A_304] : memref<16384xi32, #tpu.memory_space<vmem_shared>> -> memref<4096xi32, #tpu.memory_space<vmem_shared>>
      %dma_wait3A_306 = arith.constant 0 : i32
      %dma_wait3A_307 = tpu.memref_slice %arg11[%dma_wait3A_306] : memref<16384xi32, #tpu.memory_space<vmem_shared>> -> memref<4096xi32, #tpu.memory_space<vmem_shared>>
      tpu.wait_dma2 semaphore(%arg14 : memref<!tpu.dma_semaphore, #tpu.memory_space<semaphore_mem>>) src(%dma_wait3A_307 : memref<4096xi32, #tpu.memory_space<vmem_shared>>) dst(%arg8 : memref<4096xi32, #tpu.memory_space<vmem>>)
      %dma_start3A_308 = arith.constant 0 : i32
      %dma_start3A_309 = tpu.memref_slice %arg11[%dma_start3A_308] : memref<16384xi32, #tpu.memory_space<vmem_shared>> -> memref<4096xi32, #tpu.memory_space<vmem_shared>>
      %dma_start3A_310 = arith.constant 0 : i32
      %dma_start3A_311 = tpu.memref_slice %arg11[%dma_start3A_310] : memref<16384xi32, #tpu.memory_space<vmem_shared>> -> memref<4096xi32, #tpu.memory_space<vmem_shared>>
      tpu.enqueue_dma source(%dma_start3A_311 : memref<4096xi32, #tpu.memory_space<vmem_shared>>) target(%arg7 : memref<4096xi32, #tpu.memory_space<vmem>>) target_semaphore(%arg14 : memref<!tpu.dma_semaphore, #tpu.memory_space<semaphore_mem>>)
      %parallel_loop3A_312 = arith.constant 0 : i32
      %parallel_loop3A_313 = arith.constant 4096 : i32
      %parallel_loop3A_314 = arith.constant 16 : i32
      scf.for %parallel_loop3A_425 = %parallel_loop3A_312 to %parallel_loop3A_313 step %parallel_loop3A_314  : i32 {
        %parallel_loop3A_426 = arith.index_cast %parallel_loop3A_425 : i32 to index
        %parallel_loop3A_427 = tpu.vector_load %arg8[%parallel_loop3A_426] {strides = array<i32>} : memref<4096xi32, #tpu.memory_space<vmem>>, vector<16xi32>,
        %parallel_loop3A_428 = arith.constant 12288 : i32
        %parallel_loop3A_429 = arith.addi %parallel_loop3A_428, %parallel_loop3A_425 : i32
        %parallel_loop3A_430 = arith.constant 49919 : i32
        %parallel_loop3A_431 = vector.broadcast %parallel_loop3A_430 : i32 to vector<16xi32>
        %parallel_loop3A_432 = arith.minsi %parallel_loop3A_427, %parallel_loop3A_431 : vector<16xi32>
        %parallel_loop3A_433 = tpu.vector_load_idx %arg5[%parallel_loop3A_432] : memref<49920xf32, #tpu.memory_space<vmem>>[vector<16xi32>], vector<16xf32>,
        %parallel_loop3A_434 = arith.index_cast %parallel_loop3A_429 : i32 to index
        %parallel_loop3A_435 = tpu.vector_load %arg9[%parallel_loop3A_434] {strides = array<i32>} : memref<16384xf32, #tpu.memory_space<vmem>>, vector<16xf32>,
        tpu.vector_store %arg9[%parallel_loop3A_434], %parallel_loop3A_433 {strides = array<i32>} : memref<16384xf32, #tpu.memory_space<vmem>>, vector<16xf32>,
      } {sc.loop_unroll_factor = 8 : i64, sc.parallel_access}
      %lt3A_315 = arith.constant 25 : i32
      %lt3A_316 = arith.cmpi slt, %add3A_246, %lt3A_315 : i32
      %convert_element_type3A_317 = arith.extui %lt3A_316 : i1 to i32
      %cond3A_318 = arith.constant 0 : i32
      %cond3A_319 = arith.cmpi ne, %convert_element_type3A_317, %cond3A_318 : i32
      scf.if %cond3A_319 {
        %dma_start3A_425 = arith.constant 0 : i32
        %dma_start3A_426 = tpu.memref_slice %arg2[%add3A_251, %dma_start3A_425] : memref<832x100000xf32, #tpu.memory_space<hbm>> -> memref<1x49920xf32, #tpu.memory_space<hbm>>
        %dma_start3A_427 = tpu.memref_squeeze %dma_start3A_426 : memref<1x49920xf32, #tpu.memory_space<hbm>> -> memref<49920xf32, #tpu.memory_space<hbm>>
        %dma_start3A_428 = arith.constant 0 : i32
        %dma_start3A_429 = tpu.memref_slice %arg2[%add3A_251, %dma_start3A_428] : memref<832x100000xf32, #tpu.memory_space<hbm>> -> memref<1x49920xf32, #tpu.memory_space<hbm>>
        %dma_start3A_430 = tpu.memref_squeeze %dma_start3A_429 : memref<1x49920xf32, #tpu.memory_space<hbm>> -> memref<49920xf32, #tpu.memory_space<hbm>>
        tpu.enqueue_dma source(%dma_start3A_430 : memref<49920xf32, #tpu.memory_space<hbm>>) target(%arg5 : memref<49920xf32, #tpu.memory_space<vmem>>) target_semaphore(%arg12 : memref<!tpu.dma_semaphore, #tpu.memory_space<semaphore_mem>>)
      } else {
      }
      %dma_wait3A_320 = arith.constant 49920 : i32
      %dma_wait3A_321 = tpu.memref_slice %arg2[%add3A_249, %dma_wait3A_320] : memref<832x100000xf32, #tpu.memory_space<hbm>> -> memref<1x50080xf32, #tpu.memory_space<hbm>>
      %dma_wait3A_322 = tpu.memref_squeeze %dma_wait3A_321 : memref<1x50080xf32, #tpu.memory_space<hbm>> -> memref<50080xf32, #tpu.memory_space<hbm>>
      %dma_wait3A_323 = arith.constant 49920 : i32
      %dma_wait3A_324 = tpu.memref_slice %arg2[%add3A_249, %dma_wait3A_323] : memref<832x100000xf32, #tpu.memory_space<hbm>> -> memref<1x50080xf32, #tpu.memory_space<hbm>>
      %dma_wait3A_325 = tpu.memref_squeeze %dma_wait3A_324 : memref<1x50080xf32, #tpu.memory_space<hbm>> -> memref<50080xf32, #tpu.memory_space<hbm>>
      tpu.wait_dma2 semaphore(%arg13 : memref<!tpu.dma_semaphore, #tpu.memory_space<semaphore_mem>>) src(%dma_wait3A_325 : memref<50080xf32, #tpu.memory_space<hbm>>) dst(%arg6 : memref<50080xf32, #tpu.memory_space<vmem>>)
      %dma_wait3A_326 = arith.constant 0 : i32
      %dma_wait3A_327 = tpu.memref_slice %arg11[%dma_wait3A_326] : memref<16384xi32, #tpu.memory_space<vmem_shared>> -> memref<4096xi32, #tpu.memory_space<vmem_shared>>
      %dma_wait3A_328 = arith.constant 0 : i32
      %dma_wait3A_329 = tpu.memref_slice %arg11[%dma_wait3A_328] : memref<16384xi32, #tpu.memory_space<vmem_shared>> -> memref<4096xi32, #tpu.memory_space<vmem_shared>>
      tpu.wait_dma2 semaphore(%arg14 : memref<!tpu.dma_semaphore, #tpu.memory_space<semaphore_mem>>) src(%dma_wait3A_329 : memref<4096xi32, #tpu.memory_space<vmem_shared>>) dst(%arg7 : memref<4096xi32, #tpu.memory_space<vmem>>)
      %dma_start3A_330 = arith.constant 4096 : i32
      %dma_start3A_331 = tpu.memref_slice %arg11[%dma_start3A_330] : memref<16384xi32, #tpu.memory_space<vmem_shared>> -> memref<4096xi32, #tpu.memory_space<vmem_shared>>
      %dma_start3A_332 = arith.constant 4096 : i32
      %dma_start3A_333 = tpu.memref_slice %arg11[%dma_start3A_332] : memref<16384xi32, #tpu.memory_space<vmem_shared>> -> memref<4096xi32, #tpu.memory_space<vmem_shared>>
      tpu.enqueue_dma source(%dma_start3A_333 : memref<4096xi32, #tpu.memory_space<vmem_shared>>) target(%arg8 : memref<4096xi32, #tpu.memory_space<vmem>>) target_semaphore(%arg14 : memref<!tpu.dma_semaphore, #tpu.memory_space<semaphore_mem>>)
      %parallel_loop3A_334 = arith.constant 0 : i32
      %parallel_loop3A_335 = arith.constant 4096 : i32
      %parallel_loop3A_336 = arith.constant 16 : i32
      scf.for %parallel_loop3A_425 = %parallel_loop3A_334 to %parallel_loop3A_335 step %parallel_loop3A_336  : i32 {
        %parallel_loop3A_426 = arith.index_cast %parallel_loop3A_425 : i32 to index
        %parallel_loop3A_427 = tpu.vector_load %arg7[%parallel_loop3A_426] {strides = array<i32>} : memref<4096xi32, #tpu.memory_space<vmem>>, vector<16xi32>,
        %parallel_loop3A_428 = arith.constant 49920 : i32
        %parallel_loop3A_429 = vector.broadcast %parallel_loop3A_428 : i32 to vector<16xi32>
        %parallel_loop3A_430 = arith.subi %parallel_loop3A_427, %parallel_loop3A_429 : vector<16xi32>
        %parallel_loop3A_431 = arith.constant 0 : i32
        %parallel_loop3A_432 = vector.broadcast %parallel_loop3A_431 : i32 to vector<16xi32>
        %parallel_loop3A_433 = arith.maxsi %parallel_loop3A_430, %parallel_loop3A_432 : vector<16xi32>
        %parallel_loop3A_434 = tpu.vector_load_idx %arg6[%parallel_loop3A_433] : memref<50080xf32, #tpu.memory_space<vmem>>[vector<16xi32>], vector<16xf32>,
        %parallel_loop3A_435 = arith.constant 0 : i32
        %parallel_loop3A_436 = arith.addi %parallel_loop3A_435, %parallel_loop3A_425 : i32
        %parallel_loop3A_437 = vector.broadcast %parallel_loop3A_436 : i32 to vector<16xi32>
        %parallel_loop3A_438 = arith.addi %iota3A, %parallel_loop3A_437 : vector<16xi32>
        %parallel_loop3A_439 = arith.constant 49920 : i32
        %parallel_loop3A_440 = vector.broadcast %parallel_loop3A_439 : i32 to vector<16xi32>
        %parallel_loop3A_441 = arith.cmpi sge, %parallel_loop3A_427, %parallel_loop3A_440 : vector<16xi32>
        tpu.vector_store_idx %arg9[%parallel_loop3A_438], %parallel_loop3A_434 masked %parallel_loop3A_441 : memref<16384xf32, #tpu.memory_space<vmem>>[vector<16xi32>], vector<16xf32>, vector<16xi1>
      } {sc.loop_unroll_factor = 8 : i64, sc.parallel_access}
      %dma_start3A_337 = arith.constant 0 : i32
      %dma_start3A_338 = tpu.memref_slice %arg9[%dma_start3A_337] : memref<16384xf32, #tpu.memory_space<vmem>> -> memref<4096xf32, #tpu.memory_space<vmem>>
      %dma_start3A_339 = arith.constant 0 : i32
      %dma_start3A_340 = tpu.memref_slice %arg4[%add3A_249, %dma_start3A_339] : memref<832x16384xf32, #tpu.memory_space<hbm>> -> memref<1x4096xf32, #tpu.memory_space<hbm>>
      %dma_start3A_341 = tpu.memref_squeeze %dma_start3A_340 : memref<1x4096xf32, #tpu.memory_space<hbm>> -> memref<4096xf32, #tpu.memory_space<hbm>>
      %dma_start3A_342 = arith.constant 0 : i32
      %dma_start3A_343 = tpu.memref_slice %arg4[%add3A_249, %dma_start3A_342] : memref<832x16384xf32, #tpu.memory_space<hbm>> -> memref<1x4096xf32, #tpu.memory_space<hbm>>
      %dma_start3A_344 = tpu.memref_squeeze %dma_start3A_343 : memref<1x4096xf32, #tpu.memory_space<hbm>> -> memref<4096xf32, #tpu.memory_space<hbm>>
      %dma_start3A_345 = arith.constant 0 : i32
      %dma_start3A_346 = tpu.memref_slice %arg9[%dma_start3A_345] : memref<16384xf32, #tpu.memory_space<vmem>> -> memref<4096xf32, #tpu.memory_space<vmem>>
      tpu.enqueue_dma source(%dma_start3A_346 : memref<4096xf32, #tpu.memory_space<vmem>>) target(%dma_start3A_344 : memref<4096xf32, #tpu.memory_space<hbm>>) target_semaphore(%arg15 : memref<!tpu.dma_semaphore, #tpu.memory_space<semaphore_mem>>)
      %dma_wait3A_347 = arith.constant 0 : i32
      %dma_wait3A_348 = tpu.memref_slice %arg11[%dma_wait3A_347] : memref<16384xi32, #tpu.memory_space<vmem_shared>> -> memref<4096xi32, #tpu.memory_space<vmem_shared>>
      %dma_wait3A_349 = arith.constant 0 : i32
      %dma_wait3A_350 = tpu.memref_slice %arg11[%dma_wait3A_349] : memref<16384xi32, #tpu.memory_space<vmem_shared>> -> memref<4096xi32, #tpu.memory_space<vmem_shared>>
      tpu.wait_dma2 semaphore(%arg14 : memref<!tpu.dma_semaphore, #tpu.memory_space<semaphore_mem>>) src(%dma_wait3A_350 : memref<4096xi32, #tpu.memory_space<vmem_shared>>) dst(%arg8 : memref<4096xi32, #tpu.memory_space<vmem>>)
      %dma_start3A_351 = arith.constant 8192 : i32
      %dma_start3A_352 = tpu.memref_slice %arg11[%dma_start3A_351] : memref<16384xi32, #tpu.memory_space<vmem_shared>> -> memref<4096xi32, #tpu.memory_space<vmem_shared>>
      %dma_start3A_353 = arith.constant 8192 : i32
      %dma_start3A_354 = tpu.memref_slice %arg11[%dma_start3A_353] : memref<16384xi32, #tpu.memory_space<vmem_shared>> -> memref<4096xi32, #tpu.memory_space<vmem_shared>>
      tpu.enqueue_dma source(%dma_start3A_354 : memref<4096xi32, #tpu.memory_space<vmem_shared>>) target(%arg7 : memref<4096xi32, #tpu.memory_space<vmem>>) target_semaphore(%arg14 : memref<!tpu.dma_semaphore, #tpu.memory_space<semaphore_mem>>)
      %parallel_loop3A_355 = arith.constant 0 : i32
      %parallel_loop3A_356 = arith.constant 4096 : i32
      %parallel_loop3A_357 = arith.constant 16 : i32
      scf.for %parallel_loop3A_425 = %parallel_loop3A_355 to %parallel_loop3A_356 step %parallel_loop3A_357  : i32 {
        %parallel_loop3A_426 = arith.index_cast %parallel_loop3A_425 : i32 to index
        %parallel_loop3A_427 = tpu.vector_load %arg8[%parallel_loop3A_426] {strides = array<i32>} : memref<4096xi32, #tpu.memory_space<vmem>>, vector<16xi32>,
        %parallel_loop3A_428 = arith.constant 49920 : i32
        %parallel_loop3A_429 = vector.broadcast %parallel_loop3A_428 : i32 to vector<16xi32>
        %parallel_loop3A_430 = arith.subi %parallel_loop3A_427, %parallel_loop3A_429 : vector<16xi32>
        %parallel_loop3A_431 = arith.constant 0 : i32
        %parallel_loop3A_432 = vector.broadcast %parallel_loop3A_431 : i32 to vector<16xi32>
        %parallel_loop3A_433 = arith.maxsi %parallel_loop3A_430, %parallel_loop3A_432 : vector<16xi32>
        %parallel_loop3A_434 = tpu.vector_load_idx %arg6[%parallel_loop3A_433] : memref<50080xf32, #tpu.memory_space<vmem>>[vector<16xi32>], vector<16xf32>,
        %parallel_loop3A_435 = arith.constant 4096 : i32
        %parallel_loop3A_436 = arith.addi %parallel_loop3A_435, %parallel_loop3A_425 : i32
        %parallel_loop3A_437 = vector.broadcast %parallel_loop3A_436 : i32 to vector<16xi32>
        %parallel_loop3A_438 = arith.addi %iota3A, %parallel_loop3A_437 : vector<16xi32>
        %parallel_loop3A_439 = arith.constant 49920 : i32
        %parallel_loop3A_440 = vector.broadcast %parallel_loop3A_439 : i32 to vector<16xi32>
        %parallel_loop3A_441 = arith.cmpi sge, %parallel_loop3A_427, %parallel_loop3A_440 : vector<16xi32>
        tpu.vector_store_idx %arg9[%parallel_loop3A_438], %parallel_loop3A_434 masked %parallel_loop3A_441 : memref<16384xf32, #tpu.memory_space<vmem>>[vector<16xi32>], vector<16xf32>, vector<16xi1>
      } {sc.loop_unroll_factor = 8 : i64, sc.parallel_access}
      %dma_start3A_358 = arith.constant 4096 : i32
      %dma_start3A_359 = tpu.memref_slice %arg9[%dma_start3A_358] : memref<16384xf32, #tpu.memory_space<vmem>> -> memref<4096xf32, #tpu.memory_space<vmem>>
      %dma_start3A_360 = arith.constant 4096 : i32
      %dma_start3A_361 = tpu.memref_slice %arg4[%add3A_249, %dma_start3A_360] : memref<832x16384xf32, #tpu.memory_space<hbm>> -> memref<1x4096xf32, #tpu.memory_space<hbm>>
      %dma_start3A_362 = tpu.memref_squeeze %dma_start3A_361 : memref<1x4096xf32, #tpu.memory_space<hbm>> -> memref<4096xf32, #tpu.memory_space<hbm>>
      %dma_start3A_363 = arith.constant 4096 : i32
      %dma_start3A_364 = tpu.memref_slice %arg4[%add3A_249, %dma_start3A_363] : memref<832x16384xf32, #tpu.memory_space<hbm>> -> memref<1x4096xf32, #tpu.memory_space<hbm>>
      %dma_start3A_365 = tpu.memref_squeeze %dma_start3A_364 : memref<1x4096xf32, #tpu.memory_space<hbm>> -> memref<4096xf32, #tpu.memory_space<hbm>>
      %dma_start3A_366 = arith.constant 4096 : i32
      %dma_start3A_367 = tpu.memref_slice %arg9[%dma_start3A_366] : memref<16384xf32, #tpu.memory_space<vmem>> -> memref<4096xf32, #tpu.memory_space<vmem>>
      tpu.enqueue_dma source(%dma_start3A_367 : memref<4096xf32, #tpu.memory_space<vmem>>) target(%dma_start3A_365 : memref<4096xf32, #tpu.memory_space<hbm>>) target_semaphore(%arg15 : memref<!tpu.dma_semaphore, #tpu.memory_space<semaphore_mem>>)
      %dma_wait3A_368 = arith.constant 0 : i32
      %dma_wait3A_369 = tpu.memref_slice %arg11[%dma_wait3A_368] : memref<16384xi32, #tpu.memory_space<vmem_shared>> -> memref<4096xi32, #tpu.memory_space<vmem_shared>>
      %dma_wait3A_370 = arith.constant 0 : i32
      %dma_wait3A_371 = tpu.memref_slice %arg11[%dma_wait3A_370] : memref<16384xi32, #tpu.memory_space<vmem_shared>> -> memref<4096xi32, #tpu.memory_space<vmem_shared>>
      tpu.wait_dma2 semaphore(%arg14 : memref<!tpu.dma_semaphore, #tpu.memory_space<semaphore_mem>>) src(%dma_wait3A_371 : memref<4096xi32, #tpu.memory_space<vmem_shared>>) dst(%arg7 : memref<4096xi32, #tpu.memory_space<vmem>>)
      %dma_start3A_372 = arith.constant 12288 : i32
      %dma_start3A_373 = tpu.memref_slice %arg11[%dma_start3A_372] : memref<16384xi32, #tpu.memory_space<vmem_shared>> -> memref<4096xi32, #tpu.memory_space<vmem_shared>>
      %dma_start3A_374 = arith.constant 12288 : i32
      %dma_start3A_375 = tpu.memref_slice %arg11[%dma_start3A_374] : memref<16384xi32, #tpu.memory_space<vmem_shared>> -> memref<4096xi32, #tpu.memory_space<vmem_shared>>
      tpu.enqueue_dma source(%dma_start3A_375 : memref<4096xi32, #tpu.memory_space<vmem_shared>>) target(%arg8 : memref<4096xi32, #tpu.memory_space<vmem>>) target_semaphore(%arg14 : memref<!tpu.dma_semaphore, #tpu.memory_space<semaphore_mem>>)
      %parallel_loop3A_376 = arith.constant 0 : i32
      %parallel_loop3A_377 = arith.constant 4096 : i32
      %parallel_loop3A_378 = arith.constant 16 : i32
      scf.for %parallel_loop3A_425 = %parallel_loop3A_376 to %parallel_loop3A_377 step %parallel_loop3A_378  : i32 {
        %parallel_loop3A_426 = arith.index_cast %parallel_loop3A_425 : i32 to index
        %parallel_loop3A_427 = tpu.vector_load %arg7[%parallel_loop3A_426] {strides = array<i32>} : memref<4096xi32, #tpu.memory_space<vmem>>, vector<16xi32>,
        %parallel_loop3A_428 = arith.constant 49920 : i32
        %parallel_loop3A_429 = vector.broadcast %parallel_loop3A_428 : i32 to vector<16xi32>
        %parallel_loop3A_430 = arith.subi %parallel_loop3A_427, %parallel_loop3A_429 : vector<16xi32>
        %parallel_loop3A_431 = arith.constant 0 : i32
        %parallel_loop3A_432 = vector.broadcast %parallel_loop3A_431 : i32 to vector<16xi32>
        %parallel_loop3A_433 = arith.maxsi %parallel_loop3A_430, %parallel_loop3A_432 : vector<16xi32>
        %parallel_loop3A_434 = tpu.vector_load_idx %arg6[%parallel_loop3A_433] : memref<50080xf32, #tpu.memory_space<vmem>>[vector<16xi32>], vector<16xf32>,
        %parallel_loop3A_435 = arith.constant 8192 : i32
        %parallel_loop3A_436 = arith.addi %parallel_loop3A_435, %parallel_loop3A_425 : i32
        %parallel_loop3A_437 = vector.broadcast %parallel_loop3A_436 : i32 to vector<16xi32>
        %parallel_loop3A_438 = arith.addi %iota3A, %parallel_loop3A_437 : vector<16xi32>
        %parallel_loop3A_439 = arith.constant 49920 : i32
        %parallel_loop3A_440 = vector.broadcast %parallel_loop3A_439 : i32 to vector<16xi32>
        %parallel_loop3A_441 = arith.cmpi sge, %parallel_loop3A_427, %parallel_loop3A_440 : vector<16xi32>
        tpu.vector_store_idx %arg9[%parallel_loop3A_438], %parallel_loop3A_434 masked %parallel_loop3A_441 : memref<16384xf32, #tpu.memory_space<vmem>>[vector<16xi32>], vector<16xf32>, vector<16xi1>
      } {sc.loop_unroll_factor = 8 : i64, sc.parallel_access}
      %dma_start3A_379 = arith.constant 8192 : i32
      %dma_start3A_380 = tpu.memref_slice %arg9[%dma_start3A_379] : memref<16384xf32, #tpu.memory_space<vmem>> -> memref<4096xf32, #tpu.memory_space<vmem>>
      %dma_start3A_381 = arith.constant 8192 : i32
      %dma_start3A_382 = tpu.memref_slice %arg4[%add3A_249, %dma_start3A_381] : memref<832x16384xf32, #tpu.memory_space<hbm>> -> memref<1x4096xf32, #tpu.memory_space<hbm>>
      %dma_start3A_383 = tpu.memref_squeeze %dma_start3A_382 : memref<1x4096xf32, #tpu.memory_space<hbm>> -> memref<4096xf32, #tpu.memory_space<hbm>>
      %dma_start3A_384 = arith.constant 8192 : i32
      %dma_start3A_385 = tpu.memref_slice %arg4[%add3A_249, %dma_start3A_384] : memref<832x16384xf32, #tpu.memory_space<hbm>> -> memref<1x4096xf32, #tpu.memory_space<hbm>>
      %dma_start3A_386 = tpu.memref_squeeze %dma_start3A_385 : memref<1x4096xf32, #tpu.memory_space<hbm>> -> memref<4096xf32, #tpu.memory_space<hbm>>
      %dma_start3A_387 = arith.constant 8192 : i32
      %dma_start3A_388 = tpu.memref_slice %arg9[%dma_start3A_387] : memref<16384xf32, #tpu.memory_space<vmem>> -> memref<4096xf32, #tpu.memory_space<vmem>>
      tpu.enqueue_dma source(%dma_start3A_388 : memref<4096xf32, #tpu.memory_space<vmem>>) target(%dma_start3A_386 : memref<4096xf32, #tpu.memory_space<hbm>>) target_semaphore(%arg15 : memref<!tpu.dma_semaphore, #tpu.memory_space<semaphore_mem>>)
      %dma_wait3A_389 = arith.constant 0 : i32
      %dma_wait3A_390 = tpu.memref_slice %arg11[%dma_wait3A_389] : memref<16384xi32, #tpu.memory_space<vmem_shared>> -> memref<4096xi32, #tpu.memory_space<vmem_shared>>
      %dma_wait3A_391 = arith.constant 0 : i32
      %dma_wait3A_392 = tpu.memref_slice %arg11[%dma_wait3A_391] : memref<16384xi32, #tpu.memory_space<vmem_shared>> -> memref<4096xi32, #tpu.memory_space<vmem_shared>>
      tpu.wait_dma2 semaphore(%arg14 : memref<!tpu.dma_semaphore, #tpu.memory_space<semaphore_mem>>) src(%dma_wait3A_392 : memref<4096xi32, #tpu.memory_space<vmem_shared>>) dst(%arg8 : memref<4096xi32, #tpu.memory_space<vmem>>)
      %parallel_loop3A_393 = arith.constant 0 : i32
      %parallel_loop3A_394 = arith.constant 4096 : i32
      %parallel_loop3A_395 = arith.constant 16 : i32
      scf.for %parallel_loop3A_425 = %parallel_loop3A_393 to %parallel_loop3A_394 step %parallel_loop3A_395  : i32 {
        %parallel_loop3A_426 = arith.index_cast %parallel_loop3A_425 : i32 to index
        %parallel_loop3A_427 = tpu.vector_load %arg8[%parallel_loop3A_426] {strides = array<i32>} : memref<4096xi32, #tpu.memory_space<vmem>>, vector<16xi32>,
        %parallel_loop3A_428 = arith.constant 49920 : i32
        %parallel_loop3A_429 = vector.broadcast %parallel_loop3A_428 : i32 to vector<16xi32>
        %parallel_loop3A_430 = arith.subi %parallel_loop3A_427, %parallel_loop3A_429 : vector<16xi32>
        %parallel_loop3A_431 = arith.constant 0 : i32
        %parallel_loop3A_432 = vector.broadcast %parallel_loop3A_431 : i32 to vector<16xi32>
        %parallel_loop3A_433 = arith.maxsi %parallel_loop3A_430, %parallel_loop3A_432 : vector<16xi32>
        %parallel_loop3A_434 = tpu.vector_load_idx %arg6[%parallel_loop3A_433] : memref<50080xf32, #tpu.memory_space<vmem>>[vector<16xi32>], vector<16xf32>,
        %parallel_loop3A_435 = arith.constant 12288 : i32
        %parallel_loop3A_436 = arith.addi %parallel_loop3A_435, %parallel_loop3A_425 : i32
        %parallel_loop3A_437 = vector.broadcast %parallel_loop3A_436 : i32 to vector<16xi32>
        %parallel_loop3A_438 = arith.addi %iota3A, %parallel_loop3A_437 : vector<16xi32>
        %parallel_loop3A_439 = arith.constant 49920 : i32
        %parallel_loop3A_440 = vector.broadcast %parallel_loop3A_439 : i32 to vector<16xi32>
        %parallel_loop3A_441 = arith.cmpi sge, %parallel_loop3A_427, %parallel_loop3A_440 : vector<16xi32>
        tpu.vector_store_idx %arg9[%parallel_loop3A_438], %parallel_loop3A_434 masked %parallel_loop3A_441 : memref<16384xf32, #tpu.memory_space<vmem>>[vector<16xi32>], vector<16xf32>, vector<16xi1>
      } {sc.loop_unroll_factor = 8 : i64, sc.parallel_access}
      %dma_start3A_396 = arith.constant 12288 : i32
      %dma_start3A_397 = tpu.memref_slice %arg9[%dma_start3A_396] : memref<16384xf32, #tpu.memory_space<vmem>> -> memref<4096xf32, #tpu.memory_space<vmem>>
      %dma_start3A_398 = arith.constant 12288 : i32
      %dma_start3A_399 = tpu.memref_slice %arg4[%add3A_249, %dma_start3A_398] : memref<832x16384xf32, #tpu.memory_space<hbm>> -> memref<1x4096xf32, #tpu.memory_space<hbm>>
      %dma_start3A_400 = tpu.memref_squeeze %dma_start3A_399 : memref<1x4096xf32, #tpu.memory_space<hbm>> -> memref<4096xf32, #tpu.memory_space<hbm>>
      %dma_start3A_401 = arith.constant 12288 : i32
      %dma_start3A_402 = tpu.memref_slice %arg4[%add3A_249, %dma_start3A_401] : memref<832x16384xf32, #tpu.memory_space<hbm>> -> memref<1x4096xf32, #tpu.memory_space<hbm>>
      %dma_start3A_403 = tpu.memref_squeeze %dma_start3A_402 : memref<1x4096xf32, #tpu.memory_space<hbm>> -> memref<4096xf32, #tpu.memory_space<hbm>>
      %dma_start3A_404 = arith.constant 12288 : i32
      %dma_start3A_405 = tpu.memref_slice %arg9[%dma_start3A_404] : memref<16384xf32, #tpu.memory_space<vmem>> -> memref<4096xf32, #tpu.memory_space<vmem>>
      tpu.enqueue_dma source(%dma_start3A_405 : memref<4096xf32, #tpu.memory_space<vmem>>) target(%dma_start3A_403 : memref<4096xf32, #tpu.memory_space<hbm>>) target_semaphore(%arg15 : memref<!tpu.dma_semaphore, #tpu.memory_space<semaphore_mem>>)
      %lt3A_406 = arith.constant 25 : i32
      %lt3A_407 = arith.cmpi slt, %add3A_246, %lt3A_406 : i32
      %convert_element_type3A_408 = arith.extui %lt3A_407 : i1 to i32
      %cond3A_409 = arith.constant 0 : i32
      %cond3A_410 = arith.cmpi ne, %convert_element_type3A_408, %cond3A_409 : i32
      scf.if %cond3A_410 {
        %dma_start3A_425 = arith.constant 49920 : i32
        %dma_start3A_426 = tpu.memref_slice %arg2[%add3A_251, %dma_start3A_425] : memref<832x100000xf32, #tpu.memory_space<hbm>> -> memref<1x50080xf32, #tpu.memory_space<hbm>>
        %dma_start3A_427 = tpu.memref_squeeze %dma_start3A_426 : memref<1x50080xf32, #tpu.memory_space<hbm>> -> memref<50080xf32, #tpu.memory_space<hbm>>
        %dma_start3A_428 = arith.constant 49920 : i32
        %dma_start3A_429 = tpu.memref_slice %arg2[%add3A_251, %dma_start3A_428] : memref<832x100000xf32, #tpu.memory_space<hbm>> -> memref<1x50080xf32, #tpu.memory_space<hbm>>
        %dma_start3A_430 = tpu.memref_squeeze %dma_start3A_429 : memref<1x50080xf32, #tpu.memory_space<hbm>> -> memref<50080xf32, #tpu.memory_space<hbm>>
        tpu.enqueue_dma source(%dma_start3A_430 : memref<50080xf32, #tpu.memory_space<hbm>>) target(%arg6 : memref<50080xf32, #tpu.memory_space<vmem>>) target_semaphore(%arg13 : memref<!tpu.dma_semaphore, #tpu.memory_space<semaphore_mem>>)
      } else {
      }
      %eq3A_411 = arith.constant 0 : i32
      %eq3A_412 = arith.cmpi eq, %arg1, %eq3A_411 : i32
      %lt3A_413 = arith.constant 25 : i32
      %lt3A_414 = arith.cmpi slt, %add3A_246, %lt3A_413 : i32
      %and3A_415 = arith.andi %eq3A_412, %lt3A_414 : i1
      %convert_element_type3A_416 = arith.extui %and3A_415 : i1 to i32
      %cond3A_417 = arith.constant 0 : i32
      %cond3A_418 = arith.cmpi ne, %convert_element_type3A_416, %cond3A_417 : i32
      scf.if %cond3A_418 {
        %dma_wait3A_425 = arith.constant 0 : i32
        %dma_wait3A_426 = arith.constant 0 : i32
        %dma_wait3A_427 = tpu.memref_slice %arg3[%dma_wait3A_425, %dma_wait3A_426] : memref<26x16384xi32, #tpu.memory_space<hbm>> -> memref<1x16384xi32, #tpu.memory_space<hbm>>
        %dma_wait3A_428 = tpu.memref_squeeze %dma_wait3A_427 : memref<1x16384xi32, #tpu.memory_space<hbm>> -> memref<16384xi32, #tpu.memory_space<hbm>>
        tpu.wait_dma2 semaphore(%arg16 : memref<!tpu.dma_semaphore, #tpu.memory_space<semaphore_mem>>) src(%dma_wait3A_428 : memref<16384xi32, #tpu.memory_space<hbm>>) dst(%arg10 : memref<16384xi32, #tpu.memory_space<vmem_shared>>)
      } else {
      }
      %barrier3A_419 = arith.constant 0 : index
      tpu.barrier barrier_id(%barrier3A_419)
      %lt3A_420 = arith.constant 25 : i32
      %lt3A_421 = arith.cmpi slt, %add3A_246, %lt3A_420 : i32
      %convert_element_type3A_422 = arith.extui %lt3A_421 : i1 to i32
      %cond3A_423 = arith.constant 0 : i32
      %cond3A_424 = arith.cmpi ne, %convert_element_type3A_422, %cond3A_423 : i32
      scf.if %cond3A_424 {
        %dma_start3A_425 = arith.constant 0 : i32
        %dma_start3A_426 = tpu.memref_slice %arg10[%dma_start3A_425] : memref<16384xi32, #tpu.memory_space<vmem_shared>> -> memref<4096xi32, #tpu.memory_space<vmem_shared>>
        %dma_start3A_427 = arith.constant 0 : i32
        %dma_start3A_428 = tpu.memref_slice %arg10[%dma_start3A_427] : memref<16384xi32, #tpu.memory_space<vmem_shared>> -> memref<4096xi32, #tpu.memory_space<vmem_shared>>
        tpu.enqueue_dma source(%dma_start3A_428 : memref<4096xi32, #tpu.memory_space<vmem_shared>>) target(%arg7 : memref<4096xi32, #tpu.memory_space<vmem>>) target_semaphore(%arg14 : memref<!tpu.dma_semaphore, #tpu.memory_space<semaphore_mem>>)
      } else {
      }
    }
    %scan3A_22 = arith.constant 13 : i32
    %dma_wait3A = arith.constant 0 : i32
    %dma_wait3A_23 = arith.constant 0 : i32
    %dma_wait3A_24 = tpu.memref_slice %arg9[%dma_wait3A_23] : memref<16384xf32, #tpu.memory_space<vmem>> -> memref<4096xf32, #tpu.memory_space<vmem>>
    %dma_wait3A_25 = arith.constant 0 : i32
    %dma_wait3A_26 = tpu.memref_slice %arg4[%dma_wait3A, %dma_wait3A_25] : memref<832x16384xf32, #tpu.memory_space<hbm>> -> memref<1x4096xf32, #tpu.memory_space<hbm>>
    %dma_wait3A_27 = tpu.memref_squeeze %dma_wait3A_26 : memref<1x4096xf32, #tpu.memory_space<hbm>> -> memref<4096xf32, #tpu.memory_space<hbm>>
    %dma_wait3A_28 = arith.constant 0 : i32
    %dma_wait3A_29 = tpu.memref_slice %arg4[%dma_wait3A, %dma_wait3A_28] : memref<832x16384xf32, #tpu.memory_space<hbm>> -> memref<1x4096xf32, #tpu.memory_space<hbm>>
    %dma_wait3A_30 = tpu.memref_squeeze %dma_wait3A_29 : memref<1x4096xf32, #tpu.memory_space<hbm>> -> memref<4096xf32, #tpu.memory_space<hbm>>
    %dma_wait3A_31 = arith.constant 0 : i32
    %dma_wait3A_32 = tpu.memref_slice %arg9[%dma_wait3A_31] : memref<16384xf32, #tpu.memory_space<vmem>> -> memref<4096xf32, #tpu.memory_space<vmem>>
    tpu.wait_dma2 semaphore(%arg15 : memref<!tpu.dma_semaphore, #tpu.memory_space<semaphore_mem>>) src(%dma_wait3A_32 : memref<4096xf32, #tpu.memory_space<vmem>>) dst(%dma_wait3A_30 : memref<4096xf32, #tpu.memory_space<hbm>>)
    %dma_wait3A_33 = arith.constant 0 : i32
    %dma_wait3A_34 = arith.constant 0 : i32
    %dma_wait3A_35 = tpu.memref_slice %arg9[%dma_wait3A_34] : memref<16384xf32, #tpu.memory_space<vmem>> -> memref<4096xf32, #tpu.memory_space<vmem>>
    %dma_wait3A_36 = arith.constant 0 : i32
    %dma_wait3A_37 = tpu.memref_slice %arg4[%dma_wait3A_33, %dma_wait3A_36] : memref<832x16384xf32, #tpu.memory_space<hbm>> -> memref<1x4096xf32, #tpu.memory_space<hbm>>
    %dma_wait3A_38 = tpu.memref_squeeze %dma_wait3A_37 : memref<1x4096xf32, #tpu.memory_space<hbm>> -> memref<4096xf32, #tpu.memory_space<hbm>>
    %dma_wait3A_39 = arith.constant 0 : i32
    %dma_wait3A_40 = tpu.memref_slice %arg4[%dma_wait3A_33, %dma_wait3A_39] : memref<832x16384xf32, #tpu.memory_space<hbm>> -> memref<1x4096xf32, #tpu.memory_space<hbm>>
    %dma_wait3A_41 = tpu.memref_squeeze %dma_wait3A_40 : memref<1x4096xf32, #tpu.memory_space<hbm>> -> memref<4096xf32, #tpu.memory_space<hbm>>
    %dma_wait3A_42 = arith.constant 0 : i32
    %dma_wait3A_43 = tpu.memref_slice %arg9[%dma_wait3A_42] : memref<16384xf32, #tpu.memory_space<vmem>> -> memref<4096xf32, #tpu.memory_space<vmem>>
    tpu.wait_dma2 semaphore(%arg15 : memref<!tpu.dma_semaphore, #tpu.memory_space<semaphore_mem>>) src(%dma_wait3A_43 : memref<4096xf32, #tpu.memory_space<vmem>>) dst(%dma_wait3A_41 : memref<4096xf32, #tpu.memory_space<hbm>>)
    %dma_wait3A_44 = arith.constant 0 : i32
    %dma_wait3A_45 = arith.constant 0 : i32
    %dma_wait3A_46 = tpu.memref_slice %arg9[%dma_wait3A_45] : memref<16384xf32, #tpu.memory_space<vmem>> -> memref<4096xf32, #tpu.memory_space<vmem>>
    %dma_wait3A_47 = arith.constant 0 : i32
    %dma_wait3A_48 = tpu.memref_slice %arg4[%dma_wait3A_44, %dma_wait3A_47] : memref<832x16384xf32, #tpu.memory_space<hbm>> -> memref<1x4096xf32, #tpu.memory_space<hbm>>
    %dma_wait3A_49 = tpu.memref_squeeze %dma_wait3A_48 : memref<1x4096xf32, #tpu.memory_space<hbm>> -> memref<4096xf32, #tpu.memory_space<hbm>>
    %dma_wait3A_50 = arith.constant 0 : i32
    %dma_wait3A_51 = tpu.memref_slice %arg4[%dma_wait3A_44, %dma_wait3A_50] : memref<832x16384xf32, #tpu.memory_space<hbm>> -> memref<1x4096xf32, #tpu.memory_space<hbm>>
    %dma_wait3A_52 = tpu.memref_squeeze %dma_wait3A_51 : memref<1x4096xf32, #tpu.memory_space<hbm>> -> memref<4096xf32, #tpu.memory_space<hbm>>
    %dma_wait3A_53 = arith.constant 0 : i32
    %dma_wait3A_54 = tpu.memref_slice %arg9[%dma_wait3A_53] : memref<16384xf32, #tpu.memory_space<vmem>> -> memref<4096xf32, #tpu.memory_space<vmem>>
    tpu.wait_dma2 semaphore(%arg15 : memref<!tpu.dma_semaphore, #tpu.memory_space<semaphore_mem>>) src(%dma_wait3A_54 : memref<4096xf32, #tpu.memory_space<vmem>>) dst(%dma_wait3A_52 : memref<4096xf32, #tpu.memory_space<hbm>>)
    %dma_wait3A_55 = arith.constant 0 : i32
    %dma_wait3A_56 = arith.constant 0 : i32
    %dma_wait3A_57 = tpu.memref_slice %arg9[%dma_wait3A_56] : memref<16384xf32, #tpu.memory_space<vmem>> -> memref<4096xf32, #tpu.memory_space<vmem>>
    %dma_wait3A_58 = arith.constant 0 : i32
    %dma_wait3A_59 = tpu.memref_slice %arg4[%dma_wait3A_55, %dma_wait3A_58] : memref<832x16384xf32, #tpu.memory_space<hbm>> -> memref<1x4096xf32, #tpu.memory_space<hbm>>
    %dma_wait3A_60 = tpu.memref_squeeze %dma_wait3A_59 : memref<1x4096xf32, #tpu.memory_space<hbm>> -> memref<4096xf32, #tpu.memory_space<hbm>>
    %dma_wait3A_61 = arith.constant 0 : i32
    %dma_wait3A_62 = tpu.memref_slice %arg4[%dma_wait3A_55, %dma_wait3A_61] : memref<832x16384xf32, #tpu.memory_space<hbm>> -> memref<1x4096xf32, #tpu.memory_space<hbm>>
    %dma_wait3A_63 = tpu.memref_squeeze %dma_wait3A_62 : memref<1x4096xf32, #tpu.memory_space<hbm>> -> memref<4096xf32, #tpu.memory_space<hbm>>
    %dma_wait3A_64 = arith.constant 0 : i32
    %dma_wait3A_65 = tpu.memref_slice %arg9[%dma_wait3A_64] : memref<16384xf32, #tpu.memory_space<vmem>> -> memref<4096xf32, #tpu.memory_space<vmem>>
    tpu.wait_dma2 semaphore(%arg15 : memref<!tpu.dma_semaphore, #tpu.memory_space<semaphore_mem>>) src(%dma_wait3A_65 : memref<4096xf32, #tpu.memory_space<vmem>>) dst(%dma_wait3A_63 : memref<4096xf32, #tpu.memory_space<hbm>>)
    return
  }
}

module attributes {stable_mosaic.version = 14 : i64} {
  func.func @_mlp_body(%arg0: i32, %arg1: memref<832x2048xf32, #tpu.memory_space<vmem>>, %arg2: memref<832x32xf32, #tpu.memory_space<vmem>>, %arg3: memref<832x128xf32, #tpu.memory_space<vmem>>, %arg4: memref<128x1xf32, #tpu.memory_space<vmem>>, %arg5: memref<128x128xf32, #tpu.memory_space<vmem>>, %arg6: memref<128x1xf32, #tpu.memory_space<vmem>>, %arg7: memref<128x128xf32, #tpu.memory_space<vmem>>, %arg8: memref<128x1xf32, #tpu.memory_space<vmem>>, %arg9: memref<8x2048xf32, #tpu.memory_space<vmem>>) attributes {dimension_semantics = [#tpu.dimension_semantics<arbitrary>], iteration_bounds = array<i64: 8>, scalar_prefetch = 0 : i64, scratch_operands = 0 : i64, tpu.core_type = #tpu.core_type<tc>, window_params = [{transform_indices = @transform_0, window_bounds = array<i64: 832, 2048>}, {pipeline_mode = #tpu.pipeline_mode<synchronous>, transform_indices = @transform_1, window_bounds = array<i64: 832, 32>}, {pipeline_mode = #tpu.pipeline_mode<synchronous>, transform_indices = @transform_2, window_bounds = array<i64: 832, 128>}, {pipeline_mode = #tpu.pipeline_mode<synchronous>, transform_indices = @transform_3, window_bounds = array<i64: 128, 1>}, {pipeline_mode = #tpu.pipeline_mode<synchronous>, transform_indices = @transform_4, window_bounds = array<i64: 128, 128>}, {pipeline_mode = #tpu.pipeline_mode<synchronous>, transform_indices = @transform_5, window_bounds = array<i64: 128, 1>}, {pipeline_mode = #tpu.pipeline_mode<synchronous>, transform_indices = @transform_6, window_bounds = array<i64: 128, 128>}, {pipeline_mode = #tpu.pipeline_mode<synchronous>, transform_indices = @transform_7, window_bounds = array<i64: 128, 1>}, {transform_indices = @transform_8, window_bounds = array<i64: 8, 2048>}]} {
    %get3A = arith.constant 0 : index
    %get3A_0 = arith.constant 0 : index
    %get3A_1 = vector.load %arg1[%get3A, %get3A_0] : memref<832x2048xf32, #tpu.memory_space<vmem>>, vector<832x2048xf32>
    %get3A_2 = arith.constant 0 : index
    %get3A_3 = arith.constant 0 : index
    %get3A_4 = vector.load %arg2[%get3A_2, %get3A_3] : memref<832x32xf32, #tpu.memory_space<vmem>>, vector<832x32xf32>
    %dot_general3A = arith.constant dense<0.000000e+00> : vector<32x2048xf32>
    %dot_general3A_5 = tpu.matmul %get3A_4, %get3A_1, %dot_general3A {dimension_numbers = #tpu.dot_dimension_numbers<[0], [0], [1], [1], [0, 1, 1, 1], [], []>, transpose_lhs_hint = false} : vector<832x32xf32>, vector<832x2048xf32>, vector<32x2048xf32> -> vector<32x2048xf32>
    %mul3A = arith.mulf %dot_general3A_5, %dot_general3A_5 : vector<32x2048xf32>
    %reduce_sum3A = arith.constant dense<0.000000e+00> : vector<2048xf32>
    %reduce_sum3A_6 = vector.multi_reduction <add>, %mul3A, %reduce_sum3A [0] : vector<32x2048xf32> to vector<2048xf32>
    %broadcast_in_dim3A = vector.shape_cast %reduce_sum3A_6 : vector<2048xf32> to vector<1x2048xf32>
    %mul3A_7 = arith.mulf %get3A_1, %get3A_1 : vector<832x2048xf32>
    %reduce_sum3A_8 = arith.constant dense<0.000000e+00> : vector<2048xf32>
    %reduce_sum3A_9 = vector.multi_reduction <add>, %mul3A_7, %reduce_sum3A_8 [0] : vector<832x2048xf32> to vector<2048xf32>
    %broadcast_in_dim3A_10 = vector.shape_cast %reduce_sum3A_9 : vector<2048xf32> to vector<1x2048xf32>
    %sub3A = arith.subf %broadcast_in_dim3A, %broadcast_in_dim3A_10 : vector<1x2048xf32>
    %mul3A_11 = arith.constant 5.000000e-01 : f32
    %mul3A_12 = vector.broadcast %mul3A_11 : f32 to vector<1x2048xf32>
    %mul3A_13 = arith.mulf %mul3A_12, %sub3A : vector<1x2048xf32>
    %get3A_14 = arith.constant 0 : index
    %get3A_15 = arith.constant 0 : index
    %get3A_16 = vector.load %arg3[%get3A_14, %get3A_15] : memref<832x128xf32, #tpu.memory_space<vmem>>, vector<832x128xf32>
    %dot_general3A_17 = arith.constant dense<0.000000e+00> : vector<128x2048xf32>
    %dot_general3A_18 = tpu.matmul %get3A_16, %get3A_1, %dot_general3A_17 {dimension_numbers = #tpu.dot_dimension_numbers<[0], [0], [1], [1], [0, 1, 1, 1], [], []>, transpose_lhs_hint = false} : vector<832x128xf32>, vector<832x2048xf32>, vector<128x2048xf32> -> vector<128x2048xf32>
    %get3A_19 = arith.constant 0 : index
    %get3A_20 = arith.constant 0 : index
    %get3A_21 = vector.load %arg4[%get3A_19, %get3A_20] : memref<128x1xf32, #tpu.memory_space<vmem>>, vector<128x1xf32>
    %add3A = vector.broadcast %get3A_21 : vector<128x1xf32> to vector<128x2048xf32>
    %add3A_22 = arith.addf %dot_general3A_18, %add3A : vector<128x2048xf32>
    %max3A = arith.constant 0.000000e+00 : f32
    %max3A_23 = vector.broadcast %max3A : f32 to vector<128x2048xf32>
    %max3A_24 = arith.maximumf %add3A_22, %max3A_23 : vector<128x2048xf32>
    %get3A_25 = arith.constant 0 : index
    %get3A_26 = arith.constant 0 : index
    %get3A_27 = vector.load %arg5[%get3A_25, %get3A_26] : memref<128x128xf32, #tpu.memory_space<vmem>>, vector<128x128xf32>
    %dot_general3A_28 = arith.constant dense<0.000000e+00> : vector<128x2048xf32>
    %dot_general3A_29 = tpu.matmul %get3A_27, %max3A_24, %dot_general3A_28 {dimension_numbers = #tpu.dot_dimension_numbers<[0], [0], [1], [1], [0, 1, 1, 1], [], []>, transpose_lhs_hint = false} : vector<128x128xf32>, vector<128x2048xf32>, vector<128x2048xf32> -> vector<128x2048xf32>
    %get3A_30 = arith.constant 0 : index
    %get3A_31 = arith.constant 0 : index
    %get3A_32 = vector.load %arg6[%get3A_30, %get3A_31] : memref<128x1xf32, #tpu.memory_space<vmem>>, vector<128x1xf32>
    %add3A_33 = vector.broadcast %get3A_32 : vector<128x1xf32> to vector<128x2048xf32>
    %add3A_34 = arith.addf %dot_general3A_29, %add3A_33 : vector<128x2048xf32>
    %max3A_35 = arith.constant 0.000000e+00 : f32
    %max3A_36 = vector.broadcast %max3A_35 : f32 to vector<128x2048xf32>
    %max3A_37 = arith.maximumf %add3A_34, %max3A_36 : vector<128x2048xf32>
    %get3A_38 = arith.constant 0 : index
    %get3A_39 = arith.constant 0 : index
    %get3A_40 = vector.load %arg7[%get3A_38, %get3A_39] : memref<128x128xf32, #tpu.memory_space<vmem>>, vector<128x128xf32>
    %dot_general3A_41 = arith.constant dense<0.000000e+00> : vector<128x2048xf32>
    %dot_general3A_42 = tpu.matmul %get3A_40, %max3A_37, %dot_general3A_41 {dimension_numbers = #tpu.dot_dimension_numbers<[0], [0], [1], [1], [0, 1, 1, 1], [], []>, transpose_lhs_hint = false} : vector<128x128xf32>, vector<128x2048xf32>, vector<128x2048xf32> -> vector<128x2048xf32>
    %get3A_43 = arith.constant 0 : index
    %get3A_44 = arith.constant 0 : index
    %get3A_45 = vector.load %arg8[%get3A_43, %get3A_44] : memref<128x1xf32, #tpu.memory_space<vmem>>, vector<128x1xf32>
    %add3A_46 = vector.broadcast %get3A_45 : vector<128x1xf32> to vector<128x2048xf32>
    %add3A_47 = arith.addf %dot_general3A_42, %add3A_46 : vector<128x2048xf32>
    %max3A_48 = arith.constant 0.000000e+00 : f32
    %max3A_49 = vector.broadcast %max3A_48 : f32 to vector<128x2048xf32>
    %max3A_50 = arith.maximumf %add3A_47, %max3A_49 : vector<128x2048xf32>
    %add3A_51 = vector.broadcast %mul3A_13 : vector<1x2048xf32> to vector<128x2048xf32>
    %add3A_52 = arith.addf %add3A_51, %max3A_50 : vector<128x2048xf32>
    %slice3A = vector.extract_strided_slice %add3A_52 {offsets = [0, 0], sizes = [8, 2048], strides = [1, 1]} : vector<128x2048xf32> to vector<8x2048xf32>
    %swap3A = arith.constant 0 : index
    %swap3A_53 = arith.constant 0 : index
    %swap3A_54 = vector.load %arg9[%swap3A, %swap3A_53] : memref<8x2048xf32, #tpu.memory_space<vmem>>, vector<8x2048xf32>
    tpu.vector_store %arg9[%swap3A, %swap3A_53], %slice3A {strides = array<i32>} : memref<8x2048xf32, #tpu.memory_space<vmem>>, vector<8x2048xf32>,
    return
  }
  func.func @transform_0(%arg0: i32) -> (i32, i32) {
    %c0_i32 = arith.constant 0 : i32
    %c0_i32_0 = arith.constant 0 : i32
    return %c0_i32, %arg0 : i32, i32
  }
  func.func @transform_1(%arg0: i32) -> (i32, i32) {
    %c0_i32 = arith.constant 0 : i32
    %c0_i32_0 = arith.constant 0 : i32
    %c0_i32_1 = arith.constant 0 : i32
    return %c0_i32, %c0_i32_0 : i32, i32
  }
  func.func @transform_2(%arg0: i32) -> (i32, i32) {
    %c0_i32 = arith.constant 0 : i32
    %c0_i32_0 = arith.constant 0 : i32
    %c0_i32_1 = arith.constant 0 : i32
    return %c0_i32, %c0_i32_0 : i32, i32
  }
  func.func @transform_3(%arg0: i32) -> (i32, i32) {
    %c0_i32 = arith.constant 0 : i32
    %c0_i32_0 = arith.constant 0 : i32
    %c0_i32_1 = arith.constant 0 : i32
    return %c0_i32, %c0_i32_0 : i32, i32
  }
  func.func @transform_4(%arg0: i32) -> (i32, i32) {
    %c0_i32 = arith.constant 0 : i32
    %c0_i32_0 = arith.constant 0 : i32
    %c0_i32_1 = arith.constant 0 : i32
    return %c0_i32, %c0_i32_0 : i32, i32
  }
  func.func @transform_5(%arg0: i32) -> (i32, i32) {
    %c0_i32 = arith.constant 0 : i32
    %c0_i32_0 = arith.constant 0 : i32
    %c0_i32_1 = arith.constant 0 : i32
    return %c0_i32, %c0_i32_0 : i32, i32
  }
  func.func @transform_6(%arg0: i32) -> (i32, i32) {
    %c0_i32 = arith.constant 0 : i32
    %c0_i32_0 = arith.constant 0 : i32
    %c0_i32_1 = arith.constant 0 : i32
    return %c0_i32, %c0_i32_0 : i32, i32
  }
  func.func @transform_7(%arg0: i32) -> (i32, i32) {
    %c0_i32 = arith.constant 0 : i32
    %c0_i32_0 = arith.constant 0 : i32
    %c0_i32_1 = arith.constant 0 : i32
    return %c0_i32, %c0_i32_0 : i32, i32
  }
  func.func @transform_8(%arg0: i32) -> (i32, i32) {
    %c0_i32 = arith.constant 0 : i32
    %c0_i32_0 = arith.constant 0 : i32
    return %c0_i32, %arg0 : i32, i32
  }
}

</mosaic_0001>

<sc_bundles>
// kernel: kernel.4.cloned.1.call-start
scs
__scs_entry_jumppad:
0x0: {  	(pc) =	sbr.rel $0x88, $3  }
0x1: {  	(tag) =	ssettag $0x0;
	lr =	simm.s32 $0x1  }
0x2: {  	[smem:$0x3F99] =	sst lr;
	_ =	strace $0xD0000000  }
0x3: {  	_ = 	snop  }
0x4: {  	_ = 	snop  }
0x5: {  	_ = 	snop  }
0x6: {  	_ = 	snop  }
0x7: {  	_ = 	snop  }
__scs_overlays_trampoline_lowered:
0x8: {  	[smem:$0x3FA8] =	sst s0  }
0x9: {  	[smem:$0x3FA9] =	sst s1  }
0xa: {  	[smem:$0x3FAA] =	sst s2  }
0xb: {  	[smem:$0x3FAB] =	sst s3  }
0xc: {  	[smem:$0x3FAC] =	sst s4  }
0xd: {  	[smem:$0x3FAD] =	sst s5  }
0xe: {  	[smem:$0x3FAE] =	sst s6  }
0xf: {  	[smem:$0x3FAF] =	sst s7  }
0x10: {  	[smem:$0x3FB0] =	sst s8  }
0x11: {  	[smem:$0x3FB1] =	sst s9;
	s0 =	simm.s32 @!p0 $0x0  }
0x12: {  	s1 =	sld [smem:$0x3F97];
	s0 =	simm.s32 @p0 $0x1  }
0x13: {  	[smem:$0x3FB2] =	sst s0;
	s0 =	simm.s32 @!p1 $0x0  }
0x14: {  	s2 =	sld [smem:$0x3F96];
	s0 =	simm.s32 @p1 $0x1  }
0x15: {  	[smem:$0x3FB3] =	sst s0;
	s0 =	simm.s32 @!p2 $0x0  }
0x16: {  	s3 =	sld [smem:$0x3FDB];
	s0 =	simm.s32 @p2 $0x1  }
0x17: {  	s4 =	simm.s32 $0x1BF5;
	[smem:$0x3FB5] =	sst s0  }
0x18: {  	s0 =	sld [smem:$0x3F98];
	_ =	swait.ge [sflag:s4], $0x0  }
0x19: {  	s7 =	sld [smem:$0x3F99]  }
0x1a: {  	s8 =	sadd.s32 $0xFFFFE003, lr  }
0x1b: {  	s9 =	sadd.s32 $0xFFFFFEF7, lr;
	s5 =	simm.s32 $0xFFFFFFFF;
	p2 =	slt.u32 s8, $0xFFFFF086  }
0x1c: {  	p1 =	slt.u32 s9, $0xF7A;
	s5 =	simm.s32 @!p2 $0x0  }
0x1d: {  	s5 =	simm.s32 @p1 $0x1;
	p0 =	seq.s32 s7, s2  }
0x1e: {  	s7 =	smul.u32 @!p0 $0xF7A, s2;
	p2 =	seq.s32 @!p0 s5, $0x0  }
0x1f: {  	s9 =	smul.u32 $0xF7A, s1;
	s8 =	simm.s32 @!p0 $0x1BF5;
	p2 =	por !p2, p0  }
0x20: {  	[sflag:s8] =	ssyncset.s32 @!p0 $0xFFFFF086;
	s6 =	sadd.s32 @!p0 s3, s7;
	s7 =	simm.s32 @!p0 $0x108  }
0x21: {  	s3 =	sadd.s32 s3, s9;
	s6 =	sadd.s32 @!p0 $0x88, s6;
	s7 =	simm.s32 @p2 $0x1082  }
0x22: {  	[simem:s7], [sflag:s8] =	dma.local @!p0 [hbm:s6], $0xF7A  }
0x23: {  	s9 =	sor.u32 $0xD0000000, s2;
	s6 =	simm.s32 $0x108;
	_ =	swait.ge @!p0 [sflag:s8], $0x0  }
0x24: {  	s3 =	sadd.s32 $0x88, s3;
	s6 =	simm.s32 @!p1 $0x1082;
	[sflag:s4] =	ssyncset.s32 $0xFFFFF086  }
0x25: {  	[simem:s6], [sflag:s4] =	dma.local [hbm:s3], $0xF7A  }
0x26: {  	[smem:$0x3F99] =	sst s1;
	(tag) =	ssettag s2;
	_ =	strace s9  }
0x27: {  	s1 =	sld [smem:$0x3FA9]  }
0x28: {  	s2 =	sld [smem:$0x3FAA]  }
0x29: {  	s4 =	sld [smem:$0x3FAC]  }
0x2a: {  	p0 =	seq.s32 s5, $0x0;
	s5 =	sld [smem:$0x3FAD]  }
0x2b: {  	s6 =	sld [smem:$0x3FAE]  }
0x2c: {  	s7 =	sld [smem:$0x3FAF]  }
0x2d: {  	s3 =	simm.s32 $0x108;
	s8 =	sld [smem:$0x3FB0]  }
0x2e: {  	s3 =	simm.s32 @!p0 $0x1082;
	s9 =	sld [smem:$0x3FB1]  }
0x2f: {  	lr =	sadd.s32 s0, s3;
	s0 =	sld [smem:$0x3FA8]  }
0x30: {  	s3 =	sld [smem:$0x3FAB]  }
0x31: {  	[smem:$0x3FB4] =	sst s10  }
0x32: {  	s10 =	sld [smem:$0x3FB2];
	_ =	sdelay $0x3  }
0x33: {  	p0 =	seq.s32 s10, $0x1;
	s10 =	sld [smem:$0x3FB4];
	_ =	sdelay $0x3  }
0x34: {  	[smem:$0x3FB4] =	sst s10  }
0x35: {  	s10 =	sld [smem:$0x3FB3];
	_ =	sdelay $0x3  }
0x36: {  	p1 =	seq.s32 s10, $0x1;
	s10 =	sld [smem:$0x3FB4];
	_ =	sdelay $0x3  }
0x37: {  	[smem:$0x3FB4] =	sst s10  }
0x38: {  	s10 =	sld [smem:$0x3FB5]  }
0x39: {  	_ = 	snop;
	(pc) =	sbr.ind lr, $3  }
0x3a: {  	_ = 	snop  }
0x3b: {  	_ = 	snop  }
0x3c: {  	p2 =	seq.s32 s10, $0x1;
	s10 =	sld [smem:$0x3FB4]  }
0x3d: {  	_ =	shalt  }
0x3e: {  	_ =	shalt  }
0x3f: {  	_ =	shalt  }
0x40: {  	_ =	shalt  }
0x41: {  	_ =	shalt  }
0x42: {  	_ =	shalt  }
0x43: {  	_ =	shalt  }
0x44: {  	_ =	shalt  }
0x45: {  	_ =	shalt  }
0x46: {  	_ =	shalt  }
0x47: {  	_ =	shalt  }
0x48: {  	_ =	shalt  }
0x49: {  	_ =	shalt  }
0x4a: {  	_ =	shalt  }
0x4b: {  	_ =	shalt  }
0x4c: {  	_ =	shalt  }
0x4d: {  	_ =	shalt  }
0x4e: {  	_ =	shalt  }
0x4f: {  	_ =	shalt  }
0x50: {  	_ =	shalt  }
0x51: {  	_ =	shalt  }
0x52: {  	_ =	shalt  }
0x53: {  	_ =	shalt  }
0x54: {  	_ =	shalt  }
0x55: {  	_ =	shalt  }
0x56: {  	_ =	shalt  }
0x57: {  	_ =	shalt  }
0x58: {  	_ =	shalt  }
0x59: {  	_ =	shalt  }
0x5a: {  	_ =	shalt  }
0x5b: {  	_ =	shalt  }
0x5c: {  	_ =	shalt  }
0x5d: {  	_ =	shalt  }
0x5e: {  	_ =	shalt  }
0x5f: {  	_ =	shalt  }
0x60: {  	_ =	shalt  }
0x61: {  	_ =	shalt  }
0x62: {  	_ =	shalt  }
0x63: {  	_ =	shalt  }
0x64: {  	_ =	shalt  }
0x65: {  	_ =	shalt  }
0x66: {  	_ =	shalt  }
0x67: {  	_ =	shalt  }
0x68: {  	_ =	shalt  }
0x69: {  	_ =	shalt  }
0x6a: {  	_ =	shalt  }
0x6b: {  	_ =	shalt  }
0x6c: {  	_ =	shalt  }
0x6d: {  	_ =	shalt  }
0x6e: {  	_ =	shalt  }
0x6f: {  	_ =	shalt  }
0x70: {  	_ =	shalt  }
0x71: {  	_ =	shalt  }
0x72: {  	_ =	shalt  }
0x73: {  	_ =	shalt  }
0x74: {  	_ =	shalt  }
0x75: {  	_ =	shalt  }
0x76: {  	_ =	shalt  }
0x77: {  	_ =	shalt  }
0x78: {  	_ =	shalt  }
0x79: {  	_ =	shalt  }
0x7a: {  	_ =	shalt  }
0x7b: {  	_ =	shalt  }
0x7c: {  	_ =	shalt  }
0x7d: {  	_ =	shalt  }
0x7e: {  	_ =	shalt  }
0x7f: {  	_ =	shalt  }
0x80: {  	_ =	shalt  }
0x81: {  	_ =	shalt  }
0x82: {  	_ =	shalt  }
0x83: {  	_ =	shalt  }
0x84: {  	_ =	shalt  }
0x85: {  	_ =	shalt  }
0x86: {  	_ =	shalt  }
0x87: {  	_ =	shalt  }
.Lfunc_end0:
.L_simem_size_0:
called_computation_lowered:
.L_overlay_start_0:
0x88: {  	s2 =	sld [smem:$0x3FD9]  }
0x89: {  	s3 =	sld [smem:$0x3FFE];
	_ =	sdelay $0x1  }
0x8a: {  	s1 =	srdreg.scid  }
0x8b: {  	s0 =	sand.u32 $0x1, s1  }
0x8c: {  	s17 =	sshll.u32 s0, $0xA;
	s2 =	sadd.s32 s3, s2  }
0x8d: {  	s2 =	sadd.s32 s2, s17  }
0x8e: {  	[smem:$0x3FC0] =	sst s2  }
0x8f: {  	_ = 	snop  }
0x90: {  	s2 =	sld [smem:$0x3FC9]  }
0x91: {  	s18 =	sld [smem:$0x3FC8];
	(tm) =	ssettm $0x1  }
0x92: {  	s4 =	sld [smem:$0x3FFB];
	_ =	sdelay $0x3  }
0x93: {  	_ =	strace s4  }
0x94: {  	s4 =	sld [smem:$0x3FFC];
	_ =	sdelay $0x3  }
0x95: {  	_ =	strace s4  }
0x96: {  	s4 =	sld [smem:$0x3FFD];
	_ =	sdelay $0x3  }
0x97: {  	_ =	strace s4  }
0x98: {  	_ =	strace $0x8FFFFFFF  }
0x99: {  	s19 =	sld [smem:$0x3FDB];
	_ =	sdelay $0x1  }
0x9a: {  	s5 =	simm.s32 $_scs_section_size  }
0x9b: {  	s6 =	simm.s32 $_size__tile_overlayer_lowered;
	s7 =	simm.s32 $_tile_overlayer_lowered  }
0x9c: {  	s22 =	simm.s32 $0x1BFF;
	s21 =	sshll.u32 s7, $0x1;
	s4 =	sadd.s32 s5, s19  }
0x9d: {  	s8 =	simm.s32 $0x0;
	s20 =	sshll.u32 s6, $0x1;
	s6 =	sadd.s32 s21, s4  }
0x9e: {  	[timem:s8], [sflag:s22] =	dma.local [hbm:s6], s20  }
0x9f: {  	_ =	swait.ge [sflag:s22], s20  }
0xa0: {  	s5 =	ssub.s32 $0x0, s20;
	[sflag:s22] =	ssyncset.done $0x0  }
0xa1: {  	[sflag:s22] =	ssyncadd.s32 s5;
	_ =	sdelay $0x1  }
0xa2: {  	s23 =	simm.s32 $0x1B8B  }
0xa3: {  	_ =	swait.ge [sflag:s23], $0x1  }
0xa4: {  	[sflag:s23] =	ssyncset.done $0x0  }
0xa5: {  	s25 =	simm.s32 $0x1B8E;
	s24 =	sld [smem:$0x3FFE];
	[sflag:s23] =	ssyncadd.s32 $0xFFFFFFFF  }
0xa6: {  	s26 =	simm.s32 $execute0_lowered;
	[smem:$0x3FD2] =	sst s25  }
0xa7: {  	s6 =	sshll.u32 s26, $0x1;
	_ =	strace $0x80000046;
	[dreg:$0x1] =	wrdreg $0xFFFFFFFF  }
0xa8: {  	s28 =	simm.s32 $_size_execute0_lowered;
	s4 =	sadd.s32 s4, s6;
	[dreg:$0x0] =	wrdreg $0x0  }
0xa9: {  	s6 =	sshll.u32 s28, $0x1;
	[dreg:$0x2] =	wrdreg s4  }
0xaa: {  	[dreg:$0x3] =	wrdreg s6  }
0xab: {  	[dreg:$0x4] =	wrdreg $0xC0  }
0xac: {  	_ =	task [dreg:s8], $0x5FFFF  }
0xad: {  	[dreg:$0x1] =	wrdreg $0xFFFFFFFF  }
0xae: {  	[dreg:$0x0] =	wrdreg $0x60  }
0xaf: {  	[dreg:$0x2] =	wrdreg s18  }
0xb0: {  	[dreg:$0x3] =	wrdreg s2  }
0xb1: {  	[dreg:$0x4] =	wrdreg s24  }
0xb2: {  	[dreg:$0x5] =	wrdreg $0x1E7000  }
0xb3: {  	[dreg:$0x6] =	wrdreg $0x1EB000  }
0xb4: {  	[dreg:$0x7] =	wrdreg $0x9  }
0xb5: {  	_ =	task.clear_ibuf [dreg:s8], $0x8FFFF;
	_ =	strace $0x90000046  }
0xb6: {  	s29 =	simm.s32 $0x9;
	_ =	strace $0x80000048  }
0xb7: {  	_ =	swait.ge [sflag:s29], $0x1  }
0xb8: {  	[sflag:s29] =	ssyncadd.s32 $0xFFFFFFFF  }
0xb9: {  	_ =	strace $0x90000048  }
0xba: {  	_ =	sfence  }
0xbb: {  	s30 =	sld [smem:$0x0];
	_ =	sdelay $0x2  }
0xbc: {  	s31 =	sshll.u32 s1, $0xD;
	s1 =	sshrl.u32 s1, $0x2  }
0xbd: {  	s3 =	sand.u32 $0x4000, s31;
	s1 =	sadd.s32 s1, s30  }
0xbe: {  	s0 =	sor.u32 s3, s0;
	s1 =	sshll.u32 s1, $0x11  }
0xbf: {  	s0 =	sor.u32 s1, s0  }
0xc0: {  	s0 =	sadd.s32 $0x8F2B, s0  }
0xc1: {  	[sflag:s0] =	ssyncadd.remote.s32 $0x1  }
0xc2: {  	_ =	sfence.sel $0xFFFF  }
0xc3: {  	[dreg:$0x0] =	wrdreg $0xFFFFFFFF;
	(pc) =	sbr.abs _section_cstart, $3  }
0xc4: {  	[dreg:$0x1] =	wrdreg $0xFFFFFFFF  }
0xc5: {  	_ =	task.clear_ibuf [dreg:s8], $0x2FFFF;
	_ =	strace $0x9FFFFFFF  }
0xc6: {  	(tm) =	ssettm $0x7FFFFFFF  }
0xc7: {  	_ =	shalt  }
tec
execute0_lowered:
.L_overlay_start_1:
0x0: {  	(tag) =	ssettag $0x1  }
0x1: {  	s0 =	rddreg [dreg:$0x0]  }
0x2: {  	s1 =	rddreg [dreg:$0x2]  }
0x3: {  	s6 =	rddreg [dreg:$0x3]  }
0x4: {  	s8 =	rddreg [dreg:$0x4];
	s2 =	srdreg.scid  }
0x5: {  	s3 =	stileid.u32;
	s5 =	simm.s32 $0x0;
	s28 =	simm.s32 $0x18700  }
0x6: {  	s29 =	simm.s32 $0x1;
	s30 =	simm.s32 $0x3;
	s31 =	simm.s32 $0x19700  }
0x7: {  	s11 =	simm.s32 $0x4;
	s2 =	sand.u32 $0x1, s2;
	s4 =	sshll.u32 s3, $0x1  }
0x8: {  	s19 =	sshrl.u32 s3, $0x2;
	[smem:$0x7FF] =	sst s5;
	s9 =	sadd.s32 $0x1000, s1  }
0x9: {  	s13 =	sadd.s32 $0x1000, s6;
	s25 =	sadd.s32 $0x2000, s6;
	s16 =	sadd.s32 $0x3000, s6  }
0xa: {  	s17 =	sadd.s32 $0x2000, s1;
	s18 =	sadd.s32 $0x3000, s1;
	p0 =	sne.s32 s3, $0x0  }
0xb: {  	p1 =	seq.s32 s3, $0x0;
	s7 =	sor.u32 s2, s4;
	s4 =	smul.u32 $0xC3800, s19  }
0xc: {  	_ =	strace $0x80000047;
	[dreg:$0x6] =	wrdreg s9;
	s2 =	ssub.s32 $0x2, s2  }
0xd: {  	[dreg:$0xc] =	wrdreg s25;
	s19 =	sadd.s32 $0x4000, s1;
	s25 =	simm.s32 $0x400  }
0xe: {  	s9 =	simm.s32 $0x1A700;
	s14 =	smov.u32 s7;
	s7 =	sshll.u32 s7, $0x7  }
0xf: {  	s1 =	simm.s32 $0x0;
	s20 =	sshrl.u32 s2, $0x1;
	s7 =	sand.u32 $0x380, s7  }
0x10: {  	s2 =	ssub.s32 s2, s20;
	s20 =	sadd.s32 $0x1000, s8;
	s4 =	sor.u32 s4, s7  }
0x11: {  	s22 =	sor.u32 $0x30E000, s7;
	s23 =	sor.u32 $0x36F800, s7;
	s24 =	sor.u32 $0x61800, s7  }
0x12: {  	s26 =	smax.u32 s2, $0x1;
	s2 =	simm.s32 $0x2;
	[dreg:$0x9] =	wrdreg s22  }
.Ltmp0:
0x13: {  	s10 =	sshrl.u32 s4, $0x3;
	[dreg:$0xa] =	wrdreg s23;
	(pc) =	sbr.rel .LBB2_1-.Ltmp0, $4  }
0x14: {  	v0 =	vlaneseq.u32;
	v8 =	vimm.s32 $0x0;
	s4 =	sadd.s32 $0x61800, s4;
	[dreg:$0xb] =	wrdreg s24;
	s22 =	sadd.s32 $0x3000, s8  }
0x15: {  	vm0 =	vcmask $0x300;
	v1 =	vor.u32 $0x10, v0;
	v2 =	vor.u32 $0x20, v0;
	[dreg:$0xd] =	wrdreg s26;
	s21 =	sadd.s32 s0, s10;
	s4 =	sshrl.u32 s4, $0x3  }
0x16: {  	v3 =	vor.u32 $0x30, v0;
	v4 =	vor.u32 $0x40, v0;
	v5 =	vor.u32 $0x50, v0;
	s24 =	simm.s32 $0x80;
	[dreg:$0x7] =	wrdreg s21;
	s0 =	sadd.s32 s0, s4  }
0x17: {  	v6 =	vor.u32 $0x60, v0;
	v7 =	vor.u32 $0x70, v0;
	v8 =	vsel vm0, $0x7, v8;
	s26 =	simm.s32 $0xC300;
	s21 =	sadd.s32 $0x2000, s8;
	[dreg:$0x8] =	wrdreg s0  }
.LBB2_37:
0x18: {  	_ =	swait.ge [sflag:s11], $0x1000  }
0x19: {  	[sflag:s11] =	ssyncset.done $0x0  }
0x1a: {  	[sflag:s11] =	ssyncadd.s32 $0xFFFFF000  }
0x1b: {  	_ =	swait.ge [sflag:s11], $0x1000  }
0x1c: {  	[sflag:s11] =	ssyncset.done $0x0  }
0x1d: {  	[sflag:s11] =	ssyncadd.s32 $0xFFFFF000  }
0x1e: {  	_ =	swait.ge [sflag:s11], $0x1000  }
0x1f: {  	[sflag:s11] =	ssyncset.done $0x0  }
0x20: {  	[sflag:s11] =	ssyncadd.s32 $0xFFFFF000  }
0x21: {  	_ =	swait.ge [sflag:s11], $0x1000  }
0x22: {  	s1 =	rddreg [dreg:$0xe]  }
0x23: {  	s0 =	rddreg [dreg:$0xd];
	s1 =	sadd.s32 $0x1, s1  }
0x24: {  	p2 =	sne.s32 s1, s0  }
.Ltmp1:
0x25: {  	_ = 	snop;
	(pc) =	sbr.rel @!p2 .LBB2_38-.Ltmp1, $3  }
0x26: {  	_ =	sdelay $0x1  }
0x27: {  	[sflag:s11] =	ssyncset.done $0x0  }
0x28: {  	[sflag:s11] =	ssyncadd.s32 $0xFFFFF000  }
.LBB2_1:
0x29: {  	[dreg:$0xe] =	wrdreg s1  }
0x2a: {  	s0 =	rddreg [dreg:$0x7]  }
0x2b: {  	s23 =	rddreg [dreg:$0x8]  }
0x2c: {  	s3 =	rddreg [dreg:$0x3]  }
0x2d: {  	s4 =	simm.s32 @!p0 $0x1;
	s6 =	simm.s32 @!p0 $0x10;
	s8 =	simm.s32 @!p0 $0x80  }
0x2e: {  	[tilespmem:s5], [sflag:$0x1] =	stream.strided.gather [hbm4b:s0+s24], $0xC300, s25, s24, $0x38;
	[tilespmem:$0x1EF00] =	vst v63  }
0x2f: {  	s10 =	simm.s32 @!p0 $0x1C05;
	s1 =	sshrl.u32 @!p0 s3, $0x3;
	s0 =	rddreg [dreg:$0x1]  }
0x30: {  	[tilespmem:s26], [sflag:$0x2] =	stream.strided.gather [hbm4b:s23+s24], $0xC400, s25, s24, $0x38;
	[tilespmem:$0x1EF00] =	vst v63  }
0x31: {  	[spmem:s1@s6], [sflag:s10] =	dma.strided @!p0 [hbm:s0@s8], $0x800, s4, $0x10   }
0x32: {  	s1 =	simm.s32 @!p0 $0x5  }
.Ltmp2:
0x33: {  	_ =	swait.ge @!p0 [sflag:s1], $0x800;
	(pc) =	sbr.rel .LBB2_2-.Ltmp2, $4  }
0x34: {  	[sflag:s1] =	ssyncset.done @!p0 $0x0  }
0x35: {  	[sflag:s1] =	ssyncadd.s32 @!p0 $0xFFFFF800  }
0x36: {  	s12 =	simm.s32 $0x0;
	[bflag:$0x0] =	sbarrier.arrive $0xFFFF  }
0x37: {  	[tilespmem:s28], [sflag:$0x3] =	stream.linear.gather [spmem:s3], $0x1000, $0x38;
	[tilespmem:$0x1EF00] =	vst v63  }
.LBB2_35:
0x38: {  	s0 =	sshrl.u32 s1, $0x3  }
0x39: {  	s0 =	smul.u32 $0xC3800, s0  }
0x3a: {  	s10 =	rddreg [dreg:$0xb]  }
0x3b: {  	s0 =	sadd.s32 s10, s0  }
0x3c: {  	s13 =	rddreg [dreg:$0x0];
	s0 =	sshrl.u32 s0, $0x3  }
0x3d: {  	s0 =	sadd.s32 s13, s0  }
0x3e: {  	[tilespmem:s26], [sflag:$0x2] =	stream.strided.gather [hbm4b:s0+s24], $0xC400, s25, s24, $0x38;
	[tilespmem:$0x1EF00] =	vst v63  }
0x3f: {  	s0 =	simm.s32 @p2 $0x5  }
0x40: {  	_ =	swait.ge @p2 [sflag:s0], $0x800  }
0x41: {  	[sflag:s0] =	ssyncset.done @p2 $0x0  }
0x42: {  	[sflag:s0] =	ssyncadd.s32 @p2 $0xFFFFF800  }
0x43: {  	[bflag:$0x0] =	sbarrier.arrive $0xFFFF  }
0x44: {  	s13 =	smov.u32 s15;
	s23 =	rddreg [dreg:$0x3]  }
0x45: {  	[tilespmem:s28], [sflag:$0x3] =	stream.linear.gather [spmem:s23], $0x1000, $0x38;
	[tilespmem:$0x1EF00] =	vst v63  }
.LBB2_36:
0x46: {  	s12 =	sadd.s32 $0x1, s12  }
0x47: {  	p2 =	sne.s32 s12, $0xD  }
.Ltmp3:
0x48: {  	_ = 	snop;
	(pc) =	sbr.rel @!p2 .LBB2_37-.Ltmp3, $1  }
0x49: {  	_ =	sdelay $0x3  }
.LBB2_2:
0x4a: {  	s1 =	sshll.u32 @!p0 s12, $0xC;
	s3 =	sshll.u32 @!p0 s12, $0x5;
	s0 =	rddreg [dreg:$0x1]  }
0x4b: {  	s4 =	simm.s32 @!p0 $0x10;
	s6 =	simm.s32 @!p0 $0x80;
	s1 =	sand.u32 @!p0 $0xC000, s1  }
0x4c: {  	s8 =	simm.s32 @!p0 $0x1C05;
	s3 =	sand.u32 @!p0 $0x60, s3;
	s1 =	sadd.s32 @!p0 s0, s1  }
0x4d: {  	p2 =	seq.s32 s12, $0x0;
	s0 =	rddreg [dreg:$0x4];
	s1 =	sadd.s32 @!p0 s3, s1  }
0x4e: {  	s3 =	sshrl.u32 @!p0 s0, $0x3;
	s0 =	simm.s32 @!p0 $0x1;
	s1 =	sadd.s32 @!p0 $0x10, s1  }
0x4f: {  	[spmem:s3@s4], [sflag:s8] =	dma.strided @!p0 [hbm:s1@s6], $0x800, s0, $0x10   }
0x50: {  	s1 =	simm.s32 @!p2 $0x4  }
0x51: {  	_ =	swait.ge @!p2 [sflag:s1], $0x1000  }
0x52: {  	[sflag:s1] =	ssyncset.done @!p2 $0x0  }
0x53: {  	[sflag:s1] =	ssyncadd.s32 @!p2 $0xFFFFF000  }
0x54: {  	_ =	swait.ge @!p2 [sflag:s1], $0x1000  }
0x55: {  	[sflag:s1] =	ssyncset.done @!p2 $0x0  }
0x56: {  	[sflag:s1] =	ssyncadd.s32 @!p2 $0xFFFFF000  }
0x57: {  	_ =	swait.ge @!p2 [sflag:s1], $0x1000  }
0x58: {  	[sflag:s1] =	ssyncset.done @!p2 $0x0  }
0x59: {  	[sflag:s1] =	ssyncadd.s32 @!p2 $0xFFFFF000  }
0x5a: {  	_ =	swait.ge @!p2 [sflag:s1], $0x1000  }
0x5b: {  	[sflag:s1] =	ssyncset.done @!p2 $0x0  }
0x5c: {  	[sflag:s1] =	ssyncadd.s32 @!p2 $0xFFFFF000  }
0x5d: {  	_ =	swait.ge [sflag:s29], $0xC300  }
0x5e: {  	[sflag:s29] =	ssyncset.done $0x0  }
0x5f: {  	[sflag:s29] =	ssyncadd.s32 $0xFFFF3D00  }
0x60: {  	_ =	swait.ge [sflag:s30], $0x1000  }
0x61: {  	[sflag:s30] =	ssyncset.done $0x0  }
0x62: {  	s10 =	simm.s32 $0x18740;
	[sflag:s30] =	ssyncadd.s32 $0xFFFFF000  }
0x63: {  	[tilespmem:s31], [sflag:$0x3] =	stream.linear.gather [spmem:s13], $0x1000, $0x38;
	[tilespmem:$0x1EF00] =	vst v63  }
0x64: {  	v9 =	vld [tilespmem:s10+$0x30]  }
0x65: {  	v12 =	vld [tilespmem:s10+$0xFFFFFFF0]  }
0x66: {  	v13 =	vld [tilespmem:s10+$0x0]  }
0x67: {  	v10 =	vld [tilespmem:s10+$0xFFFFFFD0]  }
0x68: {  	v11 =	vld [tilespmem:s10+$0xFFFFFFE0]  }
0x69: {  	v14 =	vld [tilespmem:s10+$0x10]  }
0x6a: {  	v15 =	vld [tilespmem:s10+$0x20];
	vm4 =	vlt.s32 v12, $0xC2FF  }
0x6b: {  	s15 =	simm.s32 $0x187C0;
	v16 =	vld [tilespmem:s10+$0xFFFFFFC0];
	vm5 =	vlt.s32 v13, $0xC2FF;
	v12 =	vnsel vm4, $0xC2FF, v12  }
0x6c: {  	v19 =	vld [tilespmem:s15+$0xFFFFFFE0];
	v13 =	vnsel vm5, $0xC2FF, v13  }
0x6d: {  	v20 =	vld [tilespmem:s15+$0xFFFFFFF0]  }
0x6e: {  	v21 =	vld [tilespmem:s15+$0x0]  }
0x6f: {  	v22 =	vld [tilespmem:s15+$0x10];
	vm0 =	vlt.s32 v9, $0xC2FF  }
0x70: {  	vm1 =	vlt.s32 v10, $0xC2FF;
	v9 =	vnsel vm0, $0xC2FF, v9;
	v17 =	vld.idx.msk [tilespmem:v12+s5+$0x0], $0xffff  }
0x71: {  	vm15 =	vlt.s32 v11, $0xC2FF;
	v10 =	vnsel vm1, $0xC2FF, v10;
	v18 =	vld.idx.msk [tilespmem:v13+s5+$0x0], $0xffff  }
0x72: {  	v11 =	vnsel vm15, $0xC2FF, v11;
	v12 =	vld [tilespmem:s15+$0x30]  }
0x73: {  	vm6 =	vlt.s32 v16, $0xC2FF;
	v13 =	vld [tilespmem:s15+$0xFFFFFFD0]  }
0x74: {  	v23 =	vld [tilespmem:s15+$0x20];
	vm7 =	vlt.s32 v14, $0xC2FF;
	v16 =	vnsel vm6, $0xC2FF, v16  }
0x75: {  	vm8 =	vlt.s32 v15, $0xC2FF;
	v14 =	vnsel vm7, $0xC2FF, v14;
	v9 =	vld.idx.msk [tilespmem:v9+s5+$0x0], $0xffff  }
0x76: {  	vm11 =	vlt.s32 v19, $0xC2FF;
	v15 =	vnsel vm8, $0xC2FF, v15;
	v10 =	vld.idx.msk [tilespmem:v10+s5+$0x0], $0xffff  }
0x77: {  	v19 =	vnsel vm11, $0xC2FF, v19;
	v11 =	vld.idx.msk [tilespmem:v11+s5+$0x0], $0xffff;
	vm9 =	vlt.s32 v12, $0xC2FF  }
0x78: {  	v24 =	vld [tilespmem:s15+$0xFFFFFFC0];
	vm10 =	vlt.s32 v13, $0xC2FF;
	v12 =	vnsel vm9, $0xC2FF, v12  }
0x79: {  	s3 =	simm.s32 $0x1A740;
	vm13 =	vlt.s32 v21, $0xC2FF;
	v16 =	vld.idx.msk [tilespmem:v16+s5+$0x0], $0xffff;
	v13 =	vnsel vm10, $0xC2FF, v13  }
0x7a: {  	vm12 =	vlt.s32 v20, $0xC2FF;
	v21 =	vnsel vm13, $0xC2FF, v21;
	v63 =	vld.idx.msk [tilespmem:v14+s5+$0x0], $0xffff;
	[tilespmem:s3+$0x30] =	vst v9  }
0x7b: {  	v14 =	vld.idx.msk [tilespmem:v15+s5+$0x0], $0xffff;
	v9 =	vnsel vm12, $0xC2FF, v20;
	[tilespmem:s3+$0xFFFFFFD0] =	vst v10  }
0x7c: {  	v15 =	vld.idx.msk [tilespmem:v19+s5+$0x0], $0xffff;
	[tilespmem:s3+$0xFFFFFFE0] =	vst v11  }
0x7d: {  	[tilespmem:s3+$0xFFFFFFF0] =	vst v17;
	v12 =	vld.idx.msk [tilespmem:v12+s5+$0x0], $0xffff  }
0x7e: {  	s23 =	sshll.u32 s12, $0x6;
	[tilespmem:s3+$0x0] =	vst v18;
	v13 =	vld.idx.msk [tilespmem:v13+s5+$0x0], $0xffff  }
0x7f: {  	s23 =	sor.u32 s14, s23;
	vm14 =	vlt.s32 v22, $0xC2FF;
	vm2 =	vlt.s32 v24, $0xC2FF;
	vm15 =	vlt.s32 v23, $0xC2FF;
	[tilespmem:s3+$0xFFFFFFC0] =	vst v16;
	v17 =	vld.idx.msk [tilespmem:v21+s5+$0x0], $0xffff  }
0x80: {  	s4 =	simm.s32 $0x80;
	s1 =	sshll.u32 s12, $0x1;
	s10 =	simm.s32 $0x18840;
	v10 =	vnsel vm15, $0xC2FF, v23;
	v11 =	vnsel vm2, $0xC2FF, v24;
	[tilespmem:s3+$0x10] =	vst v63;
	v16 =	vld.idx.msk [tilespmem:v9+s5+$0x0], $0xffff;
	v9 =	vnsel vm14, $0xC2FF, v22  }
.LBB2_3:
0x81: {  	v18 =	vld [tilespmem:s10+$0x30];
	s4 =	sadd.s32 $0x80, s4;
	[tilespmem:s3+$0x20] =	vst v14;
	s3 =	sadd.s32 $0x80, s3  }
0x82: {  	v14 =	vld [tilespmem:s10+$0xFFFFFFD0];
	p2 =	slt.u32 s4, $0xF80;
	[tilespmem:s3+$0x30] =	vst v12  }
0x83: {  	v12 =	vld [tilespmem:s10+$0xFFFFFFE0];
	[tilespmem:s3+$0xFFFFFFD0] =	vst v13  }
0x84: {  	v13 =	vld [tilespmem:s10+$0xFFFFFFF0];
	[tilespmem:s3+$0xFFFFFFE0] =	vst v15  }
0x85: {  	v15 =	vld [tilespmem:s10+$0x0];
	[tilespmem:s3+$0xFFFFFFF0] =	vst v16  }
0x86: {  	v16 =	vld [tilespmem:s10+$0x10];
	vm0 =	vlt.s32 v18, $0xC2FF;
	[tilespmem:s3+$0x0] =	vst v17  }
0x87: {  	vm1 =	vlt.s32 v14, $0xC2FF;
	v17 =	vld [tilespmem:s10+$0x20];
	v18 =	vnsel vm0, $0xC2FF, v18  }
0x88: {  	v19 =	vld [tilespmem:s10+$0xFFFFFFC0];
	v20 =	vnsel vm1, $0xC2FF, v14;
	vm0 =	vlt.s32 v12, $0xC2FF  }
0x89: {  	v21 =	vnsel vm0, $0xC2FF, v12;
	vm0 =	vlt.s32 v13, $0xC2FF;
	v22 =	vld.idx.msk [tilespmem:v11+s5+$0x0], $0xffff  }
0x8a: {  	v23 =	vnsel vm0, $0xC2FF, v13;
	vm0 =	vlt.s32 v15, $0xC2FF;
	v24 =	vld.idx.msk [tilespmem:v9+s5+$0x0], $0xffff  }
0x8b: {  	v25 =	vnsel vm0, $0xC2FF, v15;
	vm0 =	vlt.s32 v16, $0xC2FF;
	v14 =	vld.idx.msk [tilespmem:v10+s5+$0x0], $0xffff  }
.Ltmp4:
0x8c: {  	v9 =	vnsel vm0, $0xC2FF, v16;
	vm0 =	vlt.s32 v17, $0xC2FF;
	v12 =	vld.idx.msk [tilespmem:v18+s5+$0x0], $0xffff;
	(pc) =	sbr.rel @p2 .LBB2_3-.Ltmp4, $4  }
0x8d: {  	vm1 =	vlt.s32 v19, $0xC2FF;
	v13 =	vld.idx.msk [tilespmem:v20+s5+$0x0], $0xffff;
	v10 =	vnsel vm0, $0xC2FF, v17  }
0x8e: {  	v11 =	vnsel vm1, $0xC2FF, v19;
	v15 =	vld.idx.msk [tilespmem:v21+s5+$0x0], $0xffff  }
0x8f: {  	v16 =	vld.idx.msk [tilespmem:v23+s5+$0x0], $0xffff;
	[tilespmem:s3+$0xFFFFFFC0] =	vst v22  }
0x90: {  	s10 =	sadd.s32 $0x80, s10;
	v17 =	vld.idx.msk [tilespmem:v25+s5+$0x0], $0xffff;
	[tilespmem:s3+$0x10] =	vst v24  }
0x91: {  	_ =	sdelay $0x2  }
0x92: {  	[tilespmem:s3+$0x20] =	vst v14;
	s8 =	sadd.s32 $0x80, s3  }
0x93: {  	v11 =	vld.idx.msk [tilespmem:v11+s5+$0x0], $0xffff;
	[tilespmem:s8+$0x30] =	vst v12  }
0x94: {  	v9 =	vld.idx.msk [tilespmem:v9+s5+$0x0], $0xffff;
	[tilespmem:s8+$0xFFFFFFD0] =	vst v13  }
0x95: {  	v10 =	vld.idx.msk [tilespmem:v10+s5+$0x0], $0xffff;
	[tilespmem:s8+$0xFFFFFFE0] =	vst v15  }
0x96: {  	[tilespmem:s8+$0xFFFFFFF0] =	vst v16  }
0x97: {  	[tilespmem:s8+$0x0] =	vst v17  }
0x98: {  	[tilespmem:s8+$0xFFFFFFC0] =	vst v11  }
0x99: {  	[tilespmem:s8+$0x10] =	vst v9  }
0x9a: {  	[tilespmem:s8+$0x20] =	vst v10  }
0x9b: {  	_ =	swait.ge [sflag:s30], $0x1000  }
0x9c: {  	[sflag:s30] =	ssyncset.done $0x0  }
0x9d: {  	s10 =	simm.s32 $0x19740;
	s0 =	rddreg [dreg:$0xc];
	[sflag:s30] =	ssyncadd.s32 $0xFFFFF000  }
0x9e: {  	[tilespmem:s28], [sflag:$0x3] =	stream.linear.gather [spmem:s0], $0x1000, $0x38;
	[tilespmem:$0x1EF00] =	vst v63  }
0x9f: {  	v9 =	vld [tilespmem:s10+$0x30]  }
0xa0: {  	v12 =	vld [tilespmem:s10+$0xFFFFFFF0]  }
0xa1: {  	v13 =	vld [tilespmem:s10+$0x0]  }
0xa2: {  	v10 =	vld [tilespmem:s10+$0xFFFFFFD0]  }
0xa3: {  	v11 =	vld [tilespmem:s10+$0xFFFFFFE0]  }
0xa4: {  	v14 =	vld [tilespmem:s10+$0x10]  }
0xa5: {  	v15 =	vld [tilespmem:s10+$0x20];
	vm4 =	vlt.s32 v12, $0xC2FF  }
0xa6: {  	s15 =	simm.s32 $0x197C0;
	v16 =	vld [tilespmem:s10+$0xFFFFFFC0];
	vm5 =	vlt.s32 v13, $0xC2FF;
	v12 =	vnsel vm4, $0xC2FF, v12  }
0xa7: {  	v19 =	vld [tilespmem:s15+$0xFFFFFFE0];
	v13 =	vnsel vm5, $0xC2FF, v13  }
0xa8: {  	v20 =	vld [tilespmem:s15+$0xFFFFFFF0]  }
0xa9: {  	v21 =	vld [tilespmem:s15+$0x0]  }
0xaa: {  	v22 =	vld [tilespmem:s15+$0x10];
	vm0 =	vlt.s32 v9, $0xC2FF  }
0xab: {  	vm1 =	vlt.s32 v10, $0xC2FF;
	v9 =	vnsel vm0, $0xC2FF, v9;
	v17 =	vld.idx.msk [tilespmem:v12+s5+$0x0], $0xffff  }
0xac: {  	vm15 =	vlt.s32 v11, $0xC2FF;
	v10 =	vnsel vm1, $0xC2FF, v10;
	v18 =	vld.idx.msk [tilespmem:v13+s5+$0x0], $0xffff  }
0xad: {  	v11 =	vnsel vm15, $0xC2FF, v11;
	v12 =	vld [tilespmem:s15+$0x30]  }
0xae: {  	vm6 =	vlt.s32 v16, $0xC2FF;
	v13 =	vld [tilespmem:s15+$0xFFFFFFD0]  }
0xaf: {  	v23 =	vld [tilespmem:s15+$0x20];
	vm7 =	vlt.s32 v14, $0xC2FF;
	v16 =	vnsel vm6, $0xC2FF, v16  }
0xb0: {  	vm8 =	vlt.s32 v15, $0xC2FF;
	v14 =	vnsel vm7, $0xC2FF, v14;
	v9 =	vld.idx.msk [tilespmem:v9+s5+$0x0], $0xffff  }
0xb1: {  	vm11 =	vlt.s32 v19, $0xC2FF;
	v15 =	vnsel vm8, $0xC2FF, v15;
	v10 =	vld.idx.msk [tilespmem:v10+s5+$0x0], $0xffff  }
0xb2: {  	v19 =	vnsel vm11, $0xC2FF, v19;
	v11 =	vld.idx.msk [tilespmem:v11+s5+$0x0], $0xffff;
	vm9 =	vlt.s32 v12, $0xC2FF  }
0xb3: {  	v24 =	vld [tilespmem:s15+$0xFFFFFFC0];
	vm10 =	vlt.s32 v13, $0xC2FF;
	v12 =	vnsel vm9, $0xC2FF, v12  }
0xb4: {  	s3 =	simm.s32 $0x1B770;
	vm13 =	vlt.s32 v21, $0xC2FF;
	v16 =	vld.idx.msk [tilespmem:v16+s5+$0x0], $0xffff;
	v13 =	vnsel vm10, $0xC2FF, v13  }
0xb5: {  	vm12 =	vlt.s32 v20, $0xC2FF;
	v21 =	vnsel vm13, $0xC2FF, v21;
	v63 =	vld.idx.msk [tilespmem:v14+s5+$0x0], $0xffff;
	[tilespmem:s3+$0x0] =	vst v9  }
0xb6: {  	v14 =	vld.idx.msk [tilespmem:v15+s5+$0x0], $0xffff;
	v9 =	vnsel vm12, $0xC2FF, v20;
	[tilespmem:s3+$0xFFFFFFA0] =	vst v10  }
0xb7: {  	v15 =	vld.idx.msk [tilespmem:v19+s5+$0x0], $0xffff;
	[tilespmem:s3+$0xFFFFFFB0] =	vst v11  }
0xb8: {  	[tilespmem:s3+$0xFFFFFFC0] =	vst v17;
	v12 =	vld.idx.msk [tilespmem:v12+s5+$0x0], $0xffff  }
0xb9: {  	[tilespmem:s3+$0xFFFFFFD0] =	vst v18;
	v13 =	vld.idx.msk [tilespmem:v13+s5+$0x0], $0xffff  }
0xba: {  	vm14 =	vlt.s32 v22, $0xC2FF;
	vm2 =	vlt.s32 v24, $0xC2FF;
	vm15 =	vlt.s32 v23, $0xC2FF;
	[tilespmem:s3+$0xFFFFFF90] =	vst v16;
	v17 =	vld.idx.msk [tilespmem:v21+s5+$0x0], $0xffff  }
0xbb: {  	s4 =	simm.s32 $0x80;
	s10 =	simm.s32 $0x19840;
	v10 =	vnsel vm15, $0xC2FF, v23;
	v11 =	vnsel vm2, $0xC2FF, v24;
	[tilespmem:s3+$0xFFFFFFE0] =	vst v63;
	v16 =	vld.idx.msk [tilespmem:v9+s5+$0x0], $0xffff;
	v9 =	vnsel vm14, $0xC2FF, v22  }
.LBB2_5:
0xbc: {  	v18 =	vld [tilespmem:s10+$0x30];
	s4 =	sadd.s32 $0x80, s4;
	[tilespmem:s3+$0xFFFFFFF0] =	vst v14;
	s3 =	sadd.s32 $0x80, s3  }
0xbd: {  	v14 =	vld [tilespmem:s10+$0xFFFFFFD0];
	p2 =	slt.u32 s4, $0xF80;
	[tilespmem:s3+$0x0] =	vst v12  }
0xbe: {  	v12 =	vld [tilespmem:s10+$0xFFFFFFE0];
	[tilespmem:s3+$0xFFFFFFA0] =	vst v13  }
0xbf: {  	v13 =	vld [tilespmem:s10+$0xFFFFFFF0];
	[tilespmem:s3+$0xFFFFFFB0] =	vst v15  }
0xc0: {  	v15 =	vld [tilespmem:s10+$0x0];
	[tilespmem:s3+$0xFFFFFFC0] =	vst v16  }
0xc1: {  	v16 =	vld [tilespmem:s10+$0x10];
	vm0 =	vlt.s32 v18, $0xC2FF;
	[tilespmem:s3+$0xFFFFFFD0] =	vst v17  }
0xc2: {  	vm1 =	vlt.s32 v14, $0xC2FF;
	v17 =	vld [tilespmem:s10+$0x20];
	v18 =	vnsel vm0, $0xC2FF, v18  }
0xc3: {  	v19 =	vld [tilespmem:s10+$0xFFFFFFC0];
	v20 =	vnsel vm1, $0xC2FF, v14;
	vm0 =	vlt.s32 v12, $0xC2FF  }
0xc4: {  	v21 =	vnsel vm0, $0xC2FF, v12;
	vm0 =	vlt.s32 v13, $0xC2FF;
	v22 =	vld.idx.msk [tilespmem:v11+s5+$0x0], $0xffff  }
0xc5: {  	v23 =	vnsel vm0, $0xC2FF, v13;
	vm0 =	vlt.s32 v15, $0xC2FF;
	v24 =	vld.idx.msk [tilespmem:v9+s5+$0x0], $0xffff  }
0xc6: {  	v25 =	vnsel vm0, $0xC2FF, v15;
	vm0 =	vlt.s32 v16, $0xC2FF;
	v14 =	vld.idx.msk [tilespmem:v10+s5+$0x0], $0xffff  }
.Ltmp5:
0xc7: {  	v9 =	vnsel vm0, $0xC2FF, v16;
	vm0 =	vlt.s32 v17, $0xC2FF;
	v12 =	vld.idx.msk [tilespmem:v18+s5+$0x0], $0xffff;
	(pc) =	sbr.rel @p2 .LBB2_5-.Ltmp5, $4  }
0xc8: {  	vm1 =	vlt.s32 v19, $0xC2FF;
	v13 =	vld.idx.msk [tilespmem:v20+s5+$0x0], $0xffff;
	v10 =	vnsel vm0, $0xC2FF, v17  }
0xc9: {  	v11 =	vnsel vm1, $0xC2FF, v19;
	v15 =	vld.idx.msk [tilespmem:v21+s5+$0x0], $0xffff  }
0xca: {  	v16 =	vld.idx.msk [tilespmem:v23+s5+$0x0], $0xffff;
	[tilespmem:s3+$0xFFFFFF90] =	vst v22  }
0xcb: {  	s10 =	sadd.s32 $0x80, s10;
	v17 =	vld.idx.msk [tilespmem:v25+s5+$0x0], $0xffff;
	[tilespmem:s3+$0xFFFFFFE0] =	vst v24  }
0xcc: {  	_ =	sdelay $0x2  }
0xcd: {  	[tilespmem:s3+$0xFFFFFFF0] =	vst v14;
	s8 =	sadd.s32 $0x80, s3  }
0xce: {  	v11 =	vld.idx.msk [tilespmem:v11+s5+$0x0], $0xffff;
	[tilespmem:s8+$0x0] =	vst v12  }
0xcf: {  	v9 =	vld.idx.msk [tilespmem:v9+s5+$0x0], $0xffff;
	[tilespmem:s8+$0xFFFFFFA0] =	vst v13  }
0xd0: {  	v10 =	vld.idx.msk [tilespmem:v10+s5+$0x0], $0xffff;
	[tilespmem:s8+$0xFFFFFFB0] =	vst v15  }
0xd1: {  	[tilespmem:s8+$0xFFFFFFC0] =	vst v16  }
0xd2: {  	[tilespmem:s8+$0xFFFFFFD0] =	vst v17  }
0xd3: {  	[tilespmem:s8+$0xFFFFFF90] =	vst v11  }
0xd4: {  	[tilespmem:s8+$0xFFFFFFE0] =	vst v9  }
0xd5: {  	[tilespmem:s8+$0xFFFFFFF0] =	vst v10  }
0xd6: {  	_ =	swait.ge [sflag:s30], $0x1000  }
0xd7: {  	[sflag:s30] =	ssyncset.done $0x0  }
0xd8: {  	s10 =	simm.s32 $0x18740;
	[sflag:s30] =	ssyncadd.s32 $0xFFFFF000  }
0xd9: {  	[tilespmem:s31], [sflag:$0x3] =	stream.linear.gather [spmem:s16], $0x1000, $0x38;
	[tilespmem:$0x1EF00] =	vst v63  }
0xda: {  	v9 =	vld [tilespmem:s10+$0x30]  }
0xdb: {  	v12 =	vld [tilespmem:s10+$0xFFFFFFF0]  }
0xdc: {  	v13 =	vld [tilespmem:s10+$0x0]  }
0xdd: {  	v10 =	vld [tilespmem:s10+$0xFFFFFFD0]  }
0xde: {  	v11 =	vld [tilespmem:s10+$0xFFFFFFE0]  }
0xdf: {  	v14 =	vld [tilespmem:s10+$0x10]  }
0xe0: {  	v15 =	vld [tilespmem:s10+$0x20];
	vm4 =	vlt.s32 v12, $0xC2FF  }
0xe1: {  	s15 =	simm.s32 $0x187C0;
	v16 =	vld [tilespmem:s10+$0xFFFFFFC0];
	vm5 =	vlt.s32 v13, $0xC2FF;
	v12 =	vnsel vm4, $0xC2FF, v12  }
0xe2: {  	v19 =	vld [tilespmem:s15+$0xFFFFFFE0];
	v13 =	vnsel vm5, $0xC2FF, v13  }
0xe3: {  	v20 =	vld [tilespmem:s15+$0xFFFFFFF0]  }
0xe4: {  	v21 =	vld [tilespmem:s15+$0x0]  }
0xe5: {  	v22 =	vld [tilespmem:s15+$0x10];
	vm0 =	vlt.s32 v9, $0xC2FF  }
0xe6: {  	vm1 =	vlt.s32 v10, $0xC2FF;
	v9 =	vnsel vm0, $0xC2FF, v9;
	v17 =	vld.idx.msk [tilespmem:v12+s5+$0x0], $0xffff  }
0xe7: {  	vm15 =	vlt.s32 v11, $0xC2FF;
	v10 =	vnsel vm1, $0xC2FF, v10;
	v18 =	vld.idx.msk [tilespmem:v13+s5+$0x0], $0xffff  }
0xe8: {  	v11 =	vnsel vm15, $0xC2FF, v11;
	v12 =	vld [tilespmem:s15+$0x30]  }
0xe9: {  	vm6 =	vlt.s32 v16, $0xC2FF;
	v13 =	vld [tilespmem:s15+$0xFFFFFFD0]  }
0xea: {  	v23 =	vld [tilespmem:s15+$0x20];
	vm7 =	vlt.s32 v14, $0xC2FF;
	v16 =	vnsel vm6, $0xC2FF, v16  }
0xeb: {  	vm8 =	vlt.s32 v15, $0xC2FF;
	v14 =	vnsel vm7, $0xC2FF, v14;
	v9 =	vld.idx.msk [tilespmem:v9+s5+$0x0], $0xffff  }
0xec: {  	vm11 =	vlt.s32 v19, $0xC2FF;
	v15 =	vnsel vm8, $0xC2FF, v15;
	v10 =	vld.idx.msk [tilespmem:v10+s5+$0x0], $0xffff  }
0xed: {  	v19 =	vnsel vm11, $0xC2FF, v19;
	v11 =	vld.idx.msk [tilespmem:v11+s5+$0x0], $0xffff;
	vm9 =	vlt.s32 v12, $0xC2FF  }
0xee: {  	v24 =	vld [tilespmem:s15+$0xFFFFFFC0];
	vm10 =	vlt.s32 v13, $0xC2FF;
	v12 =	vnsel vm9, $0xC2FF, v12  }
0xef: {  	s3 =	simm.s32 $0x1C770;
	vm13 =	vlt.s32 v21, $0xC2FF;
	v16 =	vld.idx.msk [tilespmem:v16+s5+$0x0], $0xffff;
	v13 =	vnsel vm10, $0xC2FF, v13  }
0xf0: {  	vm12 =	vlt.s32 v20, $0xC2FF;
	v21 =	vnsel vm13, $0xC2FF, v21;
	v63 =	vld.idx.msk [tilespmem:v14+s5+$0x0], $0xffff;
	[tilespmem:s3+$0x0] =	vst v9  }
0xf1: {  	v14 =	vld.idx.msk [tilespmem:v15+s5+$0x0], $0xffff;
	v9 =	vnsel vm12, $0xC2FF, v20;
	[tilespmem:s3+$0xFFFFFFA0] =	vst v10  }
0xf2: {  	v15 =	vld.idx.msk [tilespmem:v19+s5+$0x0], $0xffff;
	[tilespmem:s3+$0xFFFFFFB0] =	vst v11  }
0xf3: {  	[tilespmem:s3+$0xFFFFFFC0] =	vst v17;
	v12 =	vld.idx.msk [tilespmem:v12+s5+$0x0], $0xffff  }
0xf4: {  	[tilespmem:s3+$0xFFFFFFD0] =	vst v18;
	v13 =	vld.idx.msk [tilespmem:v13+s5+$0x0], $0xffff  }
0xf5: {  	vm14 =	vlt.s32 v22, $0xC2FF;
	vm2 =	vlt.s32 v24, $0xC2FF;
	vm15 =	vlt.s32 v23, $0xC2FF;
	[tilespmem:s3+$0xFFFFFF90] =	vst v16;
	v17 =	vld.idx.msk [tilespmem:v21+s5+$0x0], $0xffff  }
0xf6: {  	s4 =	simm.s32 $0x80;
	s10 =	simm.s32 $0x18840;
	v10 =	vnsel vm15, $0xC2FF, v23;
	v11 =	vnsel vm2, $0xC2FF, v24;
	[tilespmem:s3+$0xFFFFFFE0] =	vst v63;
	v16 =	vld.idx.msk [tilespmem:v9+s5+$0x0], $0xffff;
	v9 =	vnsel vm14, $0xC2FF, v22  }
.LBB2_7:
0xf7: {  	v18 =	vld [tilespmem:s10+$0x30];
	s4 =	sadd.s32 $0x80, s4;
	[tilespmem:s3+$0xFFFFFFF0] =	vst v14;
	s3 =	sadd.s32 $0x80, s3  }
0xf8: {  	v14 =	vld [tilespmem:s10+$0xFFFFFFD0];
	p2 =	slt.u32 s4, $0xF80;
	[tilespmem:s3+$0x0] =	vst v12  }
0xf9: {  	v12 =	vld [tilespmem:s10+$0xFFFFFFE0];
	[tilespmem:s3+$0xFFFFFFA0] =	vst v13  }
0xfa: {  	v13 =	vld [tilespmem:s10+$0xFFFFFFF0];
	[tilespmem:s3+$0xFFFFFFB0] =	vst v15  }
0xfb: {  	v15 =	vld [tilespmem:s10+$0x0];
	[tilespmem:s3+$0xFFFFFFC0] =	vst v16  }
0xfc: {  	v16 =	vld [tilespmem:s10+$0x10];
	vm0 =	vlt.s32 v18, $0xC2FF;
	[tilespmem:s3+$0xFFFFFFD0] =	vst v17  }
0xfd: {  	vm1 =	vlt.s32 v14, $0xC2FF;
	v17 =	vld [tilespmem:s10+$0x20];
	v18 =	vnsel vm0, $0xC2FF, v18  }
0xfe: {  	v19 =	vld [tilespmem:s10+$0xFFFFFFC0];
	v20 =	vnsel vm1, $0xC2FF, v14;
	vm0 =	vlt.s32 v12, $0xC2FF  }
0xff: {  	v21 =	vnsel vm0, $0xC2FF, v12;
	vm0 =	vlt.s32 v13, $0xC2FF;
	v22 =	vld.idx.msk [tilespmem:v11+s5+$0x0], $0xffff  }
0x100: {  	v23 =	vnsel vm0, $0xC2FF, v13;
	vm0 =	vlt.s32 v15, $0xC2FF;
	v24 =	vld.idx.msk [tilespmem:v9+s5+$0x0], $0xffff  }
0x101: {  	v25 =	vnsel vm0, $0xC2FF, v15;
	vm0 =	vlt.s32 v16, $0xC2FF;
	v14 =	vld.idx.msk [tilespmem:v10+s5+$0x0], $0xffff  }
.Ltmp6:
0x102: {  	v9 =	vnsel vm0, $0xC2FF, v16;
	vm0 =	vlt.s32 v17, $0xC2FF;
	v12 =	vld.idx.msk [tilespmem:v18+s5+$0x0], $0xffff;
	(pc) =	sbr.rel @p2 .LBB2_7-.Ltmp6, $4  }
0x103: {  	vm1 =	vlt.s32 v19, $0xC2FF;
	v13 =	vld.idx.msk [tilespmem:v20+s5+$0x0], $0xffff;
	v10 =	vnsel vm0, $0xC2FF, v17  }
0x104: {  	v11 =	vnsel vm1, $0xC2FF, v19;
	v15 =	vld.idx.msk [tilespmem:v21+s5+$0x0], $0xffff  }
0x105: {  	v16 =	vld.idx.msk [tilespmem:v23+s5+$0x0], $0xffff;
	[tilespmem:s3+$0xFFFFFF90] =	vst v22  }
0x106: {  	s10 =	sadd.s32 $0x80, s10;
	v17 =	vld.idx.msk [tilespmem:v25+s5+$0x0], $0xffff;
	[tilespmem:s3+$0xFFFFFFE0] =	vst v24  }
0x107: {  	_ =	sdelay $0x2  }
0x108: {  	[tilespmem:s3+$0xFFFFFFF0] =	vst v14;
	s8 =	sadd.s32 $0x80, s3  }
0x109: {  	v11 =	vld.idx.msk [tilespmem:v11+s5+$0x0], $0xffff;
	[tilespmem:s8+$0x0] =	vst v12  }
0x10a: {  	v9 =	vld.idx.msk [tilespmem:v9+s5+$0x0], $0xffff;
	[tilespmem:s8+$0xFFFFFFA0] =	vst v13  }
0x10b: {  	v10 =	vld.idx.msk [tilespmem:v10+s5+$0x0], $0xffff;
	[tilespmem:s8+$0xFFFFFFB0] =	vst v15  }
0x10c: {  	[tilespmem:s8+$0xFFFFFFC0] =	vst v16  }
0x10d: {  	[tilespmem:s8+$0xFFFFFFD0] =	vst v17  }
0x10e: {  	[tilespmem:s8+$0xFFFFFF90] =	vst v11  }
0x10f: {  	[tilespmem:s8+$0xFFFFFFE0] =	vst v9  }
0x110: {  	[tilespmem:s8+$0xFFFFFFF0] =	vst v10  }
0x111: {  	_ =	swait.ge [sflag:s30], $0x1000  }
0x112: {  	[sflag:s30] =	ssyncset.done $0x0  }
0x113: {  	[sflag:s30] =	ssyncadd.s32 $0xFFFFF000  }
0x114: {  	s10 =	simm.s32 $0x19740;
	s0 =	rddreg [dreg:$0x3]  }
0x115: {  	[tilespmem:s28], [sflag:$0x3] =	stream.linear.gather [spmem:s0], $0x1000, $0x38;
	[tilespmem:$0x1EF00] =	vst v63  }
0x116: {  	v9 =	vld [tilespmem:s10+$0x30]  }
0x117: {  	v12 =	vld [tilespmem:s10+$0xFFFFFFF0]  }
0x118: {  	v13 =	vld [tilespmem:s10+$0x0]  }
0x119: {  	v10 =	vld [tilespmem:s10+$0xFFFFFFD0]  }
0x11a: {  	v11 =	vld [tilespmem:s10+$0xFFFFFFE0]  }
0x11b: {  	v14 =	vld [tilespmem:s10+$0x10]  }
0x11c: {  	v15 =	vld [tilespmem:s10+$0x20];
	vm4 =	vlt.s32 v12, $0xC2FF  }
0x11d: {  	s15 =	simm.s32 $0x197C0;
	v16 =	vld [tilespmem:s10+$0xFFFFFFC0];
	vm5 =	vlt.s32 v13, $0xC2FF;
	v12 =	vnsel vm4, $0xC2FF, v12  }
0x11e: {  	v19 =	vld [tilespmem:s15+$0xFFFFFFE0];
	v13 =	vnsel vm5, $0xC2FF, v13  }
0x11f: {  	v20 =	vld [tilespmem:s15+$0xFFFFFFF0]  }
0x120: {  	v21 =	vld [tilespmem:s15+$0x0]  }
0x121: {  	v22 =	vld [tilespmem:s15+$0x10];
	vm0 =	vlt.s32 v9, $0xC2FF  }
0x122: {  	vm1 =	vlt.s32 v10, $0xC2FF;
	v9 =	vnsel vm0, $0xC2FF, v9;
	v17 =	vld.idx.msk [tilespmem:v12+s5+$0x0], $0xffff  }
0x123: {  	vm15 =	vlt.s32 v11, $0xC2FF;
	v10 =	vnsel vm1, $0xC2FF, v10;
	v18 =	vld.idx.msk [tilespmem:v13+s5+$0x0], $0xffff  }
0x124: {  	v11 =	vnsel vm15, $0xC2FF, v11;
	v12 =	vld [tilespmem:s15+$0x30]  }
0x125: {  	vm6 =	vlt.s32 v16, $0xC2FF;
	v13 =	vld [tilespmem:s15+$0xFFFFFFD0]  }
0x126: {  	v23 =	vld [tilespmem:s15+$0x20];
	vm7 =	vlt.s32 v14, $0xC2FF;
	v16 =	vnsel vm6, $0xC2FF, v16  }
0x127: {  	vm8 =	vlt.s32 v15, $0xC2FF;
	v14 =	vnsel vm7, $0xC2FF, v14;
	v9 =	vld.idx.msk [tilespmem:v9+s5+$0x0], $0xffff  }
0x128: {  	vm11 =	vlt.s32 v19, $0xC2FF;
	v15 =	vnsel vm8, $0xC2FF, v15;
	v10 =	vld.idx.msk [tilespmem:v10+s5+$0x0], $0xffff  }
0x129: {  	v19 =	vnsel vm11, $0xC2FF, v19;
	v11 =	vld.idx.msk [tilespmem:v11+s5+$0x0], $0xffff;
	vm9 =	vlt.s32 v12, $0xC2FF  }
0x12a: {  	v24 =	vld [tilespmem:s15+$0xFFFFFFC0];
	vm10 =	vlt.s32 v13, $0xC2FF;
	v12 =	vnsel vm9, $0xC2FF, v12  }
0x12b: {  	s3 =	simm.s32 $0x1D770;
	vm13 =	vlt.s32 v21, $0xC2FF;
	v16 =	vld.idx.msk [tilespmem:v16+s5+$0x0], $0xffff;
	v13 =	vnsel vm10, $0xC2FF, v13  }
0x12c: {  	vm12 =	vlt.s32 v20, $0xC2FF;
	v21 =	vnsel vm13, $0xC2FF, v21;
	v63 =	vld.idx.msk [tilespmem:v14+s5+$0x0], $0xffff;
	[tilespmem:s3+$0x0] =	vst v9  }
0x12d: {  	v14 =	vld.idx.msk [tilespmem:v15+s5+$0x0], $0xffff;
	v9 =	vnsel vm12, $0xC2FF, v20;
	[tilespmem:s3+$0xFFFFFFA0] =	vst v10  }
0x12e: {  	v15 =	vld.idx.msk [tilespmem:v19+s5+$0x0], $0xffff;
	[tilespmem:s3+$0xFFFFFFB0] =	vst v11  }
0x12f: {  	[tilespmem:s3+$0xFFFFFFC0] =	vst v17;
	v12 =	vld.idx.msk [tilespmem:v12+s5+$0x0], $0xffff  }
0x130: {  	[tilespmem:s3+$0xFFFFFFD0] =	vst v18;
	v13 =	vld.idx.msk [tilespmem:v13+s5+$0x0], $0xffff  }
0x131: {  	vm14 =	vlt.s32 v22, $0xC2FF;
	vm2 =	vlt.s32 v24, $0xC2FF;
	vm15 =	vlt.s32 v23, $0xC2FF;
	[tilespmem:s3+$0xFFFFFF90] =	vst v16;
	v17 =	vld.idx.msk [tilespmem:v21+s5+$0x0], $0xffff  }
0x132: {  	s4 =	simm.s32 $0x80;
	s10 =	simm.s32 $0x19840;
	v10 =	vnsel vm15, $0xC2FF, v23;
	v11 =	vnsel vm2, $0xC2FF, v24;
	[tilespmem:s3+$0xFFFFFFE0] =	vst v63;
	v16 =	vld.idx.msk [tilespmem:v9+s5+$0x0], $0xffff;
	v9 =	vnsel vm14, $0xC2FF, v22  }
.LBB2_9:
0x133: {  	v18 =	vld [tilespmem:s10+$0x30];
	s4 =	sadd.s32 $0x80, s4;
	[tilespmem:s3+$0xFFFFFFF0] =	vst v14;
	s3 =	sadd.s32 $0x80, s3  }
0x134: {  	v14 =	vld [tilespmem:s10+$0xFFFFFFD0];
	p2 =	slt.u32 s4, $0xF80;
	[tilespmem:s3+$0x0] =	vst v12  }
0x135: {  	v12 =	vld [tilespmem:s10+$0xFFFFFFE0];
	[tilespmem:s3+$0xFFFFFFA0] =	vst v13  }
0x136: {  	v13 =	vld [tilespmem:s10+$0xFFFFFFF0];
	[tilespmem:s3+$0xFFFFFFB0] =	vst v15  }
0x137: {  	v15 =	vld [tilespmem:s10+$0x0];
	[tilespmem:s3+$0xFFFFFFC0] =	vst v16  }
0x138: {  	v16 =	vld [tilespmem:s10+$0x10];
	vm0 =	vlt.s32 v18, $0xC2FF;
	[tilespmem:s3+$0xFFFFFFD0] =	vst v17  }
0x139: {  	vm1 =	vlt.s32 v14, $0xC2FF;
	v17 =	vld [tilespmem:s10+$0x20];
	v18 =	vnsel vm0, $0xC2FF, v18  }
0x13a: {  	v19 =	vld [tilespmem:s10+$0xFFFFFFC0];
	v20 =	vnsel vm1, $0xC2FF, v14;
	vm0 =	vlt.s32 v12, $0xC2FF  }
0x13b: {  	v21 =	vnsel vm0, $0xC2FF, v12;
	vm0 =	vlt.s32 v13, $0xC2FF;
	v22 =	vld.idx.msk [tilespmem:v11+s5+$0x0], $0xffff  }
0x13c: {  	v23 =	vnsel vm0, $0xC2FF, v13;
	vm0 =	vlt.s32 v15, $0xC2FF;
	v24 =	vld.idx.msk [tilespmem:v9+s5+$0x0], $0xffff  }
0x13d: {  	v25 =	vnsel vm0, $0xC2FF, v15;
	vm0 =	vlt.s32 v16, $0xC2FF;
	v14 =	vld.idx.msk [tilespmem:v10+s5+$0x0], $0xffff  }
.Ltmp7:
0x13e: {  	v9 =	vnsel vm0, $0xC2FF, v16;
	vm0 =	vlt.s32 v17, $0xC2FF;
	v12 =	vld.idx.msk [tilespmem:v18+s5+$0x0], $0xffff;
	(pc) =	sbr.rel @p2 .LBB2_9-.Ltmp7, $4  }
0x13f: {  	vm1 =	vlt.s32 v19, $0xC2FF;
	v13 =	vld.idx.msk [tilespmem:v20+s5+$0x0], $0xffff;
	v10 =	vnsel vm0, $0xC2FF, v17  }
0x140: {  	v11 =	vnsel vm1, $0xC2FF, v19;
	v15 =	vld.idx.msk [tilespmem:v21+s5+$0x0], $0xffff  }
0x141: {  	v16 =	vld.idx.msk [tilespmem:v23+s5+$0x0], $0xffff;
	[tilespmem:s3+$0xFFFFFF90] =	vst v22  }
0x142: {  	s10 =	sadd.s32 $0x80, s10;
	v17 =	vld.idx.msk [tilespmem:v25+s5+$0x0], $0xffff;
	[tilespmem:s3+$0xFFFFFFE0] =	vst v24  }
0x143: {  	_ =	sdelay $0x2  }
0x144: {  	[tilespmem:s3+$0xFFFFFFF0] =	vst v14;
	s15 =	sadd.s32 $0x80, s3  }
0x145: {  	v11 =	vld.idx.msk [tilespmem:v11+s5+$0x0], $0xffff;
	[tilespmem:s15+$0x0] =	vst v12  }
0x146: {  	[tilespmem:s15+$0xFFFFFFA0] =	vst v13  }
0x147: {  	[tilespmem:s15+$0xFFFFFFB0] =	vst v15  }
0x148: {  	v9 =	vld.idx.msk [tilespmem:v9+s5+$0x0], $0xffff;
	[tilespmem:s15+$0xFFFFFFC0] =	vst v16  }
0x149: {  	v10 =	vld.idx.msk [tilespmem:v10+s5+$0x0], $0xffff;
	s4 =	sshrl.u32 s23, $0x3;
	[tilespmem:s15+$0xFFFFFFD0] =	vst v17  }
0x14a: {  	s10 =	smul.u32 $0xC3800, s4;
	[tilespmem:s15+$0xFFFFFF90] =	vst v11  }
0x14b: {  	s0 =	rddreg [dreg:$0x9]  }
0x14c: {  	s4 =	sadd.s32 s0, s10  }
0x14d: {  	s3 =	rddreg [dreg:$0x0];
	[tilespmem:s15+$0xFFFFFFE0] =	vst v9;
	s4 =	sshrl.u32 s4, $0x3  }
0x14e: {  	[tilespmem:s15+$0xFFFFFFF0] =	vst v10;
	s4 =	sadd.s32 s3, s4  }
0x14f: {  	[tilespmem:s5], [sflag:$0x1] =	stream.strided.gather [hbm4b:s4+s24], $0xC300, s25, s24, $0x38;
	[tilespmem:$0x1EF00] =	vst v63  }
0x150: {  	_ =	swait.ge [sflag:s2], $0xC400  }
0x151: {  	[sflag:s2] =	ssyncset.done $0x0  }
0x152: {  	[sflag:s2] =	ssyncadd.s32 $0xFFFF3C00  }
0x153: {  	_ =	swait.ge [sflag:s30], $0x1000  }
0x154: {  	[sflag:s30] =	ssyncset.done $0x0  }
0x155: {  	s6 =	simm.s32 $0x18740;
	[sflag:s30] =	ssyncadd.s32 $0xFFFFF000  }
0x156: {  	[tilespmem:s31], [sflag:$0x3] =	stream.linear.gather [spmem:s13], $0x1000, $0x38;
	[tilespmem:$0x1EF00] =	vst v63  }
0x157: {  	v9 =	vld [tilespmem:s6+$0x30]  }
0x158: {  	v10 =	vld [tilespmem:s6+$0xFFFFFFC0]  }
0x159: {  	s8 =	simm.s32 $0x0;
	v11 =	vld [tilespmem:s6+$0xFFFFFFD0]  }
0x15a: {  	v19 =	vmov s8;
	v12 =	vld [tilespmem:s6+$0xFFFFFFE0]  }
0x15b: {  	v19 =	vshrl.u32 v19, $0x7;
	v14 =	vld [tilespmem:s6+$0xFFFFFFF0]  }
0x15c: {  	v19 =	vshll.u32 v19, $0x7;
	v15 =	vld [tilespmem:s6+$0x0]  }
0x15d: {  	v19 =	vbroadcast v19, $0x0;
	v18 =	vld [tilespmem:s6+$0x20];
	_ =	sdelay $0x1  }
0x15e: {  	v26 =	vor.u32 v7, v19;
	v31 =	vor.u32 v0, v19;
	v36 =	vor.u32 v1, v19  }
0x15f: {  	v13 =	vadd.s32 $0xFFFF3D00, v9;
	v16 =	vadd.s32 $0xFFFF3D00, v10;
	vm5 =	vgt.s32 v10, $0xC2FF  }
0x160: {  	v17 =	vadd.s32 $0xFFFF3D00, v11;
	v20 =	vadd.s32 $0xFFFF3D00, v12;
	v21 =	vadd.s32 $0xFFFF3D00, v14  }
0x161: {  	v10 =	vld [tilespmem:s6+$0x10];
	v22 =	vadd.s32 $0xFFFF3D00, v15;
	v24 =	vadd.s32 $0xFFFF3D00, v18;
	vm6 =	vgt.s32 v9, $0xC2FF  }
0x162: {  	vm8 =	vgt.s32 v11, $0xC2FF;
	v11 =	vor.u32 v4, v19;
	v9 =	vor.u32 v6, v19  }
0x163: {  	vm0 =	vgt.s32 v13, $0x0;
	vm1 =	vgt.s32 v16, $0x0;
	vm2 =	vgt.s32 v20, $0x0  }
0x164: {  	vm3 =	vgt.s32 v21, $0x0;
	vm4 =	vgt.s32 v22, $0x0;
	vm9 =	vmmov vm5  }
0x165: {  	s15 =	smov.u32 s13;
	s13 =	simm.s32 $0x187C0;
	v13 =	vnsel vm0, $0x0, v13;
	vm0 =	vgt.s32 v17, $0x0;
	v25 =	vnsel vm1, $0x0, v16  }
0x166: {  	vm1 =	vgt.s32 v24, $0x0;
	v28 =	vnsel vm2, $0x0, v20;
	v20 =	vld [tilespmem:s13+$0xFFFFFFC0];
	v23 =	vadd.s32 $0xFFFF3D00, v10  }
0x167: {  	v21 =	vnsel vm3, $0x0, v21;
	v22 =	vnsel vm4, $0x0, v22;
	v16 =	vld [tilespmem:s13+$0xFFFFFFF0];
	vm7 =	vgt.s32 v23, $0x0  }
0x168: {  	vm3 =	vgt.s32 v12, $0xC2FF;
	v27 =	vnsel vm0, $0x0, v17;
	v30 =	vnsel vm7, $0x0, v23;
	v23 =	vld [tilespmem:s13+$0x30]  }
0x169: {  	s3 =	simm.s32 $0x80;
	v35 =	vnsel vm1, $0x0, v24;
	vm1 =	vgt.s32 v14, $0xC2FF;
	v14 =	vld [tilespmem:s13+$0xFFFFFFD0];
	vm0 =	vgt.s32 v15, $0xC2FF  }
0x16a: {  	v12 =	vor.u32 v3, v19;
	v15 =	vld [tilespmem:s13+$0xFFFFFFE0];
	v24 =	vmov s3;
	vm4 =	vmmov vm0  }
0x16b: {  	v17 =	vld [tilespmem:s13+$0x0];
	v24 =	vshrl.u32 v24, $0x7;
	vm2 =	vgt.s32 v10, $0xC2FF;
	v10 =	vor.u32 v5, v19  }
0x16c: {  	v24 =	vshll.u32 v24, $0x7;
	vm2 =	vmmov vm2;
	v29 =	vld.idx.msk [tilespmem:v13+s26+$0x0], $0xffff;
	v13 =	vor.u32 v2, v19  }
0x16d: {  	vm7 =	vgt.s32 v18, $0xC2FF;
	v34 =	vadd.s32 $0xFFFF3D00, v20;
	v18 =	vld [tilespmem:s13+$0x10];
	v19 =	vadd.s32 $0xFFFF3D00, v23  }
0x16e: {  	vm5 =	vgt.s32 v20, $0xC2FF;
	v20 =	vld [tilespmem:s13+$0x20];
	vm0 =	vmmov vm7;
	vm7 =	vgt.s32 v19, $0x0  }
0x16f: {  	v24 =	vbroadcast v24, $0x0;
	v39 =	vld.idx.msk [tilespmem:v25+s26+$0x0], $0xffff;
	v40 =	vadd.s32 $0xFFFF3D00, v16;
	v19 =	vnsel vm7, $0x0, v19  }
0x170: {  	v32 =	vld.idx.msk [tilespmem:v28+s26+$0x0], $0xffff;
	vm10 =	vgt.s32 v34, $0x0;
	v37 =	vadd.s32 $0xFFFF3D00, v14;
	v38 =	vadd.s32 $0xFFFF3D00, v15  }
0x171: {  	v41 =	vld.idx.msk [tilespmem:v27+s26+$0x0], $0xffff;
	vm13 =	vgt.s32 v40, $0x0;
	v42 =	vadd.s32 $0xFFFF3D00, v17;
	vm11 =	vgt.s32 v37, $0x0  }
0x172: {  	v33 =	vld.idx.msk [tilespmem:v21+s26+$0x0], $0xffff;
	vm12 =	vgt.s32 v38, $0x0;
	vm14 =	vgt.s32 v42, $0x0;
	v27 =	vnsel vm11, $0x0, v37  }
0x173: {  	v25 =	vnsel vm12, $0x0, v38;
	v43 =	vadd.s32 $0xFFFF3D00, v18;
	[tilespmem:v26+s9+$0x0] =	vst.idx.msk vm6, v29;
	v29 =	vld.idx.msk [tilespmem:v22+s26+$0x0], $0xffff;
	vm7 =	vgt.s32 v23, $0xC2FF  }
0x174: {  	v44 =	vadd.s32 $0xFFFF3D00, v20;
	v26 =	vnsel vm10, $0x0, v34;
	v34 =	vor.u32 v7, v24;
	v28 =	vld.idx.msk [tilespmem:v19+s26+$0x0], $0xffff  }
0x175: {  	[tilespmem:v31+s9+$0x0] =	vst.idx.msk vm9, v39;
	v31 =	vld.idx.msk [tilespmem:v30+s26+$0x0], $0xffff;
	v22 =	vnsel vm14, $0x0, v42;
	vm15 =	vgt.s32 v43, $0x0;
	vm6 =	vgt.s32 v44, $0x0  }
0x176: {  	s4 =	simm.s32 $0x18840;
	v30 =	vld.idx.msk [tilespmem:v35+s26+$0x0], $0xffff;
	[tilespmem:v36+s9+$0x0] =	vst.idx.msk vm8, v41;
	v23 =	vnsel vm13, $0x0, v40;
	v21 =	vnsel vm15, $0x0, v43;
	v19 =	vnsel vm6, $0x0, v44  }
.LBB2_11:
0x177: {  	v35 =	vld [tilespmem:s4+$0x30];
	v36 =	vor.u32 v0, v24;
	vm6 =	vgt.s32 v14, $0xC2FF;
	v37 =	vor.u32 v1, v24;
	[tilespmem:v13+s9+$0x0] =	vst.idx.msk vm3, v32  }
0x178: {  	vm3 =	vgt.s32 v15, $0xC2FF;
	v13 =	vor.u32 v2, v24;
	v32 =	vld [tilespmem:s4+$0xFFFFFFC0];
	[tilespmem:v12+s9+$0x0] =	vst.idx.msk vm1, v33;
	vm1 =	vgt.s32 v16, $0xC2FF  }
0x179: {  	vm8 =	vgt.s32 v17, $0xC2FF;
	v12 =	vor.u32 v3, v24;
	v16 =	vor.u32 v4, v24;
	v14 =	vld [tilespmem:s4+$0xFFFFFFD0];
	[tilespmem:v34+s9+$0x0] =	vst.idx.msk vm7, v28  }
0x17a: {  	v17 =	vor.u32 v5, v24;
	vm9 =	vgt.s32 v20, $0xC2FF;
	vm7 =	vgt.s32 v18, $0xC2FF;
	v15 =	vld [tilespmem:s4+$0xFFFFFFE0];
	[tilespmem:v11+s9+$0x0] =	vst.idx.msk vm4, v29;
	v11 =	vmovc v16  }
0x17b: {  	v18 =	vor.u32 v6, v24;
	vm4 =	vmmov vm8;
	v16 =	vld [tilespmem:s4+$0xFFFFFFF0];
	[tilespmem:v10+s9+$0x0] =	vst.idx.msk vm2, v31;
	v10 =	vmovc v17;
	vm2 =	vmmov vm7  }
0x17c: {  	vm8 =	vmmov vm5;
	v17 =	vld [tilespmem:s4+$0x0];
	v24 =	vadd.s32 $0xFFFF3D00, v35;
	[tilespmem:v9+s9+$0x0] =	vst.idx.msk vm0, v30;
	v9 =	vmovc v18;
	vm0 =	vmmov vm9  }
0x17d: {  	v29 =	vadd.s32 $0xFFFF3D00, v32;
	vm5 =	vgt.s32 v32, $0xC2FF;
	v18 =	vld [tilespmem:s4+$0x10];
	vm7 =	vgt.s32 v24, $0x0  }
0x17e: {  	s3 =	sadd.s32 $0x80, s3;
	vm9 =	vgt.s32 v29, $0x0;
	v30 =	vadd.s32 $0xFFFF3D00, v14;
	v20 =	vld [tilespmem:s4+$0x20];
	v28 =	vnsel vm7, $0x0, v24  }
0x17f: {  	p2 =	slt.u32 s3, $0xF80;
	v24 =	vmov s3;
	vm10 =	vgt.s32 v30, $0x0;
	v31 =	vadd.s32 $0xFFFF3D00, v15;
	v38 =	vld.idx.msk [tilespmem:v26+s26+$0x0], $0xffff  }
0x180: {  	v24 =	vshrl.u32 v24, $0x7;
	vm11 =	vgt.s32 v31, $0x0;
	v39 =	vadd.s32 $0xFFFF3D00, v16;
	v40 =	vld.idx.msk [tilespmem:v27+s26+$0x0], $0xffff  }
0x181: {  	v24 =	vshll.u32 v24, $0x7;
	vm12 =	vgt.s32 v39, $0x0;
	v41 =	vadd.s32 $0xFFFF3D00, v17;
	v32 =	vld.idx.msk [tilespmem:v25+s26+$0x0], $0xffff  }
.Ltmp8:
0x182: {  	v24 =	vbroadcast v24, $0x0;
	vm13 =	vgt.s32 v41, $0x0;
	v42 =	vadd.s32 $0xFFFF3D00, v18;
	v33 =	vld.idx.msk [tilespmem:v23+s26+$0x0], $0xffff;
	(pc) =	sbr.rel @p2 .LBB2_11-.Ltmp8, $4  }
0x183: {  	vm7 =	vgt.s32 v35, $0xC2FF;
	vm14 =	vgt.s32 v42, $0x0;
	v43 =	vadd.s32 $0xFFFF3D00, v20;
	v28 =	vld.idx.msk [tilespmem:v28+s26+$0x0], $0xffff  }
0x184: {  	v26 =	vnsel vm9, $0x0, v29;
	v34 =	vor.u32 v7, v24;
	vm9 =	vgt.s32 v43, $0x0;
	v29 =	vld.idx.msk [tilespmem:v22+s26+$0x0], $0xffff  }
0x185: {  	v27 =	vnsel vm10, $0x0, v30;
	v25 =	vnsel vm11, $0x0, v31;
	v23 =	vnsel vm12, $0x0, v39;
	[tilespmem:v36+s9+$0x0] =	vst.idx.msk vm8, v38;
	v31 =	vld.idx.msk [tilespmem:v21+s26+$0x0], $0xffff  }
0x186: {  	s4 =	sadd.s32 $0x80, s4;
	v22 =	vnsel vm13, $0x0, v41;
	v21 =	vnsel vm14, $0x0, v42;
	[tilespmem:v37+s9+$0x0] =	vst.idx.msk vm6, v40;
	v30 =	vld.idx.msk [tilespmem:v19+s26+$0x0], $0xffff;
	v19 =	vnsel vm9, $0x0, v43  }
0x187: {  	_ =	sdelay $0x4  }
0x188: {  	[tilespmem:v13+s9+$0x0] =	vst.idx.msk vm3, v32;
	vm3 =	vmmov vm5  }
0x189: {  	v13 =	vor.u32 v0, v24;
	vm5 =	vgt.s32 v14, $0xC2FF;
	[tilespmem:v12+s9+$0x0] =	vst.idx.msk vm1, v33;
	v12 =	vld.idx.msk [tilespmem:v26+s26+$0x0], $0xffff  }
0x18a: {  	v14 =	vor.u32 v1, v24;
	vm1 =	vgt.s32 v15, $0xC2FF;
	v15 =	vld.idx.msk [tilespmem:v27+s26+$0x0], $0xffff;
	[tilespmem:v34+s9+$0x0] =	vst.idx.msk vm7, v28  }
0x18b: {  	v53 =	vor.u32 v2, v24;
	vm6 =	vgt.s32 v16, $0xC2FF;
	vm7 =	vgt.s32 v17, $0xC2FF;
	[tilespmem:v11+s9+$0x0] =	vst.idx.msk vm4, v29;
	v11 =	vld.idx.msk [tilespmem:v25+s26+$0x0], $0xffff  }
0x18c: {  	v16 =	vor.u32 v3, v24;
	vm4 =	vgt.s32 v18, $0xC2FF;
	[tilespmem:v10+s9+$0x0] =	vst.idx.msk vm2, v31;
	vm2 =	vmmov vm7;
	v10 =	vld.idx.msk [tilespmem:v23+s26+$0x0], $0xffff  }
0x18d: {  	v17 =	vor.u32 v4, v24;
	vm4 =	vmmov vm4;
	[tilespmem:v9+s9+$0x0] =	vst.idx.msk vm0, v30;
	v9 =	vld.idx.msk [tilespmem:v22+s26+$0x0], $0xffff  }
0x18e: {  	v18 =	vor.u32 v5, v24;
	vm7 =	vgt.s32 v20, $0xC2FF;
	[tilespmem:v13+s9+$0x0] =	vst.idx.msk vm3, v12;
	v12 =	vld.idx.msk [tilespmem:v21+s26+$0x0], $0xffff  }
0x18f: {  	v13 =	vor.u32 v6, v24;
	[tilespmem:v14+s9+$0x0] =	vst.idx.msk vm5, v15;
	v14 =	vld.idx.msk [tilespmem:v19+s26+$0x0], $0xffff  }
0x190: {  	[tilespmem:v53+s9+$0x0] =	vst.idx.msk vm1, v11  }
0x191: {  	[tilespmem:v16+s9+$0x0] =	vst.idx.msk vm6, v10  }
0x192: {  	s3 =	sshll.u32 s23, $0xE;
	[tilespmem:v17+s9+$0x0] =	vst.idx.msk vm2, v9  }
0x193: {  	s3 =	sand.u32 $0xF60000, s3;
	[tilespmem:v18+s9+$0x0] =	vst.idx.msk vm4, v12  }
0x194: {  	s3 =	sor.u32 s7, s3;
	[tilespmem:v13+s9+$0x0] =	vst.idx.msk vm7, v14  }
0x195: {  	s23 =	sshrl.u32 s3, $0x3;
	s0 =	rddreg [dreg:$0x6]  }
0x196: {  	s3 =	sadd.s32 s0, s23  }
0x197: {  	[hbm4b:s3+s24] =	stream.strided.scatter [tilespmem:s9], [sflag:$0x4], $0x1000, s25, s24, $0x38;
	[tilespmem:$0x1EF00] =	vst v63  }
0x198: {  	_ =	swait.ge [sflag:s30], $0x1000  }
0x199: {  	s13 =	simm.s32 $0x19740;
	[sflag:s30] =	ssyncset.done $0x0  }
0x19a: {  	s6 =	simm.s32 $0x1000;
	s4 =	rddreg [dreg:$0xc];
	[sflag:s30] =	ssyncadd.s32 $0xFFFFF000  }
0x19b: {  	[tilespmem:s28], [sflag:$0x3] =	stream.linear.gather [spmem:s4], $0x1000, $0x38;
	[tilespmem:$0x1EF00] =	vst v63  }
0x19c: {  	s8 =	simm.s32 $0x1020;
	v10 =	vmov s6;
	v9 =	vld [tilespmem:s13+$0x30]  }
0x19d: {  	vm0 =	vmmov vm7;
	s6 =	simm.s32 $0x1050;
	v10 =	vshrl.u32 v10, $0x7;
	v12 =	vmov s8;
	s8 =	simm.s32 $0x1070;
	v13 =	vld [tilespmem:s13+$0xFFFFFFD0]  }
0x19e: {  	v16 =	vmov s6;
	v19 =	vshll.u32 v10, v8;
	v56 =	vmov s8;
	v17 =	vld [tilespmem:s13+$0xFFFFFFE0]  }
0x19f: {  	v19 =	vbroadcast v19, $0x0;
	v12 =	vshrl.u32 v12, $0x7;
	v26 =	vshrl.u32 v56, $0x7;
	s3 =	simm.s32 $0x1030;
	s4 =	simm.s32 $0x1010;
	v18 =	vld [tilespmem:s13+$0xFFFFFFF0]  }
0x1a0: {  	v26 =	vshll.u32 v26, v8;
	v14 =	vmov s3;
	v11 =	vmov s4;
	s4 =	simm.s32 $0x1040;
	v20 =	vld [tilespmem:s13+$0x0]  }
0x1a1: {  	v26 =	vbroadcast v26, $0x0;
	v23 =	vld [tilespmem:s13+$0x10];
	v15 =	vmov s4;
	v11 =	vshrl.u32 v11, $0x7  }
0x1a2: {  	v14 =	vshrl.u32 v14, $0x7;
	v54 =	vld [tilespmem:s13+$0xFFFFFFC0];
	v10 =	vshll.u32 v11, v8;
	v21 =	vshrl.u32 v15, $0x7  }
0x1a3: {  	v26 =	vor.u32 v7, v26;
	v22 =	vbroadcast v10, $0x0;
	v21 =	vshll.u32 v21, v8  }
0x1a4: {  	v10 =	vadd.s32 $0xFFFF3D00, v9;
	v11 =	vadd.s32 $0xFFFF3D00, v13;
	vm0 =	vgt.s32 v13, $0xC2FF  }
0x1a5: {  	v15 =	vadd.s32 $0xFFFF3D00, v17;
	v55 =	vadd.s32 $0xFFFF3D00, v18;
	vm1 =	vgt.s32 v10, $0x0  }
0x1a6: {  	v57 =	vadd.s32 $0xFFFF3D00, v20;
	v58 =	vadd.s32 $0xFFFF3D00, v23;
	v10 =	vnsel vm1, $0x0, v10  }
0x1a7: {  	v13 =	vld [tilespmem:s13+$0x20];
	v60 =	vadd.s32 $0xFFFF3D00, v54;
	vm7 =	vgt.s32 v9, $0xC2FF;
	vm2 =	vgt.s32 v11, $0x0  }
0x1a8: {  	vm3 =	vgt.s32 v55, $0x0;
	vm4 =	vgt.s32 v57, $0x0;
	vm5 =	vgt.s32 v58, $0x0  }
0x1a9: {  	vm8 =	vgt.s32 v60, $0x0;
	vm1 =	vgt.s32 v15, $0x0;
	v62 =	vnsel vm2, $0x0, v11  }
0x1aa: {  	v30 =	vnsel vm8, $0x0, v60;
	v11 =	vnsel vm4, $0x0, v57;
	vm4 =	vgt.s32 v18, $0xC2FF  }
0x1ab: {  	vm2 =	vgt.s32 v23, $0xC2FF;
	v63 =	vnsel vm1, $0x0, v15;
	v15 =	vnsel vm3, $0x0, v55;
	v61 =	vld.idx.msk [tilespmem:v10+s26+$0x0], $0xffff  }
0x1ac: {  	vm3 =	vgt.s32 v20, $0xC2FF;
	v20 =	vshll.u32 v12, v8;
	v59 =	vadd.s32 $0xFFFF3D00, v13  }
0x1ad: {  	v20 =	vbroadcast v20, $0x0;
	vm1 =	vgt.s32 v13, $0xC2FF;
	vm6 =	vgt.s32 v59, $0x0  }
0x1ae: {  	v10 =	vnsel vm5, $0x0, v58;
	v9 =	vnsel vm6, $0x0, v59;
	vm6 =	vgt.s32 v54, $0xC2FF;
	v13 =	vld.idx.msk [tilespmem:v62+s26+$0x0], $0xffff  }
0x1af: {  	vm5 =	vgt.s32 v17, $0xC2FF;
	v12 =	vld.idx.msk [tilespmem:v30+s26+$0x0], $0xffff;
	v17 =	vor.u32 v1, v22;
	v22 =	vshll.u32 v14, v8  }
0x1b0: {  	s3 =	simm.s32 $0x0;
	s4 =	simm.s32 $0xFFFFFF80;
	v18 =	vshrl.u32 v16, $0x7;
	v16 =	vor.u32 v0, v19;
	v14 =	vld.idx.msk [tilespmem:v63+s26+$0x0], $0xffff;
	v19 =	vbroadcast v22, $0x0;
	[tilespmem:v26+s9+$0x0] =	vst.idx.msk vm7, v61  }
.LBB2_13:
0x1b1: {  	s0 =	sadd.s32 $0x1080, s3;
	v20 =	vor.u32 v2, v20;
	v15 =	vld.idx.msk [tilespmem:v15+s26+$0x0], $0xffff;
	v21 =	vbroadcast v21, $0x0;
	v18 =	vshll.u32 v18, v8;
	s6 =	smov.u32 s3  }
0x1b2: {  	s8 =	sadd.s32 $0x10A0, s3;
	v22 =	vmov s0;
	s0 =	sadd.s32 $0x1090, s3;
	v19 =	vor.u32 v3, v19;
	v11 =	vld.idx.msk [tilespmem:v11+s26+$0x0], $0xffff;
	v18 =	vbroadcast v18, $0x0  }
0x1b3: {  	s4 =	sadd.s32 $0x10E0, s4;
	s13 =	sadd.s32 $0x80, s13;
	v24 =	vmov s8;
	v23 =	vmov s0;
	s0 =	sadd.s32 $0x10B0, s3;
	v21 =	vor.u32 v4, v21;
	v10 =	vld.idx.msk [tilespmem:v10+s26+$0x0], $0xffff  }
0x1b4: {  	s8 =	sadd.s32 $0x10D0, s6;
	s3 =	sadd.s32 $0x80, s3;
	v25 =	vmov s0;
	s0 =	sadd.s32 $0x10C0, s6;
	v26 =	vld [tilespmem:s13+$0x30];
	[tilespmem:v17+s9+$0x0] =	vst.idx.msk vm0, v13;
	v13 =	vor.u32 v5, v18;
	v17 =	vmov s4  }
0x1b5: {  	v28 =	vmov s8;
	p2 =	slt.u32 s3, $0xF80;
	s4 =	smov.u32 s6;
	v18 =	vld [tilespmem:s13+$0xFFFFFFD0];
	v27 =	vmov s0;
	[tilespmem:v16+s9+$0x0] =	vst.idx.msk vm6, v12;
	v12 =	vshrl.u32 v17, $0x7  }
0x1b6: {  	v16 =	vshrl.u32 v22, $0x7;
	v17 =	vshrl.u32 v23, $0x7;
	v22 =	vld [tilespmem:s13+$0xFFFFFFE0];
	[tilespmem:v20+s9+$0x0] =	vst.idx.msk vm5, v14;
	v12 =	vshll.u32 v12, v8  }
0x1b7: {  	v23 =	vshrl.u32 v25, $0x7;
	v14 =	vshrl.u32 v24, $0x7;
	v20 =	vld [tilespmem:s13+$0xFFFFFFF0];
	[tilespmem:v19+s9+$0x0] =	vst.idx.msk vm4, v15;
	v12 =	vbroadcast v12, $0x0  }
0x1b8: {  	v16 =	vshll.u32 v16, v8;
	v24 =	vshrl.u32 v27, $0x7;
	v15 =	vshll.u32 v17, v8;
	v17 =	vld [tilespmem:s13+$0x0];
	[tilespmem:v21+s9+$0x0] =	vst.idx.msk vm3, v11  }
0x1b9: {  	v19 =	vbroadcast v15, $0x0;
	v21 =	vld [tilespmem:s13+$0x10];
	v11 =	vadd.s32 $0xFFFF3D00, v26;
	[tilespmem:v13+s9+$0x0] =	vst.idx.msk vm2, v10;
	v10 =	vor.u32 v6, v12  }
0x1ba: {  	v12 =	vadd.s32 $0xFFFF3D00, v18;
	vm0 =	vgt.s32 v18, $0xC2FF;
	v13 =	vld [tilespmem:s13+$0x20];
	vm2 =	vgt.s32 v11, $0x0  }
0x1bb: {  	s0 =	sadd.s32 $0x10F0, s4;
	v18 =	vld [tilespmem:s13+$0xFFFFFFC0];
	vm3 =	vgt.s32 v12, $0x0;
	v15 =	vadd.s32 $0xFFFF3D00, v22;
	v11 =	vnsel vm2, $0x0, v11  }
0x1bc: {  	v27 =	vmov s0;
	vm2 =	vgt.s32 v15, $0x0;
	v25 =	vadd.s32 $0xFFFF3D00, v20;
	v9 =	vld.idx.msk [tilespmem:v9+s26+$0x0], $0xffff  }
0x1bd: {  	v27 =	vshrl.u32 v27, $0x7;
	vm4 =	vgt.s32 v25, $0x0;
	v29 =	vadd.s32 $0xFFFF3D00, v17  }
0x1be: {  	v27 =	vshll.u32 v27, v8;
	vm5 =	vgt.s32 v29, $0x0;
	v30 =	vadd.s32 $0xFFFF3D00, v21  }
0x1bf: {  	v27 =	vbroadcast v27, $0x0;
	vm6 =	vgt.s32 v30, $0x0;
	v31 =	vadd.s32 $0xFFFF3D00, v13  }
0x1c0: {  	vm8 =	vgt.s32 v26, $0xC2FF;
	v32 =	vadd.s32 $0xFFFF3D00, v18;
	vm7 =	vgt.s32 v31, $0x0;
	v33 =	vld.idx.msk [tilespmem:v11+s26+$0x0], $0xffff  }
0x1c1: {  	v26 =	vor.u32 v7, v27;
	v12 =	vnsel vm3, $0x0, v12;
	vm9 =	vgt.s32 v32, $0x0  }
0x1c2: {  	v27 =	vnsel vm9, $0x0, v32;
	v32 =	vnsel vm2, $0x0, v15;
	v15 =	vnsel vm4, $0x0, v25;
	[tilespmem:v10+s9+$0x0] =	vst.idx.msk vm1, v9  }
0x1c3: {  	v11 =	vnsel vm5, $0x0, v29;
	v10 =	vnsel vm6, $0x0, v30;
	v9 =	vnsel vm7, $0x0, v31  }
.Ltmp9:
0x1c4: {  	vm5 =	vgt.s32 v22, $0xC2FF;
	vm6 =	vgt.s32 v18, $0xC2FF;
	vm4 =	vgt.s32 v20, $0xC2FF;
	(pc) =	sbr.rel @p2 .LBB2_13-.Ltmp9, $4  }
0x1c5: {  	vm3 =	vgt.s32 v17, $0xC2FF;
	vm2 =	vgt.s32 v21, $0xC2FF;
	vm1 =	vgt.s32 v13, $0xC2FF  }
0x1c6: {  	v16 =	vbroadcast v16, $0x0;
	v14 =	vshll.u32 v14, v8;
	v18 =	vshrl.u32 v28, $0x7;
	v13 =	vld.idx.msk [tilespmem:v12+s26+$0x0], $0xffff;
	[tilespmem:v26+s9+$0x0] =	vst.idx.msk vm8, v33  }
0x1c7: {  	v17 =	vor.u32 v1, v19;
	v19 =	vshll.u32 v23, v8;
	v20 =	vbroadcast v14, $0x0;
	v12 =	vld.idx.msk [tilespmem:v27+s26+$0x0], $0xffff  }
0x1c8: {  	v16 =	vor.u32 v0, v16;
	v19 =	vbroadcast v19, $0x0;
	v21 =	vshll.u32 v24, v8;
	v14 =	vld.idx.msk [tilespmem:v32+s26+$0x0], $0xffff  }
0x1c9: {  	_ = 	snop  }
0x1ca: {  	s0 =	sadd.s32 $0x10E0, s4  }
0x1cb: {  	v20 =	vor.u32 v2, v20;
	v22 =	vmov s0  }
0x1cc: {  	v21 =	vbroadcast v21, $0x0;
	v18 =	vshll.u32 v18, v8;
	v22 =	vshrl.u32 v22, $0x7  }
0x1cd: {  	v15 =	vld.idx.msk [tilespmem:v15+s26+$0x0], $0xffff;
	v19 =	vor.u32 v3, v19;
	v18 =	vbroadcast v18, $0x0;
	v22 =	vshll.u32 v22, v8  }
0x1ce: {  	v11 =	vld.idx.msk [tilespmem:v11+s26+$0x0], $0xffff;
	v21 =	vor.u32 v4, v21;
	v22 =	vbroadcast v22, $0x0  }
0x1cf: {  	v10 =	vld.idx.msk [tilespmem:v10+s26+$0x0], $0xffff;
	[tilespmem:v17+s9+$0x0] =	vst.idx.msk vm0, v13;
	v13 =	vor.u32 v5, v18  }
0x1d0: {  	v9 =	vld.idx.msk [tilespmem:v9+s26+$0x0], $0xffff;
	[tilespmem:v16+s9+$0x0] =	vst.idx.msk vm6, v12;
	v12 =	vor.u32 v6, v22  }
0x1d1: {  	[tilespmem:v20+s9+$0x0] =	vst.idx.msk vm5, v14  }
0x1d2: {  	[tilespmem:v19+s9+$0x0] =	vst.idx.msk vm4, v15  }
0x1d3: {  	[tilespmem:v21+s9+$0x0] =	vst.idx.msk vm3, v11  }
0x1d4: {  	[tilespmem:v13+s9+$0x0] =	vst.idx.msk vm2, v10  }
0x1d5: {  	s13 =	sadd.s32 s23, s17;
	s3 =	simm.s32 $0x1B700;
	[tilespmem:v12+s9+$0x0] =	vst.idx.msk vm1, v9  }
0x1d6: {  	[hbm4b:s13+s24] =	stream.strided.scatter [tilespmem:s3], [sflag:$0x4], $0x1000, s25, s24, $0x38;
	[tilespmem:$0x1EF00] =	vst v63  }
0x1d7: {  	_ =	swait.ge [sflag:s30], $0x1000  }
0x1d8: {  	[sflag:s30] =	ssyncset.done $0x0  }
0x1d9: {  	s13 =	simm.s32 $0x18740;
	[sflag:s30] =	ssyncadd.s32 $0xFFFFF000  }
0x1da: {  	[tilespmem:s31], [sflag:$0x3] =	stream.linear.gather [spmem:s16], $0x1000, $0x38;
	[tilespmem:$0x1EF00] =	vst v63  }
0x1db: {  	s4 =	simm.s32 $0x2000;
	s6 =	simm.s32 $0x2010;
	s8 =	simm.s32 $0x2020;
	v9 =	vld [tilespmem:s13+$0x30]  }
0x1dc: {  	v11 =	vmov s6;
	s6 =	simm.s32 $0x2050;
	v10 =	vmov s4;
	v12 =	vmov s8;
	s8 =	simm.s32 $0x2070;
	v13 =	vld [tilespmem:s13+$0xFFFFFFD0]  }
0x1dd: {  	s4 =	simm.s32 $0x2040;
	v16 =	vmov s6;
	v11 =	vshrl.u32 v11, $0x7;
	v26 =	vmov s8;
	v17 =	vld [tilespmem:s13+$0xFFFFFFE0]  }
0x1de: {  	v15 =	vmov s4;
	v10 =	vshrl.u32 v10, $0x7;
	v26 =	vshrl.u32 v26, $0x7;
	v18 =	vld [tilespmem:s13+$0xFFFFFFF0]  }
0x1df: {  	v19 =	vshll.u32 v10, v8;
	v10 =	vshll.u32 v11, v8;
	v26 =	vshll.u32 v26, v8;
	v20 =	vld [tilespmem:s13+$0x0]  }
0x1e0: {  	v21 =	vshrl.u32 v15, $0x7;
	v22 =	vbroadcast v10, $0x0;
	s3 =	simm.s32 $0x2030;
	v26 =	vbroadcast v26, $0x0;
	v23 =	vld [tilespmem:s13+$0x10]  }
0x1e1: {  	v19 =	vbroadcast v19, $0x0;
	v21 =	vshll.u32 v21, v8;
	v14 =	vmov s3;
	v24 =	vld [tilespmem:s13+$0xFFFFFFC0]  }
0x1e2: {  	v12 =	vshrl.u32 v12, $0x7;
	v14 =	vshrl.u32 v14, $0x7;
	v26 =	vor.u32 v7, v26  }
0x1e3: {  	v10 =	vadd.s32 $0xFFFF3D00, v9;
	v11 =	vadd.s32 $0xFFFF3D00, v13;
	vm0 =	vgt.s32 v13, $0xC2FF  }
0x1e4: {  	v15 =	vadd.s32 $0xFFFF3D00, v17;
	v25 =	vadd.s32 $0xFFFF3D00, v18;
	vm1 =	vgt.s32 v10, $0x0  }
0x1e5: {  	v27 =	vadd.s32 $0xFFFF3D00, v20;
	v28 =	vadd.s32 $0xFFFF3D00, v23;
	v10 =	vnsel vm1, $0x0, v10  }
0x1e6: {  	v13 =	vld [tilespmem:s13+$0x20];
	v30 =	vadd.s32 $0xFFFF3D00, v24;
	vm7 =	vgt.s32 v9, $0xC2FF;
	vm2 =	vgt.s32 v11, $0x0  }
0x1e7: {  	vm3 =	vgt.s32 v25, $0x0;
	vm4 =	vgt.s32 v27, $0x0;
	vm5 =	vgt.s32 v28, $0x0  }
0x1e8: {  	vm8 =	vgt.s32 v30, $0x0;
	vm1 =	vgt.s32 v15, $0x0;
	v32 =	vnsel vm2, $0x0, v11  }
0x1e9: {  	v30 =	vnsel vm8, $0x0, v30;
	v11 =	vnsel vm4, $0x0, v27;
	vm4 =	vgt.s32 v18, $0xC2FF  }
0x1ea: {  	vm2 =	vgt.s32 v23, $0xC2FF;
	v33 =	vnsel vm1, $0x0, v15;
	v15 =	vnsel vm3, $0x0, v25;
	v31 =	vld.idx.msk [tilespmem:v10+s26+$0x0], $0xffff  }
0x1eb: {  	vm3 =	vgt.s32 v20, $0xC2FF;
	v20 =	vshll.u32 v12, v8;
	v29 =	vadd.s32 $0xFFFF3D00, v13  }
0x1ec: {  	v20 =	vbroadcast v20, $0x0;
	vm1 =	vgt.s32 v13, $0xC2FF;
	vm6 =	vgt.s32 v29, $0x0  }
0x1ed: {  	v10 =	vnsel vm5, $0x0, v28;
	v9 =	vnsel vm6, $0x0, v29;
	vm6 =	vgt.s32 v24, $0xC2FF;
	v13 =	vld.idx.msk [tilespmem:v32+s26+$0x0], $0xffff  }
0x1ee: {  	vm5 =	vgt.s32 v17, $0xC2FF;
	v12 =	vld.idx.msk [tilespmem:v30+s26+$0x0], $0xffff;
	v17 =	vor.u32 v1, v22;
	v22 =	vshll.u32 v14, v8  }
0x1ef: {  	s4 =	simm.s32 $0xFFFFFF80;
	s3 =	simm.s32 $0x0;
	v18 =	vshrl.u32 v16, $0x7;
	v16 =	vor.u32 v0, v19;
	v14 =	vld.idx.msk [tilespmem:v33+s26+$0x0], $0xffff;
	v19 =	vbroadcast v22, $0x0;
	[tilespmem:v26+s9+$0x0] =	vst.idx.msk vm7, v31  }
.LBB2_15:
0x1f0: {  	s0 =	sadd.s32 $0x2080, s3;
	v20 =	vor.u32 v2, v20;
	v15 =	vld.idx.msk [tilespmem:v15+s26+$0x0], $0xffff;
	v21 =	vbroadcast v21, $0x0;
	v18 =	vshll.u32 v18, v8;
	s6 =	smov.u32 s3  }
0x1f1: {  	s8 =	sadd.s32 $0x20A0, s3;
	v22 =	vmov s0;
	s0 =	sadd.s32 $0x2090, s3;
	v19 =	vor.u32 v3, v19;
	v11 =	vld.idx.msk [tilespmem:v11+s26+$0x0], $0xffff;
	v18 =	vbroadcast v18, $0x0  }
0x1f2: {  	s4 =	sadd.s32 $0x20E0, s4;
	s13 =	sadd.s32 $0x80, s13;
	v24 =	vmov s8;
	v23 =	vmov s0;
	s0 =	sadd.s32 $0x20B0, s3;
	v21 =	vor.u32 v4, v21;
	v10 =	vld.idx.msk [tilespmem:v10+s26+$0x0], $0xffff  }
0x1f3: {  	s8 =	sadd.s32 $0x20D0, s6;
	s3 =	sadd.s32 $0x80, s3;
	v25 =	vmov s0;
	s0 =	sadd.s32 $0x20C0, s6;
	v26 =	vld [tilespmem:s13+$0x30];
	[tilespmem:v17+s9+$0x0] =	vst.idx.msk vm0, v13;
	v13 =	vor.u32 v5, v18;
	v17 =	vmov s4  }
0x1f4: {  	v28 =	vmov s8;
	p2 =	slt.u32 s3, $0xF80;
	s4 =	smov.u32 s6;
	v18 =	vld [tilespmem:s13+$0xFFFFFFD0];
	v27 =	vmov s0;
	[tilespmem:v16+s9+$0x0] =	vst.idx.msk vm6, v12;
	v12 =	vshrl.u32 v17, $0x7  }
0x1f5: {  	v16 =	vshrl.u32 v22, $0x7;
	v17 =	vshrl.u32 v23, $0x7;
	v22 =	vld [tilespmem:s13+$0xFFFFFFE0];
	[tilespmem:v20+s9+$0x0] =	vst.idx.msk vm5, v14;
	v12 =	vshll.u32 v12, v8  }
0x1f6: {  	v23 =	vshrl.u32 v25, $0x7;
	v14 =	vshrl.u32 v24, $0x7;
	v20 =	vld [tilespmem:s13+$0xFFFFFFF0];
	[tilespmem:v19+s9+$0x0] =	vst.idx.msk vm4, v15;
	v12 =	vbroadcast v12, $0x0  }
0x1f7: {  	v16 =	vshll.u32 v16, v8;
	v24 =	vshrl.u32 v27, $0x7;
	v15 =	vshll.u32 v17, v8;
	v17 =	vld [tilespmem:s13+$0x0];
	[tilespmem:v21+s9+$0x0] =	vst.idx.msk vm3, v11  }
0x1f8: {  	v19 =	vbroadcast v15, $0x0;
	v21 =	vld [tilespmem:s13+$0x10];
	v11 =	vadd.s32 $0xFFFF3D00, v26;
	[tilespmem:v13+s9+$0x0] =	vst.idx.msk vm2, v10;
	v10 =	vor.u32 v6, v12  }
0x1f9: {  	v12 =	vadd.s32 $0xFFFF3D00, v18;
	vm0 =	vgt.s32 v18, $0xC2FF;
	v13 =	vld [tilespmem:s13+$0x20];
	vm2 =	vgt.s32 v11, $0x0  }
0x1fa: {  	s0 =	sadd.s32 $0x20F0, s4;
	v18 =	vld [tilespmem:s13+$0xFFFFFFC0];
	vm3 =	vgt.s32 v12, $0x0;
	v15 =	vadd.s32 $0xFFFF3D00, v22;
	v11 =	vnsel vm2, $0x0, v11  }
0x1fb: {  	v27 =	vmov s0;
	vm2 =	vgt.s32 v15, $0x0;
	v25 =	vadd.s32 $0xFFFF3D00, v20;
	v9 =	vld.idx.msk [tilespmem:v9+s26+$0x0], $0xffff  }
0x1fc: {  	v27 =	vshrl.u32 v27, $0x7;
	vm4 =	vgt.s32 v25, $0x0;
	v29 =	vadd.s32 $0xFFFF3D00, v17  }
0x1fd: {  	v27 =	vshll.u32 v27, v8;
	vm5 =	vgt.s32 v29, $0x0;
	v30 =	vadd.s32 $0xFFFF3D00, v21  }
0x1fe: {  	v27 =	vbroadcast v27, $0x0;
	vm6 =	vgt.s32 v30, $0x0;
	v31 =	vadd.s32 $0xFFFF3D00, v13  }
0x1ff: {  	vm8 =	vgt.s32 v26, $0xC2FF;
	v32 =	vadd.s32 $0xFFFF3D00, v18;
	vm7 =	vgt.s32 v31, $0x0;
	v33 =	vld.idx.msk [tilespmem:v11+s26+$0x0], $0xffff  }
0x200: {  	v26 =	vor.u32 v7, v27;
	v12 =	vnsel vm3, $0x0, v12;
	vm9 =	vgt.s32 v32, $0x0  }
0x201: {  	v27 =	vnsel vm9, $0x0, v32;
	v32 =	vnsel vm2, $0x0, v15;
	v15 =	vnsel vm4, $0x0, v25;
	[tilespmem:v10+s9+$0x0] =	vst.idx.msk vm1, v9  }
0x202: {  	v11 =	vnsel vm5, $0x0, v29;
	v10 =	vnsel vm6, $0x0, v30;
	v9 =	vnsel vm7, $0x0, v31  }
.Ltmp10:
0x203: {  	vm5 =	vgt.s32 v22, $0xC2FF;
	vm6 =	vgt.s32 v18, $0xC2FF;
	vm4 =	vgt.s32 v20, $0xC2FF;
	(pc) =	sbr.rel @p2 .LBB2_15-.Ltmp10, $4  }
0x204: {  	vm3 =	vgt.s32 v17, $0xC2FF;
	vm2 =	vgt.s32 v21, $0xC2FF;
	vm1 =	vgt.s32 v13, $0xC2FF  }
0x205: {  	v16 =	vbroadcast v16, $0x0;
	v14 =	vshll.u32 v14, v8;
	v18 =	vshrl.u32 v28, $0x7;
	v13 =	vld.idx.msk [tilespmem:v12+s26+$0x0], $0xffff;
	[tilespmem:v26+s9+$0x0] =	vst.idx.msk vm8, v33  }
0x206: {  	v17 =	vor.u32 v1, v19;
	v19 =	vshll.u32 v23, v8;
	v20 =	vbroadcast v14, $0x0;
	v12 =	vld.idx.msk [tilespmem:v27+s26+$0x0], $0xffff  }
0x207: {  	v16 =	vor.u32 v0, v16;
	v19 =	vbroadcast v19, $0x0;
	v21 =	vshll.u32 v24, v8;
	v14 =	vld.idx.msk [tilespmem:v32+s26+$0x0], $0xffff  }
0x208: {  	_ = 	snop  }
0x209: {  	s0 =	sadd.s32 $0x20E0, s4  }
0x20a: {  	v20 =	vor.u32 v2, v20;
	v22 =	vmov s0  }
0x20b: {  	v21 =	vbroadcast v21, $0x0;
	v18 =	vshll.u32 v18, v8;
	v22 =	vshrl.u32 v22, $0x7  }
0x20c: {  	v15 =	vld.idx.msk [tilespmem:v15+s26+$0x0], $0xffff;
	v19 =	vor.u32 v3, v19;
	v18 =	vbroadcast v18, $0x0;
	v22 =	vshll.u32 v22, v8  }
0x20d: {  	v11 =	vld.idx.msk [tilespmem:v11+s26+$0x0], $0xffff;
	v21 =	vor.u32 v4, v21;
	v22 =	vbroadcast v22, $0x0  }
0x20e: {  	v10 =	vld.idx.msk [tilespmem:v10+s26+$0x0], $0xffff;
	[tilespmem:v17+s9+$0x0] =	vst.idx.msk vm0, v13;
	v13 =	vor.u32 v5, v18  }
0x20f: {  	v9 =	vld.idx.msk [tilespmem:v9+s26+$0x0], $0xffff;
	[tilespmem:v16+s9+$0x0] =	vst.idx.msk vm6, v12;
	v12 =	vor.u32 v6, v22  }
0x210: {  	[tilespmem:v20+s9+$0x0] =	vst.idx.msk vm5, v14  }
0x211: {  	[tilespmem:v19+s9+$0x0] =	vst.idx.msk vm4, v15  }
0x212: {  	[tilespmem:v21+s9+$0x0] =	vst.idx.msk vm3, v11  }
0x213: {  	[tilespmem:v13+s9+$0x0] =	vst.idx.msk vm2, v10  }
0x214: {  	s13 =	sadd.s32 s23, s18;
	s3 =	simm.s32 $0x1C700;
	[tilespmem:v12+s9+$0x0] =	vst.idx.msk vm1, v9  }
0x215: {  	[hbm4b:s13+s24] =	stream.strided.scatter [tilespmem:s3], [sflag:$0x4], $0x1000, s25, s24, $0x38;
	[tilespmem:$0x1EF00] =	vst v63  }
0x216: {  	_ =	swait.ge [sflag:s30], $0x1000  }
0x217: {  	[sflag:s30] =	ssyncset.done $0x0  }
0x218: {  	s13 =	simm.s32 $0x19740;
	[sflag:s30] =	ssyncadd.s32 $0xFFFFF000  }
0x219: {  	s4 =	simm.s32 $0x3000;
	s6 =	simm.s32 $0x3010;
	s8 =	simm.s32 $0x3020;
	v9 =	vld [tilespmem:s13+$0x30]  }
0x21a: {  	v11 =	vmov s6;
	s6 =	simm.s32 $0x3050;
	v10 =	vmov s4;
	v12 =	vmov s8;
	s8 =	simm.s32 $0x3070;
	v13 =	vld [tilespmem:s13+$0xFFFFFFD0]  }
0x21b: {  	s4 =	simm.s32 $0x3040;
	v16 =	vmov s6;
	v11 =	vshrl.u32 v11, $0x7;
	v26 =	vmov s8;
	v17 =	vld [tilespmem:s13+$0xFFFFFFE0]  }
0x21c: {  	v15 =	vmov s4;
	v10 =	vshrl.u32 v10, $0x7;
	v26 =	vshrl.u32 v26, $0x7;
	v18 =	vld [tilespmem:s13+$0xFFFFFFF0]  }
0x21d: {  	v19 =	vshll.u32 v10, v8;
	v10 =	vshll.u32 v11, v8;
	v26 =	vshll.u32 v26, v8;
	v20 =	vld [tilespmem:s13+$0x0]  }
0x21e: {  	v21 =	vshrl.u32 v15, $0x7;
	v22 =	vbroadcast v10, $0x0;
	s3 =	simm.s32 $0x3030;
	v26 =	vbroadcast v26, $0x0;
	v23 =	vld [tilespmem:s13+$0x10]  }
0x21f: {  	v19 =	vbroadcast v19, $0x0;
	v21 =	vshll.u32 v21, v8;
	v14 =	vmov s3;
	v24 =	vld [tilespmem:s13+$0xFFFFFFC0]  }
0x220: {  	v12 =	vshrl.u32 v12, $0x7;
	v14 =	vshrl.u32 v14, $0x7;
	v26 =	vor.u32 v7, v26  }
0x221: {  	v10 =	vadd.s32 $0xFFFF3D00, v9;
	v11 =	vadd.s32 $0xFFFF3D00, v13;
	vm0 =	vgt.s32 v13, $0xC2FF  }
0x222: {  	v15 =	vadd.s32 $0xFFFF3D00, v17;
	v25 =	vadd.s32 $0xFFFF3D00, v18;
	vm1 =	vgt.s32 v10, $0x0  }
0x223: {  	v27 =	vadd.s32 $0xFFFF3D00, v20;
	v28 =	vadd.s32 $0xFFFF3D00, v23;
	v10 =	vnsel vm1, $0x0, v10  }
0x224: {  	v13 =	vld [tilespmem:s13+$0x20];
	v30 =	vadd.s32 $0xFFFF3D00, v24;
	vm7 =	vgt.s32 v9, $0xC2FF;
	vm2 =	vgt.s32 v11, $0x0  }
0x225: {  	vm3 =	vgt.s32 v25, $0x0;
	vm4 =	vgt.s32 v27, $0x0;
	vm5 =	vgt.s32 v28, $0x0  }
0x226: {  	vm8 =	vgt.s32 v30, $0x0;
	vm1 =	vgt.s32 v15, $0x0;
	v32 =	vnsel vm2, $0x0, v11  }
0x227: {  	v30 =	vnsel vm8, $0x0, v30;
	v11 =	vnsel vm4, $0x0, v27;
	vm4 =	vgt.s32 v18, $0xC2FF  }
0x228: {  	vm2 =	vgt.s32 v23, $0xC2FF;
	v33 =	vnsel vm1, $0x0, v15;
	v15 =	vnsel vm3, $0x0, v25;
	v31 =	vld.idx.msk [tilespmem:v10+s26+$0x0], $0xffff  }
0x229: {  	vm3 =	vgt.s32 v20, $0xC2FF;
	v20 =	vshll.u32 v12, v8;
	v29 =	vadd.s32 $0xFFFF3D00, v13  }
0x22a: {  	v20 =	vbroadcast v20, $0x0;
	vm1 =	vgt.s32 v13, $0xC2FF;
	vm6 =	vgt.s32 v29, $0x0  }
0x22b: {  	v10 =	vnsel vm5, $0x0, v28;
	v9 =	vnsel vm6, $0x0, v29;
	vm6 =	vgt.s32 v24, $0xC2FF;
	v13 =	vld.idx.msk [tilespmem:v32+s26+$0x0], $0xffff  }
0x22c: {  	vm5 =	vgt.s32 v17, $0xC2FF;
	v12 =	vld.idx.msk [tilespmem:v30+s26+$0x0], $0xffff;
	v17 =	vor.u32 v1, v22;
	v22 =	vshll.u32 v14, v8  }
0x22d: {  	s4 =	simm.s32 $0xFFFFFF80;
	s3 =	simm.s32 $0x0;
	v18 =	vshrl.u32 v16, $0x7;
	v16 =	vor.u32 v0, v19;
	v14 =	vld.idx.msk [tilespmem:v33+s26+$0x0], $0xffff;
	v19 =	vbroadcast v22, $0x0;
	[tilespmem:v26+s9+$0x0] =	vst.idx.msk vm7, v31  }
.LBB2_17:
0x22e: {  	s0 =	sadd.s32 $0x3080, s3;
	v20 =	vor.u32 v2, v20;
	v15 =	vld.idx.msk [tilespmem:v15+s26+$0x0], $0xffff;
	v21 =	vbroadcast v21, $0x0;
	v18 =	vshll.u32 v18, v8;
	s6 =	smov.u32 s3  }
0x22f: {  	s8 =	sadd.s32 $0x30A0, s3;
	v22 =	vmov s0;
	s0 =	sadd.s32 $0x3090, s3;
	v19 =	vor.u32 v3, v19;
	v11 =	vld.idx.msk [tilespmem:v11+s26+$0x0], $0xffff;
	v18 =	vbroadcast v18, $0x0  }
0x230: {  	s4 =	sadd.s32 $0x30E0, s4;
	s13 =	sadd.s32 $0x80, s13;
	v24 =	vmov s8;
	v23 =	vmov s0;
	s0 =	sadd.s32 $0x30B0, s3;
	v21 =	vor.u32 v4, v21;
	v10 =	vld.idx.msk [tilespmem:v10+s26+$0x0], $0xffff  }
0x231: {  	s8 =	sadd.s32 $0x30D0, s6;
	s3 =	sadd.s32 $0x80, s3;
	v25 =	vmov s0;
	s0 =	sadd.s32 $0x30C0, s6;
	v26 =	vld [tilespmem:s13+$0x30];
	[tilespmem:v17+s9+$0x0] =	vst.idx.msk vm0, v13;
	v13 =	vor.u32 v5, v18;
	v17 =	vmov s4  }
0x232: {  	v28 =	vmov s8;
	p2 =	slt.u32 s3, $0xF80;
	s4 =	smov.u32 s6;
	v18 =	vld [tilespmem:s13+$0xFFFFFFD0];
	v27 =	vmov s0;
	[tilespmem:v16+s9+$0x0] =	vst.idx.msk vm6, v12;
	v12 =	vshrl.u32 v17, $0x7  }
0x233: {  	v16 =	vshrl.u32 v22, $0x7;
	v17 =	vshrl.u32 v23, $0x7;
	v22 =	vld [tilespmem:s13+$0xFFFFFFE0];
	[tilespmem:v20+s9+$0x0] =	vst.idx.msk vm5, v14;
	v12 =	vshll.u32 v12, v8  }
0x234: {  	v23 =	vshrl.u32 v25, $0x7;
	v14 =	vshrl.u32 v24, $0x7;
	v20 =	vld [tilespmem:s13+$0xFFFFFFF0];
	[tilespmem:v19+s9+$0x0] =	vst.idx.msk vm4, v15;
	v12 =	vbroadcast v12, $0x0  }
0x235: {  	v16 =	vshll.u32 v16, v8;
	v24 =	vshrl.u32 v27, $0x7;
	v15 =	vshll.u32 v17, v8;
	v17 =	vld [tilespmem:s13+$0x0];
	[tilespmem:v21+s9+$0x0] =	vst.idx.msk vm3, v11  }
0x236: {  	v19 =	vbroadcast v15, $0x0;
	v21 =	vld [tilespmem:s13+$0x10];
	v11 =	vadd.s32 $0xFFFF3D00, v26;
	[tilespmem:v13+s9+$0x0] =	vst.idx.msk vm2, v10;
	v10 =	vor.u32 v6, v12  }
0x237: {  	v12 =	vadd.s32 $0xFFFF3D00, v18;
	vm0 =	vgt.s32 v18, $0xC2FF;
	v13 =	vld [tilespmem:s13+$0x20];
	vm2 =	vgt.s32 v11, $0x0  }
0x238: {  	s0 =	sadd.s32 $0x30F0, s4;
	v18 =	vld [tilespmem:s13+$0xFFFFFFC0];
	vm3 =	vgt.s32 v12, $0x0;
	v15 =	vadd.s32 $0xFFFF3D00, v22;
	v11 =	vnsel vm2, $0x0, v11  }
0x239: {  	v27 =	vmov s0;
	vm2 =	vgt.s32 v15, $0x0;
	v25 =	vadd.s32 $0xFFFF3D00, v20;
	v9 =	vld.idx.msk [tilespmem:v9+s26+$0x0], $0xffff  }
0x23a: {  	v27 =	vshrl.u32 v27, $0x7;
	vm4 =	vgt.s32 v25, $0x0;
	v29 =	vadd.s32 $0xFFFF3D00, v17  }
0x23b: {  	v27 =	vshll.u32 v27, v8;
	vm5 =	vgt.s32 v29, $0x0;
	v30 =	vadd.s32 $0xFFFF3D00, v21  }
0x23c: {  	v27 =	vbroadcast v27, $0x0;
	vm6 =	vgt.s32 v30, $0x0;
	v31 =	vadd.s32 $0xFFFF3D00, v13  }
0x23d: {  	vm8 =	vgt.s32 v26, $0xC2FF;
	v32 =	vadd.s32 $0xFFFF3D00, v18;
	vm7 =	vgt.s32 v31, $0x0;
	v33 =	vld.idx.msk [tilespmem:v11+s26+$0x0], $0xffff  }
0x23e: {  	v26 =	vor.u32 v7, v27;
	v12 =	vnsel vm3, $0x0, v12;
	vm9 =	vgt.s32 v32, $0x0  }
0x23f: {  	v27 =	vnsel vm9, $0x0, v32;
	v32 =	vnsel vm2, $0x0, v15;
	v15 =	vnsel vm4, $0x0, v25;
	[tilespmem:v10+s9+$0x0] =	vst.idx.msk vm1, v9  }
0x240: {  	v11 =	vnsel vm5, $0x0, v29;
	v10 =	vnsel vm6, $0x0, v30;
	v9 =	vnsel vm7, $0x0, v31  }
.Ltmp11:
0x241: {  	vm5 =	vgt.s32 v22, $0xC2FF;
	vm6 =	vgt.s32 v18, $0xC2FF;
	vm4 =	vgt.s32 v20, $0xC2FF;
	(pc) =	sbr.rel @p2 .LBB2_17-.Ltmp11, $4  }
0x242: {  	vm3 =	vgt.s32 v17, $0xC2FF;
	vm2 =	vgt.s32 v21, $0xC2FF;
	vm1 =	vgt.s32 v13, $0xC2FF  }
0x243: {  	v16 =	vbroadcast v16, $0x0;
	v14 =	vshll.u32 v14, v8;
	v18 =	vshrl.u32 v28, $0x7;
	v13 =	vld.idx.msk [tilespmem:v12+s26+$0x0], $0xffff;
	[tilespmem:v26+s9+$0x0] =	vst.idx.msk vm8, v33  }
0x244: {  	v17 =	vor.u32 v1, v19;
	v19 =	vshll.u32 v23, v8;
	v20 =	vbroadcast v14, $0x0;
	v12 =	vld.idx.msk [tilespmem:v27+s26+$0x0], $0xffff  }
0x245: {  	v16 =	vor.u32 v0, v16;
	v19 =	vbroadcast v19, $0x0;
	v21 =	vshll.u32 v24, v8;
	v14 =	vld.idx.msk [tilespmem:v32+s26+$0x0], $0xffff  }
0x246: {  	_ = 	snop  }
0x247: {  	s0 =	sadd.s32 $0x30E0, s4  }
0x248: {  	v20 =	vor.u32 v2, v20;
	v22 =	vmov s0  }
0x249: {  	v21 =	vbroadcast v21, $0x0;
	v18 =	vshll.u32 v18, v8;
	v22 =	vshrl.u32 v22, $0x7  }
0x24a: {  	v15 =	vld.idx.msk [tilespmem:v15+s26+$0x0], $0xffff;
	v19 =	vor.u32 v3, v19;
	v18 =	vbroadcast v18, $0x0;
	v22 =	vshll.u32 v22, v8  }
0x24b: {  	v11 =	vld.idx.msk [tilespmem:v11+s26+$0x0], $0xffff;
	v21 =	vor.u32 v4, v21;
	v22 =	vbroadcast v22, $0x0  }
0x24c: {  	v10 =	vld.idx.msk [tilespmem:v10+s26+$0x0], $0xffff;
	[tilespmem:v17+s9+$0x0] =	vst.idx.msk vm0, v13;
	v13 =	vor.u32 v5, v18  }
0x24d: {  	v9 =	vld.idx.msk [tilespmem:v9+s26+$0x0], $0xffff;
	[tilespmem:v16+s9+$0x0] =	vst.idx.msk vm6, v12;
	v12 =	vor.u32 v6, v22  }
0x24e: {  	[tilespmem:v20+s9+$0x0] =	vst.idx.msk vm5, v14  }
0x24f: {  	[tilespmem:v19+s9+$0x0] =	vst.idx.msk vm4, v15  }
0x250: {  	[tilespmem:v21+s9+$0x0] =	vst.idx.msk vm3, v11  }
0x251: {  	[tilespmem:v13+s9+$0x0] =	vst.idx.msk vm2, v10  }
0x252: {  	s23 =	sadd.s32 s23, s19;
	s3 =	simm.s32 $0x1D700;
	[tilespmem:v12+s9+$0x0] =	vst.idx.msk vm1, v9  }
0x253: {  	[hbm4b:s23+s24] =	stream.strided.scatter [tilespmem:s3], [sflag:$0x4], $0x1000, s25, s24, $0x38;
	[tilespmem:$0x1EF00] =	vst v63  }
0x254: {  	s3 =	rddreg [dreg:$0xa]  }
0x255: {  	s0 =	sadd.s32 s3, s10  }
0x256: {  	s4 =	rddreg [dreg:$0x0];
	s0 =	sshrl.u32 s0, $0x3  }
0x257: {  	s0 =	sadd.s32 s4, s0  }
0x258: {  	[tilespmem:s26], [sflag:$0x2] =	stream.strided.gather [hbm4b:s0+s24], $0xC400, s25, s24, $0x38;
	[tilespmem:$0x1EF00] =	vst v63  }
0x259: {  	s23 =	sor.u32 $0x1, s1;
	s0 =	simm.s32 @!p0 $0x5  }
0x25a: {  	p2 =	slt.u32 s23, $0x19;
	_ =	swait.ge @!p0 [sflag:s0], $0x800  }
0x25b: {  	p2 =	por !p1, !p2;
	[sflag:s0] =	ssyncset.done @!p0 $0x0  }
0x25c: {  	p2 =	por !p2, !p2;
	[sflag:s0] =	ssyncadd.s32 @!p0 $0xFFFFF800  }
0x25d: {  	s0 =	sadd.s32 @p2 $0x2, s1;
	[bflag:$0x0] =	sbarrier.arrive $0xFFFF  }
0x25e: {  	s1 =	sshll.u32 @p2 s0, $0x4;
	s6 =	rddreg [dreg:$0x4]  }
0x25f: {  	s0 =	sshll.u32 @p2 s0, $0xB;
	s1 =	sand.u32 @p2 $0x60, s1;
	s3 =	rddreg [dreg:$0x1]  }
0x260: {  	[tilespmem:s28], [sflag:$0x3] =	stream.linear.gather [spmem:s6], $0x1000, $0x38;
	[tilespmem:$0x1EF00] =	vst v63  }
0x261: {  	s4 =	simm.s32 @p2 $0x10;
	s0 =	sand.u32 @p2 $0x1C000, s0;
	s1 =	sadd.s32 @p2 s3, s1  }
0x262: {  	s8 =	simm.s32 @p2 $0x1C05;
	s0 =	sadd.s32 @p2 s0, s1;
	s1 =	rddreg [dreg:$0x3]  }
0x263: {  	s3 =	simm.s32 @p2 $0x1;
	s6 =	simm.s32 @p2 $0x80;
	s1 =	sshrl.u32 @p2 s1, $0x3  }
0x264: {  	[spmem:s1@s4], [sflag:s8] =	dma.strided @p2 [hbm:s0@s6], $0x800, s3, $0x10   }
0x265: {  	_ =	swait.ge [sflag:s11], $0x1000  }
0x266: {  	[sflag:s11] =	ssyncset.done $0x0  }
0x267: {  	[sflag:s11] =	ssyncadd.s32 $0xFFFFF000  }
0x268: {  	_ =	swait.ge [sflag:s11], $0x1000  }
0x269: {  	[sflag:s11] =	ssyncset.done $0x0  }
0x26a: {  	[sflag:s11] =	ssyncadd.s32 $0xFFFFF000  }
0x26b: {  	_ =	swait.ge [sflag:s11], $0x1000  }
0x26c: {  	[sflag:s11] =	ssyncset.done $0x0  }
0x26d: {  	[sflag:s11] =	ssyncadd.s32 $0xFFFFF000  }
0x26e: {  	_ =	swait.ge [sflag:s11], $0x1000  }
0x26f: {  	[sflag:s11] =	ssyncset.done $0x0  }
0x270: {  	[sflag:s11] =	ssyncadd.s32 $0xFFFFF000  }
0x271: {  	_ =	swait.ge [sflag:s29], $0xC300  }
0x272: {  	[sflag:s29] =	ssyncset.done $0x0  }
0x273: {  	[sflag:s29] =	ssyncadd.s32 $0xFFFF3D00  }
0x274: {  	_ =	swait.ge [sflag:s30], $0x1000  }
0x275: {  	[sflag:s30] =	ssyncset.done $0x0  }
0x276: {  	s8 =	simm.s32 $0x18740;
	[sflag:s30] =	ssyncadd.s32 $0xFFFFF000  }
0x277: {  	[tilespmem:s31], [sflag:$0x3] =	stream.linear.gather [spmem:s20], $0x1000, $0x38;
	[tilespmem:$0x1EF00] =	vst v63  }
0x278: {  	v9 =	vld [tilespmem:s8+$0x30]  }
0x279: {  	v12 =	vld [tilespmem:s8+$0xFFFFFFF0]  }
0x27a: {  	v13 =	vld [tilespmem:s8+$0x0]  }
0x27b: {  	v10 =	vld [tilespmem:s8+$0xFFFFFFD0]  }
0x27c: {  	v11 =	vld [tilespmem:s8+$0xFFFFFFE0]  }
0x27d: {  	v14 =	vld [tilespmem:s8+$0x10]  }
0x27e: {  	v15 =	vld [tilespmem:s8+$0x20];
	vm15 =	vlt.s32 v12, $0xC2FF  }
0x27f: {  	s10 =	simm.s32 $0x187C0;
	v16 =	vld [tilespmem:s8+$0xFFFFFFC0];
	vm4 =	vlt.s32 v13, $0xC2FF;
	v12 =	vnsel vm15, $0xC2FF, v12  }
0x280: {  	v19 =	vld [tilespmem:s10+$0xFFFFFFE0];
	v13 =	vnsel vm4, $0xC2FF, v13  }
0x281: {  	v60 =	vld [tilespmem:s10+$0xFFFFFFF0]  }
0x282: {  	v61 =	vld [tilespmem:s10+$0x0]  }
0x283: {  	v62 =	vld [tilespmem:s10+$0x10];
	vm12 =	vlt.s32 v9, $0xC2FF  }
0x284: {  	vm13 =	vlt.s32 v10, $0xC2FF;
	v9 =	vnsel vm12, $0xC2FF, v9;
	v17 =	vld.idx.msk [tilespmem:v12+s5+$0x0], $0xffff  }
0x285: {  	vm14 =	vlt.s32 v11, $0xC2FF;
	v10 =	vnsel vm13, $0xC2FF, v10;
	v18 =	vld.idx.msk [tilespmem:v13+s5+$0x0], $0xffff  }
0x286: {  	v11 =	vnsel vm14, $0xC2FF, v11;
	v12 =	vld [tilespmem:s10+$0x30]  }
0x287: {  	vm5 =	vlt.s32 v16, $0xC2FF;
	v13 =	vld [tilespmem:s10+$0xFFFFFFD0]  }
0x288: {  	v23 =	vld [tilespmem:s10+$0x20];
	vm6 =	vlt.s32 v14, $0xC2FF;
	v16 =	vnsel vm5, $0xC2FF, v16  }
0x289: {  	vm7 =	vlt.s32 v15, $0xC2FF;
	v14 =	vnsel vm6, $0xC2FF, v14;
	v9 =	vld.idx.msk [tilespmem:v9+s5+$0x0], $0xffff  }
0x28a: {  	vm10 =	vlt.s32 v19, $0xC2FF;
	v15 =	vnsel vm7, $0xC2FF, v15;
	v10 =	vld.idx.msk [tilespmem:v10+s5+$0x0], $0xffff  }
0x28b: {  	v19 =	vnsel vm10, $0xC2FF, v19;
	v11 =	vld.idx.msk [tilespmem:v11+s5+$0x0], $0xffff;
	vm8 =	vlt.s32 v12, $0xC2FF  }
0x28c: {  	v24 =	vld [tilespmem:s10+$0xFFFFFFC0];
	vm9 =	vlt.s32 v13, $0xC2FF;
	v12 =	vnsel vm8, $0xC2FF, v12  }
0x28d: {  	s3 =	simm.s32 $0x1A740;
	vm12 =	vlt.s32 v61, $0xC2FF;
	v25 =	vld.idx.msk [tilespmem:v16+s5+$0x0], $0xffff;
	v13 =	vnsel vm9, $0xC2FF, v13  }
0x28e: {  	vm11 =	vlt.s32 v60, $0xC2FF;
	v21 =	vnsel vm12, $0xC2FF, v61;
	v63 =	vld.idx.msk [tilespmem:v14+s5+$0x0], $0xffff;
	[tilespmem:s3+$0x30] =	vst v9  }
0x28f: {  	v14 =	vld.idx.msk [tilespmem:v15+s5+$0x0], $0xffff;
	v9 =	vnsel vm11, $0xC2FF, v60;
	[tilespmem:s3+$0xFFFFFFD0] =	vst v10  }
0x290: {  	v15 =	vld.idx.msk [tilespmem:v19+s5+$0x0], $0xffff;
	[tilespmem:s3+$0xFFFFFFE0] =	vst v11  }
0x291: {  	[tilespmem:s3+$0xFFFFFFF0] =	vst v17;
	v12 =	vld.idx.msk [tilespmem:v12+s5+$0x0], $0xffff  }
0x292: {  	s13 =	sshll.u32 s23, $0x5;
	[tilespmem:s3+$0x0] =	vst v18;
	v13 =	vld.idx.msk [tilespmem:v13+s5+$0x0], $0xffff  }
0x293: {  	vm13 =	vlt.s32 v62, $0xC2FF;
	vm14 =	vlt.s32 v23, $0xC2FF;
	vm15 =	vlt.s32 v24, $0xC2FF;
	s10 =	sor.u32 s14, s13;
	[tilespmem:s3+$0xFFFFFFC0] =	vst v25;
	v17 =	vld.idx.msk [tilespmem:v21+s5+$0x0], $0xffff  }
0x294: {  	s4 =	simm.s32 $0x80;
	s13 =	simm.s32 $0x18840;
	s1 =	sadd.s32 $0x20, s10;
	v10 =	vnsel vm14, $0xC2FF, v23;
	v11 =	vnsel vm15, $0xC2FF, v24;
	[tilespmem:s3+$0x10] =	vst v63;
	v16 =	vld.idx.msk [tilespmem:v9+s5+$0x0], $0xffff;
	v9 =	vnsel vm13, $0xC2FF, v62  }
.LBB2_19:
0x295: {  	v18 =	vld [tilespmem:s13+$0x30];
	s4 =	sadd.s32 $0x80, s4;
	[tilespmem:s3+$0x20] =	vst v14;
	s3 =	sadd.s32 $0x80, s3  }
0x296: {  	v14 =	vld [tilespmem:s13+$0xFFFFFFD0];
	p3 =	slt.u32 s4, $0xF80;
	[tilespmem:s3+$0x30] =	vst v12  }
0x297: {  	v12 =	vld [tilespmem:s13+$0xFFFFFFE0];
	[tilespmem:s3+$0xFFFFFFD0] =	vst v13  }
0x298: {  	v13 =	vld [tilespmem:s13+$0xFFFFFFF0];
	[tilespmem:s3+$0xFFFFFFE0] =	vst v15  }
0x299: {  	v15 =	vld [tilespmem:s13+$0x0];
	[tilespmem:s3+$0xFFFFFFF0] =	vst v16  }
0x29a: {  	v16 =	vld [tilespmem:s13+$0x10];
	vm0 =	vlt.s32 v18, $0xC2FF;
	[tilespmem:s3+$0x0] =	vst v17  }
0x29b: {  	vm1 =	vlt.s32 v14, $0xC2FF;
	v17 =	vld [tilespmem:s13+$0x20];
	v18 =	vnsel vm0, $0xC2FF, v18  }
0x29c: {  	v19 =	vld [tilespmem:s13+$0xFFFFFFC0];
	v20 =	vnsel vm1, $0xC2FF, v14;
	vm0 =	vlt.s32 v12, $0xC2FF  }
0x29d: {  	v21 =	vnsel vm0, $0xC2FF, v12;
	vm0 =	vlt.s32 v13, $0xC2FF;
	v22 =	vld.idx.msk [tilespmem:v11+s5+$0x0], $0xffff  }
0x29e: {  	v23 =	vnsel vm0, $0xC2FF, v13;
	vm0 =	vlt.s32 v15, $0xC2FF;
	v24 =	vld.idx.msk [tilespmem:v9+s5+$0x0], $0xffff  }
0x29f: {  	v25 =	vnsel vm0, $0xC2FF, v15;
	vm0 =	vlt.s32 v16, $0xC2FF;
	v14 =	vld.idx.msk [tilespmem:v10+s5+$0x0], $0xffff  }
.Ltmp12:
0x2a0: {  	v9 =	vnsel vm0, $0xC2FF, v16;
	vm0 =	vlt.s32 v17, $0xC2FF;
	v12 =	vld.idx.msk [tilespmem:v18+s5+$0x0], $0xffff;
	(pc) =	sbr.rel @p3 .LBB2_19-.Ltmp12, $4  }
0x2a1: {  	vm1 =	vlt.s32 v19, $0xC2FF;
	v13 =	vld.idx.msk [tilespmem:v20+s5+$0x0], $0xffff;
	v10 =	vnsel vm0, $0xC2FF, v17  }
0x2a2: {  	v11 =	vnsel vm1, $0xC2FF, v19;
	v15 =	vld.idx.msk [tilespmem:v21+s5+$0x0], $0xffff  }
0x2a3: {  	v16 =	vld.idx.msk [tilespmem:v23+s5+$0x0], $0xffff;
	[tilespmem:s3+$0xFFFFFFC0] =	vst v22  }
0x2a4: {  	s13 =	sadd.s32 $0x80, s13;
	v17 =	vld.idx.msk [tilespmem:v25+s5+$0x0], $0xffff;
	[tilespmem:s3+$0x10] =	vst v24  }
0x2a5: {  	_ =	sdelay $0x2  }
0x2a6: {  	[tilespmem:s3+$0x20] =	vst v14;
	s0 =	sadd.s32 $0x80, s3  }
0x2a7: {  	v11 =	vld.idx.msk [tilespmem:v11+s5+$0x0], $0xffff;
	[tilespmem:s0+$0x30] =	vst v12  }
0x2a8: {  	v9 =	vld.idx.msk [tilespmem:v9+s5+$0x0], $0xffff;
	[tilespmem:s0+$0xFFFFFFD0] =	vst v13  }
0x2a9: {  	v10 =	vld.idx.msk [tilespmem:v10+s5+$0x0], $0xffff;
	[tilespmem:s0+$0xFFFFFFE0] =	vst v15  }
0x2aa: {  	[tilespmem:s0+$0xFFFFFFF0] =	vst v16  }
0x2ab: {  	[tilespmem:s0+$0x0] =	vst v17  }
0x2ac: {  	[tilespmem:s0+$0xFFFFFFC0] =	vst v11  }
0x2ad: {  	[tilespmem:s0+$0x10] =	vst v9  }
0x2ae: {  	[tilespmem:s0+$0x20] =	vst v10  }
0x2af: {  	_ =	swait.ge [sflag:s30], $0x1000  }
0x2b0: {  	[sflag:s30] =	ssyncset.done $0x0  }
0x2b1: {  	s8 =	simm.s32 $0x19740;
	[sflag:s30] =	ssyncadd.s32 $0xFFFFF000  }
0x2b2: {  	[tilespmem:s28], [sflag:$0x3] =	stream.linear.gather [spmem:s21], $0x1000, $0x38;
	[tilespmem:$0x1EF00] =	vst v63  }
0x2b3: {  	v9 =	vld [tilespmem:s8+$0x30]  }
0x2b4: {  	v12 =	vld [tilespmem:s8+$0xFFFFFFF0]  }
0x2b5: {  	v13 =	vld [tilespmem:s8+$0x0]  }
0x2b6: {  	v10 =	vld [tilespmem:s8+$0xFFFFFFD0]  }
0x2b7: {  	v11 =	vld [tilespmem:s8+$0xFFFFFFE0]  }
0x2b8: {  	v14 =	vld [tilespmem:s8+$0x10]  }
0x2b9: {  	v15 =	vld [tilespmem:s8+$0x20];
	vm4 =	vlt.s32 v12, $0xC2FF  }
0x2ba: {  	s13 =	simm.s32 $0x197C0;
	v16 =	vld [tilespmem:s8+$0xFFFFFFC0];
	vm5 =	vlt.s32 v13, $0xC2FF;
	v12 =	vnsel vm4, $0xC2FF, v12  }
0x2bb: {  	v19 =	vld [tilespmem:s13+$0xFFFFFFE0];
	v13 =	vnsel vm5, $0xC2FF, v13  }
0x2bc: {  	v20 =	vld [tilespmem:s13+$0xFFFFFFF0]  }
0x2bd: {  	v21 =	vld [tilespmem:s13+$0x0]  }
0x2be: {  	v22 =	vld [tilespmem:s13+$0x10];
	vm0 =	vlt.s32 v9, $0xC2FF  }
0x2bf: {  	vm1 =	vlt.s32 v10, $0xC2FF;
	v9 =	vnsel vm0, $0xC2FF, v9;
	v17 =	vld.idx.msk [tilespmem:v12+s5+$0x0], $0xffff  }
0x2c0: {  	vm15 =	vlt.s32 v11, $0xC2FF;
	v10 =	vnsel vm1, $0xC2FF, v10;
	v18 =	vld.idx.msk [tilespmem:v13+s5+$0x0], $0xffff  }
0x2c1: {  	v11 =	vnsel vm15, $0xC2FF, v11;
	v12 =	vld [tilespmem:s13+$0x30]  }
0x2c2: {  	vm6 =	vlt.s32 v16, $0xC2FF;
	v13 =	vld [tilespmem:s13+$0xFFFFFFD0]  }
0x2c3: {  	v23 =	vld [tilespmem:s13+$0x20];
	vm7 =	vlt.s32 v14, $0xC2FF;
	v16 =	vnsel vm6, $0xC2FF, v16  }
0x2c4: {  	vm8 =	vlt.s32 v15, $0xC2FF;
	v14 =	vnsel vm7, $0xC2FF, v14;
	v9 =	vld.idx.msk [tilespmem:v9+s5+$0x0], $0xffff  }
0x2c5: {  	vm11 =	vlt.s32 v19, $0xC2FF;
	v15 =	vnsel vm8, $0xC2FF, v15;
	v10 =	vld.idx.msk [tilespmem:v10+s5+$0x0], $0xffff  }
0x2c6: {  	v19 =	vnsel vm11, $0xC2FF, v19;
	v11 =	vld.idx.msk [tilespmem:v11+s5+$0x0], $0xffff;
	vm9 =	vlt.s32 v12, $0xC2FF  }
0x2c7: {  	v24 =	vld [tilespmem:s13+$0xFFFFFFC0];
	vm10 =	vlt.s32 v13, $0xC2FF;
	v12 =	vnsel vm9, $0xC2FF, v12  }
0x2c8: {  	s3 =	simm.s32 $0x1B770;
	vm13 =	vlt.s32 v21, $0xC2FF;
	v16 =	vld.idx.msk [tilespmem:v16+s5+$0x0], $0xffff;
	v13 =	vnsel vm10, $0xC2FF, v13  }
0x2c9: {  	vm12 =	vlt.s32 v20, $0xC2FF;
	v21 =	vnsel vm13, $0xC2FF, v21;
	v63 =	vld.idx.msk [tilespmem:v14+s5+$0x0], $0xffff;
	[tilespmem:s3+$0x0] =	vst v9  }
0x2ca: {  	v14 =	vld.idx.msk [tilespmem:v15+s5+$0x0], $0xffff;
	v9 =	vnsel vm12, $0xC2FF, v20;
	[tilespmem:s3+$0xFFFFFFA0] =	vst v10  }
0x2cb: {  	v15 =	vld.idx.msk [tilespmem:v19+s5+$0x0], $0xffff;
	[tilespmem:s3+$0xFFFFFFB0] =	vst v11  }
0x2cc: {  	[tilespmem:s3+$0xFFFFFFC0] =	vst v17;
	v12 =	vld.idx.msk [tilespmem:v12+s5+$0x0], $0xffff  }
0x2cd: {  	[tilespmem:s3+$0xFFFFFFD0] =	vst v18;
	v13 =	vld.idx.msk [tilespmem:v13+s5+$0x0], $0xffff  }
0x2ce: {  	vm14 =	vlt.s32 v22, $0xC2FF;
	vm2 =	vlt.s32 v24, $0xC2FF;
	vm15 =	vlt.s32 v23, $0xC2FF;
	[tilespmem:s3+$0xFFFFFF90] =	vst v16;
	v17 =	vld.idx.msk [tilespmem:v21+s5+$0x0], $0xffff  }
0x2cf: {  	s4 =	simm.s32 $0x80;
	s13 =	simm.s32 $0x19840;
	v10 =	vnsel vm15, $0xC2FF, v23;
	v11 =	vnsel vm2, $0xC2FF, v24;
	[tilespmem:s3+$0xFFFFFFE0] =	vst v63;
	v16 =	vld.idx.msk [tilespmem:v9+s5+$0x0], $0xffff;
	v9 =	vnsel vm14, $0xC2FF, v22  }
.LBB2_21:
0x2d0: {  	v18 =	vld [tilespmem:s13+$0x30];
	s4 =	sadd.s32 $0x80, s4;
	[tilespmem:s3+$0xFFFFFFF0] =	vst v14;
	s3 =	sadd.s32 $0x80, s3  }
0x2d1: {  	v14 =	vld [tilespmem:s13+$0xFFFFFFD0];
	p3 =	slt.u32 s4, $0xF80;
	[tilespmem:s3+$0x0] =	vst v12  }
0x2d2: {  	v12 =	vld [tilespmem:s13+$0xFFFFFFE0];
	[tilespmem:s3+$0xFFFFFFA0] =	vst v13  }
0x2d3: {  	v13 =	vld [tilespmem:s13+$0xFFFFFFF0];
	[tilespmem:s3+$0xFFFFFFB0] =	vst v15  }
0x2d4: {  	v15 =	vld [tilespmem:s13+$0x0];
	[tilespmem:s3+$0xFFFFFFC0] =	vst v16  }
0x2d5: {  	v16 =	vld [tilespmem:s13+$0x10];
	vm0 =	vlt.s32 v18, $0xC2FF;
	[tilespmem:s3+$0xFFFFFFD0] =	vst v17  }
0x2d6: {  	vm1 =	vlt.s32 v14, $0xC2FF;
	v17 =	vld [tilespmem:s13+$0x20];
	v18 =	vnsel vm0, $0xC2FF, v18  }
0x2d7: {  	v19 =	vld [tilespmem:s13+$0xFFFFFFC0];
	v20 =	vnsel vm1, $0xC2FF, v14;
	vm0 =	vlt.s32 v12, $0xC2FF  }
0x2d8: {  	v21 =	vnsel vm0, $0xC2FF, v12;
	vm0 =	vlt.s32 v13, $0xC2FF;
	v22 =	vld.idx.msk [tilespmem:v11+s5+$0x0], $0xffff  }
0x2d9: {  	v23 =	vnsel vm0, $0xC2FF, v13;
	vm0 =	vlt.s32 v15, $0xC2FF;
	v24 =	vld.idx.msk [tilespmem:v9+s5+$0x0], $0xffff  }
0x2da: {  	v25 =	vnsel vm0, $0xC2FF, v15;
	vm0 =	vlt.s32 v16, $0xC2FF;
	v14 =	vld.idx.msk [tilespmem:v10+s5+$0x0], $0xffff  }
.Ltmp13:
0x2db: {  	v9 =	vnsel vm0, $0xC2FF, v16;
	vm0 =	vlt.s32 v17, $0xC2FF;
	v12 =	vld.idx.msk [tilespmem:v18+s5+$0x0], $0xffff;
	(pc) =	sbr.rel @p3 .LBB2_21-.Ltmp13, $4  }
0x2dc: {  	vm1 =	vlt.s32 v19, $0xC2FF;
	v13 =	vld.idx.msk [tilespmem:v20+s5+$0x0], $0xffff;
	v10 =	vnsel vm0, $0xC2FF, v17  }
0x2dd: {  	v11 =	vnsel vm1, $0xC2FF, v19;
	v15 =	vld.idx.msk [tilespmem:v21+s5+$0x0], $0xffff  }
0x2de: {  	v16 =	vld.idx.msk [tilespmem:v23+s5+$0x0], $0xffff;
	[tilespmem:s3+$0xFFFFFF90] =	vst v22  }
0x2df: {  	s13 =	sadd.s32 $0x80, s13;
	v17 =	vld.idx.msk [tilespmem:v25+s5+$0x0], $0xffff;
	[tilespmem:s3+$0xFFFFFFE0] =	vst v24  }
0x2e0: {  	_ =	sdelay $0x2  }
0x2e1: {  	[tilespmem:s3+$0xFFFFFFF0] =	vst v14;
	s0 =	sadd.s32 $0x80, s3  }
0x2e2: {  	v11 =	vld.idx.msk [tilespmem:v11+s5+$0x0], $0xffff;
	[tilespmem:s0+$0x0] =	vst v12  }
0x2e3: {  	v9 =	vld.idx.msk [tilespmem:v9+s5+$0x0], $0xffff;
	[tilespmem:s0+$0xFFFFFFA0] =	vst v13  }
0x2e4: {  	v10 =	vld.idx.msk [tilespmem:v10+s5+$0x0], $0xffff;
	[tilespmem:s0+$0xFFFFFFB0] =	vst v15  }
0x2e5: {  	[tilespmem:s0+$0xFFFFFFC0] =	vst v16  }
0x2e6: {  	[tilespmem:s0+$0xFFFFFFD0] =	vst v17  }
0x2e7: {  	[tilespmem:s0+$0xFFFFFF90] =	vst v11  }
0x2e8: {  	[tilespmem:s0+$0xFFFFFFE0] =	vst v9  }
0x2e9: {  	[tilespmem:s0+$0xFFFFFFF0] =	vst v10  }
0x2ea: {  	_ =	swait.ge [sflag:s30], $0x1000  }
0x2eb: {  	[sflag:s30] =	ssyncset.done $0x0  }
0x2ec: {  	s8 =	simm.s32 $0x18740;
	[sflag:s30] =	ssyncadd.s32 $0xFFFFF000  }
0x2ed: {  	[tilespmem:s31], [sflag:$0x3] =	stream.linear.gather [spmem:s22], $0x1000, $0x38;
	[tilespmem:$0x1EF00] =	vst v63  }
0x2ee: {  	v9 =	vld [tilespmem:s8+$0x30]  }
0x2ef: {  	v12 =	vld [tilespmem:s8+$0xFFFFFFF0]  }
0x2f0: {  	v13 =	vld [tilespmem:s8+$0x0]  }
0x2f1: {  	v10 =	vld [tilespmem:s8+$0xFFFFFFD0]  }
0x2f2: {  	v11 =	vld [tilespmem:s8+$0xFFFFFFE0]  }
0x2f3: {  	v14 =	vld [tilespmem:s8+$0x10]  }
0x2f4: {  	v15 =	vld [tilespmem:s8+$0x20];
	vm4 =	vlt.s32 v12, $0xC2FF  }
0x2f5: {  	s13 =	simm.s32 $0x187C0;
	v16 =	vld [tilespmem:s8+$0xFFFFFFC0];
	vm5 =	vlt.s32 v13, $0xC2FF;
	v12 =	vnsel vm4, $0xC2FF, v12  }
0x2f6: {  	v19 =	vld [tilespmem:s13+$0xFFFFFFE0];
	v13 =	vnsel vm5, $0xC2FF, v13  }
0x2f7: {  	v20 =	vld [tilespmem:s13+$0xFFFFFFF0]  }
0x2f8: {  	v21 =	vld [tilespmem:s13+$0x0]  }
0x2f9: {  	v22 =	vld [tilespmem:s13+$0x10];
	vm0 =	vlt.s32 v9, $0xC2FF  }
0x2fa: {  	vm1 =	vlt.s32 v10, $0xC2FF;
	v9 =	vnsel vm0, $0xC2FF, v9;
	v17 =	vld.idx.msk [tilespmem:v12+s5+$0x0], $0xffff  }
0x2fb: {  	vm15 =	vlt.s32 v11, $0xC2FF;
	v10 =	vnsel vm1, $0xC2FF, v10;
	v18 =	vld.idx.msk [tilespmem:v13+s5+$0x0], $0xffff  }
0x2fc: {  	v11 =	vnsel vm15, $0xC2FF, v11;
	v12 =	vld [tilespmem:s13+$0x30]  }
0x2fd: {  	vm6 =	vlt.s32 v16, $0xC2FF;
	v13 =	vld [tilespmem:s13+$0xFFFFFFD0]  }
0x2fe: {  	v23 =	vld [tilespmem:s13+$0x20];
	vm7 =	vlt.s32 v14, $0xC2FF;
	v16 =	vnsel vm6, $0xC2FF, v16  }
0x2ff: {  	vm8 =	vlt.s32 v15, $0xC2FF;
	v14 =	vnsel vm7, $0xC2FF, v14;
	v9 =	vld.idx.msk [tilespmem:v9+s5+$0x0], $0xffff  }
0x300: {  	vm11 =	vlt.s32 v19, $0xC2FF;
	v15 =	vnsel vm8, $0xC2FF, v15;
	v10 =	vld.idx.msk [tilespmem:v10+s5+$0x0], $0xffff  }
0x301: {  	v19 =	vnsel vm11, $0xC2FF, v19;
	v11 =	vld.idx.msk [tilespmem:v11+s5+$0x0], $0xffff;
	vm9 =	vlt.s32 v12, $0xC2FF  }
0x302: {  	v24 =	vld [tilespmem:s13+$0xFFFFFFC0];
	vm10 =	vlt.s32 v13, $0xC2FF;
	v12 =	vnsel vm9, $0xC2FF, v12  }
0x303: {  	s3 =	simm.s32 $0x1C770;
	vm13 =	vlt.s32 v21, $0xC2FF;
	v16 =	vld.idx.msk [tilespmem:v16+s5+$0x0], $0xffff;
	v13 =	vnsel vm10, $0xC2FF, v13  }
0x304: {  	vm12 =	vlt.s32 v20, $0xC2FF;
	v21 =	vnsel vm13, $0xC2FF, v21;
	v63 =	vld.idx.msk [tilespmem:v14+s5+$0x0], $0xffff;
	[tilespmem:s3+$0x0] =	vst v9  }
0x305: {  	v14 =	vld.idx.msk [tilespmem:v15+s5+$0x0], $0xffff;
	v9 =	vnsel vm12, $0xC2FF, v20;
	[tilespmem:s3+$0xFFFFFFA0] =	vst v10  }
0x306: {  	v15 =	vld.idx.msk [tilespmem:v19+s5+$0x0], $0xffff;
	[tilespmem:s3+$0xFFFFFFB0] =	vst v11  }
0x307: {  	[tilespmem:s3+$0xFFFFFFC0] =	vst v17;
	v12 =	vld.idx.msk [tilespmem:v12+s5+$0x0], $0xffff  }
0x308: {  	[tilespmem:s3+$0xFFFFFFD0] =	vst v18;
	v13 =	vld.idx.msk [tilespmem:v13+s5+$0x0], $0xffff  }
0x309: {  	vm14 =	vlt.s32 v22, $0xC2FF;
	vm2 =	vlt.s32 v24, $0xC2FF;
	vm15 =	vlt.s32 v23, $0xC2FF;
	[tilespmem:s3+$0xFFFFFF90] =	vst v16;
	v17 =	vld.idx.msk [tilespmem:v21+s5+$0x0], $0xffff  }
0x30a: {  	s4 =	simm.s32 $0x80;
	s13 =	simm.s32 $0x18840;
	v10 =	vnsel vm15, $0xC2FF, v23;
	v11 =	vnsel vm2, $0xC2FF, v24;
	[tilespmem:s3+$0xFFFFFFE0] =	vst v63;
	v16 =	vld.idx.msk [tilespmem:v9+s5+$0x0], $0xffff;
	v9 =	vnsel vm14, $0xC2FF, v22  }
.LBB2_23:
0x30b: {  	v18 =	vld [tilespmem:s13+$0x30];
	s4 =	sadd.s32 $0x80, s4;
	[tilespmem:s3+$0xFFFFFFF0] =	vst v14;
	s3 =	sadd.s32 $0x80, s3  }
0x30c: {  	v14 =	vld [tilespmem:s13+$0xFFFFFFD0];
	p3 =	slt.u32 s4, $0xF80;
	[tilespmem:s3+$0x0] =	vst v12  }
0x30d: {  	v12 =	vld [tilespmem:s13+$0xFFFFFFE0];
	[tilespmem:s3+$0xFFFFFFA0] =	vst v13  }
0x30e: {  	v13 =	vld [tilespmem:s13+$0xFFFFFFF0];
	[tilespmem:s3+$0xFFFFFFB0] =	vst v15  }
0x30f: {  	v15 =	vld [tilespmem:s13+$0x0];
	[tilespmem:s3+$0xFFFFFFC0] =	vst v16  }
0x310: {  	v16 =	vld [tilespmem:s13+$0x10];
	vm0 =	vlt.s32 v18, $0xC2FF;
	[tilespmem:s3+$0xFFFFFFD0] =	vst v17  }
0x311: {  	vm1 =	vlt.s32 v14, $0xC2FF;
	v17 =	vld [tilespmem:s13+$0x20];
	v18 =	vnsel vm0, $0xC2FF, v18  }
0x312: {  	v19 =	vld [tilespmem:s13+$0xFFFFFFC0];
	v20 =	vnsel vm1, $0xC2FF, v14;
	vm0 =	vlt.s32 v12, $0xC2FF  }
0x313: {  	v21 =	vnsel vm0, $0xC2FF, v12;
	vm0 =	vlt.s32 v13, $0xC2FF;
	v22 =	vld.idx.msk [tilespmem:v11+s5+$0x0], $0xffff  }
0x314: {  	v23 =	vnsel vm0, $0xC2FF, v13;
	vm0 =	vlt.s32 v15, $0xC2FF;
	v24 =	vld.idx.msk [tilespmem:v9+s5+$0x0], $0xffff  }
0x315: {  	v25 =	vnsel vm0, $0xC2FF, v15;
	vm0 =	vlt.s32 v16, $0xC2FF;
	v14 =	vld.idx.msk [tilespmem:v10+s5+$0x0], $0xffff  }
.Ltmp14:
0x316: {  	v9 =	vnsel vm0, $0xC2FF, v16;
	vm0 =	vlt.s32 v17, $0xC2FF;
	v12 =	vld.idx.msk [tilespmem:v18+s5+$0x0], $0xffff;
	(pc) =	sbr.rel @p3 .LBB2_23-.Ltmp14, $4  }
0x317: {  	vm1 =	vlt.s32 v19, $0xC2FF;
	v13 =	vld.idx.msk [tilespmem:v20+s5+$0x0], $0xffff;
	v10 =	vnsel vm0, $0xC2FF, v17  }
0x318: {  	v11 =	vnsel vm1, $0xC2FF, v19;
	v15 =	vld.idx.msk [tilespmem:v21+s5+$0x0], $0xffff  }
0x319: {  	v16 =	vld.idx.msk [tilespmem:v23+s5+$0x0], $0xffff;
	[tilespmem:s3+$0xFFFFFF90] =	vst v22  }
0x31a: {  	s13 =	sadd.s32 $0x80, s13;
	v17 =	vld.idx.msk [tilespmem:v25+s5+$0x0], $0xffff;
	[tilespmem:s3+$0xFFFFFFE0] =	vst v24  }
0x31b: {  	_ =	sdelay $0x2  }
0x31c: {  	[tilespmem:s3+$0xFFFFFFF0] =	vst v14;
	s0 =	sadd.s32 $0x80, s3  }
0x31d: {  	v11 =	vld.idx.msk [tilespmem:v11+s5+$0x0], $0xffff;
	[tilespmem:s0+$0x0] =	vst v12  }
0x31e: {  	v9 =	vld.idx.msk [tilespmem:v9+s5+$0x0], $0xffff;
	[tilespmem:s0+$0xFFFFFFA0] =	vst v13  }
0x31f: {  	v10 =	vld.idx.msk [tilespmem:v10+s5+$0x0], $0xffff;
	[tilespmem:s0+$0xFFFFFFB0] =	vst v15  }
0x320: {  	[tilespmem:s0+$0xFFFFFFC0] =	vst v16  }
0x321: {  	[tilespmem:s0+$0xFFFFFFD0] =	vst v17  }
0x322: {  	[tilespmem:s0+$0xFFFFFF90] =	vst v11  }
0x323: {  	[tilespmem:s0+$0xFFFFFFE0] =	vst v9  }
0x324: {  	[tilespmem:s0+$0xFFFFFFF0] =	vst v10  }
0x325: {  	_ =	swait.ge [sflag:s30], $0x1000  }
0x326: {  	[sflag:s30] =	ssyncset.done $0x0  }
0x327: {  	[sflag:s30] =	ssyncadd.s32 $0xFFFFF000  }
0x328: {  	s8 =	simm.s32 $0x19740;
	s6 =	rddreg [dreg:$0x4]  }
0x329: {  	[tilespmem:s28], [sflag:$0x3] =	stream.linear.gather [spmem:s6], $0x1000, $0x38;
	[tilespmem:$0x1EF00] =	vst v63  }
0x32a: {  	v9 =	vld [tilespmem:s8+$0x30]  }
0x32b: {  	v10 =	vld [tilespmem:s8+$0xFFFFFFD0]  }
0x32c: {  	v11 =	vld [tilespmem:s8+$0xFFFFFFE0]  }
0x32d: {  	v12 =	vld [tilespmem:s8+$0xFFFFFFF0]  }
0x32e: {  	v13 =	vld [tilespmem:s8+$0x0]  }
0x32f: {  	v14 =	vld [tilespmem:s8+$0x10]  }
0x330: {  	v15 =	vld [tilespmem:s8+$0x20]  }
0x331: {  	s13 =	simm.s32 $0x197C0;
	v16 =	vld [tilespmem:s8+$0xFFFFFFC0]  }
0x332: {  	v17 =	vld [tilespmem:s13+$0x30]  }
0x333: {  	v18 =	vld [tilespmem:s13+$0xFFFFFFD0]  }
0x334: {  	v19 =	vld [tilespmem:s13+$0xFFFFFFE0];
	vm0 =	vlt.s32 v9, $0xC2FF  }
0x335: {  	v20 =	vld [tilespmem:s13+$0xFFFFFFF0];
	vm1 =	vlt.s32 v10, $0xC2FF;
	v9 =	vnsel vm0, $0xC2FF, v9  }
0x336: {  	v21 =	vld [tilespmem:s13+$0x0];
	vm15 =	vlt.s32 v11, $0xC2FF;
	v10 =	vnsel vm1, $0xC2FF, v10  }
0x337: {  	v22 =	vld [tilespmem:s13+$0x10];
	vm4 =	vlt.s32 v12, $0xC2FF;
	v11 =	vnsel vm15, $0xC2FF, v11  }
0x338: {  	v23 =	vld [tilespmem:s13+$0x20];
	vm5 =	vlt.s32 v13, $0xC2FF;
	v12 =	vnsel vm4, $0xC2FF, v12  }
0x339: {  	v24 =	vld [tilespmem:s13+$0xFFFFFFC0];
	vm6 =	vlt.s32 v16, $0xC2FF;
	v13 =	vnsel vm5, $0xC2FF, v13  }
0x33a: {  	vm7 =	vlt.s32 v14, $0xC2FF;
	v16 =	vnsel vm6, $0xC2FF, v16;
	v9 =	vld.idx.msk [tilespmem:v9+s5+$0x0], $0xffff  }
0x33b: {  	vm8 =	vlt.s32 v15, $0xC2FF;
	v14 =	vnsel vm7, $0xC2FF, v14;
	v10 =	vld.idx.msk [tilespmem:v10+s5+$0x0], $0xffff  }
0x33c: {  	vm9 =	vlt.s32 v17, $0xC2FF;
	v15 =	vnsel vm8, $0xC2FF, v15;
	v11 =	vld.idx.msk [tilespmem:v11+s5+$0x0], $0xffff  }
0x33d: {  	vm13 =	vlt.s32 v21, $0xC2FF;
	v17 =	vnsel vm9, $0xC2FF, v17;
	v12 =	vld.idx.msk [tilespmem:v12+s5+$0x0], $0xffff  }
0x33e: {  	vm10 =	vlt.s32 v18, $0xC2FF;
	v21 =	vnsel vm13, $0xC2FF, v21;
	v13 =	vld.idx.msk [tilespmem:v13+s5+$0x0], $0xffff  }
0x33f: {  	s3 =	simm.s32 $0x1D770;
	vm11 =	vlt.s32 v19, $0xC2FF;
	v18 =	vnsel vm10, $0xC2FF, v18;
	v25 =	vld.idx.msk [tilespmem:v16+s5+$0x0], $0xffff  }
0x340: {  	vm12 =	vlt.s32 v20, $0xC2FF;
	v19 =	vnsel vm11, $0xC2FF, v19;
	v63 =	vld.idx.msk [tilespmem:v14+s5+$0x0], $0xffff;
	[tilespmem:s3+$0x0] =	vst v9  }
0x341: {  	v16 =	vld.idx.msk [tilespmem:v15+s5+$0x0], $0xffff;
	v9 =	vnsel vm12, $0xC2FF, v20;
	[tilespmem:s3+$0xFFFFFFA0] =	vst v10  }
0x342: {  	v14 =	vld.idx.msk [tilespmem:v17+s5+$0x0], $0xffff;
	[tilespmem:s3+$0xFFFFFFB0] =	vst v11  }
0x343: {  	v17 =	vld.idx.msk [tilespmem:v21+s5+$0x0], $0xffff;
	[tilespmem:s3+$0xFFFFFFC0] =	vst v12  }
0x344: {  	v12 =	vld.idx.msk [tilespmem:v18+s5+$0x0], $0xffff;
	[tilespmem:s3+$0xFFFFFFD0] =	vst v13  }
0x345: {  	vm14 =	vlt.s32 v22, $0xC2FF;
	vm2 =	vlt.s32 v24, $0xC2FF;
	vm15 =	vlt.s32 v23, $0xC2FF;
	v13 =	vld.idx.msk [tilespmem:v19+s5+$0x0], $0xffff;
	[tilespmem:s3+$0xFFFFFF90] =	vst v25  }
0x346: {  	s4 =	simm.s32 $0x80;
	s13 =	simm.s32 $0x19840;
	v10 =	vnsel vm15, $0xC2FF, v23;
	v11 =	vnsel vm2, $0xC2FF, v24;
	[tilespmem:s3+$0xFFFFFFE0] =	vst v63;
	v15 =	vld.idx.msk [tilespmem:v9+s5+$0x0], $0xffff;
	v9 =	vnsel vm14, $0xC2FF, v22  }
.LBB2_25:
0x347: {  	v18 =	vld [tilespmem:s13+$0x30];
	s4 =	sadd.s32 $0x80, s4;
	[tilespmem:s3+$0xFFFFFFF0] =	vst v16;
	s3 =	sadd.s32 $0x80, s3  }
0x348: {  	v16 =	vld [tilespmem:s13+$0xFFFFFFD0];
	p3 =	slt.u32 s4, $0xF80;
	[tilespmem:s3+$0x0] =	vst v14  }
0x349: {  	v14 =	vld [tilespmem:s13+$0xFFFFFFE0];
	[tilespmem:s3+$0xFFFFFFA0] =	vst v12  }
0x34a: {  	v12 =	vld [tilespmem:s13+$0xFFFFFFF0];
	[tilespmem:s3+$0xFFFFFFB0] =	vst v13  }
0x34b: {  	v13 =	vld [tilespmem:s13+$0x0];
	[tilespmem:s3+$0xFFFFFFC0] =	vst v15  }
0x34c: {  	v15 =	vld [tilespmem:s13+$0x10];
	vm0 =	vlt.s32 v18, $0xC2FF;
	[tilespmem:s3+$0xFFFFFFD0] =	vst v17  }
0x34d: {  	vm1 =	vlt.s32 v16, $0xC2FF;
	v17 =	vld [tilespmem:s13+$0x20];
	v18 =	vnsel vm0, $0xC2FF, v18  }
0x34e: {  	v19 =	vld [tilespmem:s13+$0xFFFFFFC0];
	v20 =	vnsel vm1, $0xC2FF, v16;
	vm0 =	vlt.s32 v14, $0xC2FF  }
0x34f: {  	v21 =	vnsel vm0, $0xC2FF, v14;
	vm0 =	vlt.s32 v12, $0xC2FF;
	v22 =	vld.idx.msk [tilespmem:v11+s5+$0x0], $0xffff  }
0x350: {  	v23 =	vnsel vm0, $0xC2FF, v12;
	vm0 =	vlt.s32 v13, $0xC2FF;
	v24 =	vld.idx.msk [tilespmem:v9+s5+$0x0], $0xffff  }
0x351: {  	v25 =	vnsel vm0, $0xC2FF, v13;
	vm0 =	vlt.s32 v15, $0xC2FF;
	v16 =	vld.idx.msk [tilespmem:v10+s5+$0x0], $0xffff  }
.Ltmp15:
0x352: {  	v9 =	vnsel vm0, $0xC2FF, v15;
	vm0 =	vlt.s32 v17, $0xC2FF;
	v14 =	vld.idx.msk [tilespmem:v18+s5+$0x0], $0xffff;
	(pc) =	sbr.rel @p3 .LBB2_25-.Ltmp15, $4  }
0x353: {  	vm1 =	vlt.s32 v19, $0xC2FF;
	v12 =	vld.idx.msk [tilespmem:v20+s5+$0x0], $0xffff;
	v10 =	vnsel vm0, $0xC2FF, v17  }
0x354: {  	v11 =	vnsel vm1, $0xC2FF, v19;
	v13 =	vld.idx.msk [tilespmem:v21+s5+$0x0], $0xffff  }
0x355: {  	v15 =	vld.idx.msk [tilespmem:v23+s5+$0x0], $0xffff;
	[tilespmem:s3+$0xFFFFFF90] =	vst v22  }
0x356: {  	s13 =	sadd.s32 $0x80, s13;
	v17 =	vld.idx.msk [tilespmem:v25+s5+$0x0], $0xffff;
	[tilespmem:s3+$0xFFFFFFE0] =	vst v24  }
0x357: {  	_ =	sdelay $0x2  }
0x358: {  	[tilespmem:s3+$0xFFFFFFF0] =	vst v16;
	s0 =	sadd.s32 $0x80, s3  }
0x359: {  	v11 =	vld.idx.msk [tilespmem:v11+s5+$0x0], $0xffff;
	[tilespmem:s0+$0x0] =	vst v14  }
0x35a: {  	p3 =	sgt.u32 s23, $0x18;
	v9 =	vld.idx.msk [tilespmem:v9+s5+$0x0], $0xffff;
	[tilespmem:s0+$0xFFFFFFA0] =	vst v12  }
0x35b: {  	v10 =	vld.idx.msk [tilespmem:v10+s5+$0x0], $0xffff;
	s3 =	sshrl.u32 @!p3 s1, $0x3;
	[tilespmem:s0+$0xFFFFFFB0] =	vst v13  }
0x35c: {  	s3 =	smul.u32 @!p3 $0xC3800, s3;
	[tilespmem:s0+$0xFFFFFFC0] =	vst v15  }
0x35d: {  	[tilespmem:s0+$0xFFFFFFD0] =	vst v17  }
0x35e: {  	s3 =	sor.u32 @!p3 s7, s3;
	[tilespmem:s0+$0xFFFFFF90] =	vst v11  }
0x35f: {  	s4 =	rddreg [dreg:$0x0];
	s6 =	simm.s32 @!p3 $0x0;
	s3 =	sshrl.u32 @!p3 s3, $0x3;
	[tilespmem:s0+$0xFFFFFFE0] =	vst v9  }
0x360: {  	[tilespmem:s0+$0xFFFFFFF0] =	vst v10;
	s0 =	simm.s32 @!p3 $0x80;
	s3 =	sadd.s32 @!p3 s4, s3;
	s4 =	simm.s32 @!p3 $0x400  }
0x361: {  	[tilespmem:s6], [sflag:$0x1] =	stream.strided.gather @!p3 [hbm4b:s3+s0], $0xC300, s4, s0, $0x38;
	[tilespmem:$0x1EF00] =	vst v63  }
0x362: {  	_ =	swait.ge [sflag:s2], $0xC400  }
0x363: {  	[sflag:s2] =	ssyncset.done $0x0  }
0x364: {  	[sflag:s2] =	ssyncadd.s32 $0xFFFF3C00  }
0x365: {  	_ =	swait.ge [sflag:s30], $0x1000  }
0x366: {  	[sflag:s30] =	ssyncset.done $0x0  }
0x367: {  	s8 =	simm.s32 $0x18740;
	[sflag:s30] =	ssyncadd.s32 $0xFFFFF000  }
0x368: {  	[tilespmem:s31], [sflag:$0x3] =	stream.linear.gather [spmem:s20], $0x1000, $0x38;
	[tilespmem:$0x1EF00] =	vst v63  }
0x369: {  	v9 =	vld [tilespmem:s8+$0x30]  }
0x36a: {  	v10 =	vld [tilespmem:s8+$0xFFFFFFC0]  }
0x36b: {  	s13 =	simm.s32 $0x0;
	v11 =	vld [tilespmem:s8+$0xFFFFFFD0]  }
0x36c: {  	v19 =	vmov s13;
	v12 =	vld [tilespmem:s8+$0xFFFFFFE0]  }
0x36d: {  	v19 =	vshrl.u32 v19, $0x7;
	v14 =	vld [tilespmem:s8+$0xFFFFFFF0]  }
0x36e: {  	v19 =	vshll.u32 v19, $0x7;
	v15 =	vld [tilespmem:s8+$0x0]  }
0x36f: {  	v19 =	vbroadcast v19, $0x0;
	v18 =	vld [tilespmem:s8+$0x20];
	_ =	sdelay $0x1  }
0x370: {  	v26 =	vor.u32 v7, v19;
	v31 =	vor.u32 v0, v19;
	v36 =	vor.u32 v1, v19  }
0x371: {  	v13 =	vadd.s32 $0xFFFF3D00, v9;
	v16 =	vadd.s32 $0xFFFF3D00, v10;
	vm5 =	vgt.s32 v10, $0xC2FF  }
0x372: {  	v17 =	vadd.s32 $0xFFFF3D00, v11;
	v20 =	vadd.s32 $0xFFFF3D00, v12;
	v21 =	vadd.s32 $0xFFFF3D00, v14  }
0x373: {  	v10 =	vld [tilespmem:s8+$0x10];
	v22 =	vadd.s32 $0xFFFF3D00, v15;
	v24 =	vadd.s32 $0xFFFF3D00, v18;
	vm6 =	vgt.s32 v9, $0xC2FF  }
0x374: {  	vm8 =	vgt.s32 v11, $0xC2FF;
	v11 =	vor.u32 v4, v19;
	v9 =	vor.u32 v6, v19  }
0x375: {  	vm0 =	vgt.s32 v13, $0x0;
	vm1 =	vgt.s32 v16, $0x0;
	vm2 =	vgt.s32 v20, $0x0  }
0x376: {  	vm3 =	vgt.s32 v21, $0x0;
	vm4 =	vgt.s32 v22, $0x0;
	vm9 =	vmmov vm5  }
0x377: {  	s23 =	simm.s32 $0x187C0;
	v13 =	vnsel vm0, $0x0, v13;
	vm0 =	vgt.s32 v17, $0x0;
	v25 =	vnsel vm1, $0x0, v16  }
0x378: {  	vm1 =	vgt.s32 v24, $0x0;
	v28 =	vnsel vm2, $0x0, v20;
	v20 =	vld [tilespmem:s23+$0xFFFFFFC0];
	v23 =	vadd.s32 $0xFFFF3D00, v10  }
0x379: {  	v21 =	vnsel vm3, $0x0, v21;
	v22 =	vnsel vm4, $0x0, v22;
	v16 =	vld [tilespmem:s23+$0xFFFFFFF0];
	vm7 =	vgt.s32 v23, $0x0  }
0x37a: {  	vm3 =	vgt.s32 v12, $0xC2FF;
	v27 =	vnsel vm0, $0x0, v17;
	v30 =	vnsel vm7, $0x0, v23;
	v23 =	vld [tilespmem:s23+$0x30]  }
0x37b: {  	s3 =	simm.s32 $0x80;
	v35 =	vnsel vm1, $0x0, v24;
	vm1 =	vgt.s32 v14, $0xC2FF;
	v14 =	vld [tilespmem:s23+$0xFFFFFFD0];
	vm0 =	vgt.s32 v15, $0xC2FF  }
0x37c: {  	v12 =	vor.u32 v3, v19;
	v15 =	vld [tilespmem:s23+$0xFFFFFFE0];
	v24 =	vmov s3;
	vm4 =	vmmov vm0  }
0x37d: {  	v17 =	vld [tilespmem:s23+$0x0];
	v24 =	vshrl.u32 v24, $0x7;
	vm2 =	vgt.s32 v10, $0xC2FF;
	v10 =	vor.u32 v5, v19  }
0x37e: {  	v24 =	vshll.u32 v24, $0x7;
	vm2 =	vmmov vm2;
	v29 =	vld.idx.msk [tilespmem:v13+s26+$0x0], $0xffff;
	v13 =	vor.u32 v2, v19  }
0x37f: {  	vm7 =	vgt.s32 v18, $0xC2FF;
	v34 =	vadd.s32 $0xFFFF3D00, v20;
	v18 =	vld [tilespmem:s23+$0x10];
	v19 =	vadd.s32 $0xFFFF3D00, v23  }
0x380: {  	vm5 =	vgt.s32 v20, $0xC2FF;
	v20 =	vld [tilespmem:s23+$0x20];
	vm0 =	vmmov vm7;
	vm7 =	vgt.s32 v19, $0x0  }
0x381: {  	v24 =	vbroadcast v24, $0x0;
	v39 =	vld.idx.msk [tilespmem:v25+s26+$0x0], $0xffff;
	v40 =	vadd.s32 $0xFFFF3D00, v16;
	v19 =	vnsel vm7, $0x0, v19  }
0x382: {  	v32 =	vld.idx.msk [tilespmem:v28+s26+$0x0], $0xffff;
	vm10 =	vgt.s32 v34, $0x0;
	v37 =	vadd.s32 $0xFFFF3D00, v14;
	v38 =	vadd.s32 $0xFFFF3D00, v15  }
0x383: {  	v41 =	vld.idx.msk [tilespmem:v27+s26+$0x0], $0xffff;
	vm13 =	vgt.s32 v40, $0x0;
	v42 =	vadd.s32 $0xFFFF3D00, v17;
	vm11 =	vgt.s32 v37, $0x0  }
0x384: {  	v33 =	vld.idx.msk [tilespmem:v21+s26+$0x0], $0xffff;
	vm12 =	vgt.s32 v38, $0x0;
	vm14 =	vgt.s32 v42, $0x0;
	v27 =	vnsel vm11, $0x0, v37  }
0x385: {  	v25 =	vnsel vm12, $0x0, v38;
	v43 =	vadd.s32 $0xFFFF3D00, v18;
	[tilespmem:v26+s9+$0x0] =	vst.idx.msk vm6, v29;
	v29 =	vld.idx.msk [tilespmem:v22+s26+$0x0], $0xffff;
	vm7 =	vgt.s32 v23, $0xC2FF  }
0x386: {  	v44 =	vadd.s32 $0xFFFF3D00, v20;
	v26 =	vnsel vm10, $0x0, v34;
	v34 =	vor.u32 v7, v24;
	v28 =	vld.idx.msk [tilespmem:v19+s26+$0x0], $0xffff  }
0x387: {  	[tilespmem:v31+s9+$0x0] =	vst.idx.msk vm9, v39;
	v31 =	vld.idx.msk [tilespmem:v30+s26+$0x0], $0xffff;
	v22 =	vnsel vm14, $0x0, v42;
	vm15 =	vgt.s32 v43, $0x0;
	vm6 =	vgt.s32 v44, $0x0  }
0x388: {  	s4 =	simm.s32 $0x18840;
	v30 =	vld.idx.msk [tilespmem:v35+s26+$0x0], $0xffff;
	[tilespmem:v36+s9+$0x0] =	vst.idx.msk vm8, v41;
	v23 =	vnsel vm13, $0x0, v40;
	v21 =	vnsel vm15, $0x0, v43;
	v19 =	vnsel vm6, $0x0, v44  }
.LBB2_27:
0x389: {  	v35 =	vld [tilespmem:s4+$0x30];
	v36 =	vor.u32 v0, v24;
	vm6 =	vgt.s32 v14, $0xC2FF;
	v37 =	vor.u32 v1, v24;
	[tilespmem:v13+s9+$0x0] =	vst.idx.msk vm3, v32  }
0x38a: {  	vm3 =	vgt.s32 v15, $0xC2FF;
	v13 =	vor.u32 v2, v24;
	v32 =	vld [tilespmem:s4+$0xFFFFFFC0];
	[tilespmem:v12+s9+$0x0] =	vst.idx.msk vm1, v33;
	vm1 =	vgt.s32 v16, $0xC2FF  }
0x38b: {  	vm8 =	vgt.s32 v17, $0xC2FF;
	v12 =	vor.u32 v3, v24;
	v16 =	vor.u32 v4, v24;
	v14 =	vld [tilespmem:s4+$0xFFFFFFD0];
	[tilespmem:v34+s9+$0x0] =	vst.idx.msk vm7, v28  }
0x38c: {  	v17 =	vor.u32 v5, v24;
	vm9 =	vgt.s32 v20, $0xC2FF;
	vm7 =	vgt.s32 v18, $0xC2FF;
	v15 =	vld [tilespmem:s4+$0xFFFFFFE0];
	[tilespmem:v11+s9+$0x0] =	vst.idx.msk vm4, v29;
	v11 =	vmovc v16  }
0x38d: {  	v18 =	vor.u32 v6, v24;
	vm4 =	vmmov vm8;
	v16 =	vld [tilespmem:s4+$0xFFFFFFF0];
	[tilespmem:v10+s9+$0x0] =	vst.idx.msk vm2, v31;
	v10 =	vmovc v17;
	vm2 =	vmmov vm7  }
0x38e: {  	vm8 =	vmmov vm5;
	v17 =	vld [tilespmem:s4+$0x0];
	v24 =	vadd.s32 $0xFFFF3D00, v35;
	[tilespmem:v9+s9+$0x0] =	vst.idx.msk vm0, v30;
	v9 =	vmovc v18;
	vm0 =	vmmov vm9  }
0x38f: {  	v29 =	vadd.s32 $0xFFFF3D00, v32;
	vm5 =	vgt.s32 v32, $0xC2FF;
	v18 =	vld [tilespmem:s4+$0x10];
	vm7 =	vgt.s32 v24, $0x0  }
0x390: {  	s3 =	sadd.s32 $0x80, s3;
	vm9 =	vgt.s32 v29, $0x0;
	v30 =	vadd.s32 $0xFFFF3D00, v14;
	v20 =	vld [tilespmem:s4+$0x20];
	v28 =	vnsel vm7, $0x0, v24  }
0x391: {  	p4 =	slt.u32 s3, $0xF80;
	v24 =	vmov s3;
	vm10 =	vgt.s32 v30, $0x0;
	v31 =	vadd.s32 $0xFFFF3D00, v15;
	v38 =	vld.idx.msk [tilespmem:v26+s26+$0x0], $0xffff  }
0x392: {  	v24 =	vshrl.u32 v24, $0x7;
	vm11 =	vgt.s32 v31, $0x0;
	v39 =	vadd.s32 $0xFFFF3D00, v16;
	v40 =	vld.idx.msk [tilespmem:v27+s26+$0x0], $0xffff  }
0x393: {  	v24 =	vshll.u32 v24, $0x7;
	vm12 =	vgt.s32 v39, $0x0;
	v41 =	vadd.s32 $0xFFFF3D00, v17;
	v32 =	vld.idx.msk [tilespmem:v25+s26+$0x0], $0xffff  }
.Ltmp16:
0x394: {  	v24 =	vbroadcast v24, $0x0;
	vm13 =	vgt.s32 v41, $0x0;
	v42 =	vadd.s32 $0xFFFF3D00, v18;
	v33 =	vld.idx.msk [tilespmem:v23+s26+$0x0], $0xffff;
	(pc) =	sbr.rel @p4 .LBB2_27-.Ltmp16, $4  }
0x395: {  	vm7 =	vgt.s32 v35, $0xC2FF;
	vm14 =	vgt.s32 v42, $0x0;
	v43 =	vadd.s32 $0xFFFF3D00, v20;
	v28 =	vld.idx.msk [tilespmem:v28+s26+$0x0], $0xffff  }
0x396: {  	v26 =	vnsel vm9, $0x0, v29;
	v34 =	vor.u32 v7, v24;
	vm9 =	vgt.s32 v43, $0x0;
	v29 =	vld.idx.msk [tilespmem:v22+s26+$0x0], $0xffff  }
0x397: {  	v27 =	vnsel vm10, $0x0, v30;
	v25 =	vnsel vm11, $0x0, v31;
	v23 =	vnsel vm12, $0x0, v39;
	[tilespmem:v36+s9+$0x0] =	vst.idx.msk vm8, v38;
	v31 =	vld.idx.msk [tilespmem:v21+s26+$0x0], $0xffff  }
0x398: {  	s4 =	sadd.s32 $0x80, s4;
	v22 =	vnsel vm13, $0x0, v41;
	v21 =	vnsel vm14, $0x0, v42;
	[tilespmem:v37+s9+$0x0] =	vst.idx.msk vm6, v40;
	v30 =	vld.idx.msk [tilespmem:v19+s26+$0x0], $0xffff;
	v19 =	vnsel vm9, $0x0, v43  }
0x399: {  	_ =	sdelay $0x4  }
0x39a: {  	[tilespmem:v13+s9+$0x0] =	vst.idx.msk vm3, v32;
	vm3 =	vmmov vm5  }
0x39b: {  	v13 =	vor.u32 v0, v24;
	vm5 =	vgt.s32 v14, $0xC2FF;
	[tilespmem:v12+s9+$0x0] =	vst.idx.msk vm1, v33;
	v12 =	vld.idx.msk [tilespmem:v26+s26+$0x0], $0xffff  }
0x39c: {  	v14 =	vor.u32 v1, v24;
	vm1 =	vgt.s32 v15, $0xC2FF;
	v15 =	vld.idx.msk [tilespmem:v27+s26+$0x0], $0xffff;
	[tilespmem:v34+s9+$0x0] =	vst.idx.msk vm7, v28  }
0x39d: {  	v53 =	vor.u32 v2, v24;
	vm6 =	vgt.s32 v16, $0xC2FF;
	vm7 =	vgt.s32 v17, $0xC2FF;
	[tilespmem:v11+s9+$0x0] =	vst.idx.msk vm4, v29;
	v11 =	vld.idx.msk [tilespmem:v25+s26+$0x0], $0xffff  }
0x39e: {  	v16 =	vor.u32 v3, v24;
	vm4 =	vgt.s32 v18, $0xC2FF;
	[tilespmem:v10+s9+$0x0] =	vst.idx.msk vm2, v31;
	vm2 =	vmmov vm7;
	v10 =	vld.idx.msk [tilespmem:v23+s26+$0x0], $0xffff  }
0x39f: {  	v17 =	vor.u32 v4, v24;
	vm4 =	vmmov vm4;
	[tilespmem:v9+s9+$0x0] =	vst.idx.msk vm0, v30;
	v9 =	vld.idx.msk [tilespmem:v22+s26+$0x0], $0xffff  }
0x3a0: {  	v18 =	vor.u32 v5, v24;
	vm7 =	vgt.s32 v20, $0xC2FF;
	[tilespmem:v13+s9+$0x0] =	vst.idx.msk vm3, v12;
	v12 =	vld.idx.msk [tilespmem:v21+s26+$0x0], $0xffff  }
0x3a1: {  	v13 =	vor.u32 v6, v24;
	[tilespmem:v14+s9+$0x0] =	vst.idx.msk vm5, v15;
	v14 =	vld.idx.msk [tilespmem:v19+s26+$0x0], $0xffff  }
0x3a2: {  	[tilespmem:v53+s9+$0x0] =	vst.idx.msk vm1, v11  }
0x3a3: {  	[tilespmem:v16+s9+$0x0] =	vst.idx.msk vm6, v10  }
0x3a4: {  	s0 =	sshll.u32 s10, $0xE;
	[tilespmem:v17+s9+$0x0] =	vst.idx.msk vm2, v9  }
0x3a5: {  	s0 =	sand.u32 $0x7FFE0000, s0;
	[tilespmem:v18+s9+$0x0] =	vst.idx.msk vm4, v12  }
0x3a6: {  	s0 =	sor.u32 s7, s0;
	[tilespmem:v13+s9+$0x0] =	vst.idx.msk vm7, v14  }
0x3a7: {  	s10 =	sshrl.u32 s0, $0x3;
	s13 =	rddreg [dreg:$0x6]  }
0x3a8: {  	s0 =	sadd.s32 s13, s10  }
0x3a9: {  	[hbm4b:s0+s24] =	stream.strided.scatter [tilespmem:s9], [sflag:$0x4], $0x1000, s25, s24, $0x38;
	[tilespmem:$0x1EF00] =	vst v63  }
0x3aa: {  	_ =	swait.ge [sflag:s30], $0x1000  }
0x3ab: {  	[sflag:s30] =	ssyncset.done $0x0  }
0x3ac: {  	s13 =	simm.s32 $0x19740;
	[sflag:s30] =	ssyncadd.s32 $0xFFFFF000  }
0x3ad: {  	[tilespmem:s28], [sflag:$0x3] =	stream.linear.gather [spmem:s21], $0x1000, $0x38;
	[tilespmem:$0x1EF00] =	vst v63  }
0x3ae: {  	s23 =	simm.s32 $0x1000;
	s3 =	simm.s32 $0x1010;
	s6 =	simm.s32 $0x1040;
	vm0 =	vmmov vm7;
	v9 =	vld [tilespmem:s13+$0x30]  }
0x3af: {  	s8 =	simm.s32 $0x1050;
	v15 =	vmov s6;
	v11 =	vmov s3;
	v10 =	vmov s23;
	s23 =	simm.s32 $0x1070;
	v13 =	vld [tilespmem:s13+$0xFFFFFFD0]  }
0x3b0: {  	v21 =	vshrl.u32 v15, $0x7;
	v16 =	vmov s8;
	v56 =	vmov s23;
	v17 =	vld [tilespmem:s13+$0xFFFFFFE0]  }
0x3b1: {  	v11 =	vshrl.u32 v11, $0x7;
	v10 =	vshrl.u32 v10, $0x7;
	v26 =	vshrl.u32 v56, $0x7;
	v18 =	vld [tilespmem:s13+$0xFFFFFFF0]  }
0x3b2: {  	s4 =	simm.s32 $0x1020;
	v21 =	vshll.u32 v21, v8;
	v19 =	vshll.u32 v10, v8;
	v26 =	vshll.u32 v26, v8;
	v20 =	vld [tilespmem:s13+$0x0]  }
0x3b3: {  	v10 =	vshll.u32 v11, v8;
	v12 =	vmov s4;
	s4 =	simm.s32 $0x1030;
	v26 =	vbroadcast v26, $0x0;
	v23 =	vld [tilespmem:s13+$0x10]  }
0x3b4: {  	v22 =	vbroadcast v10, $0x0;
	v19 =	vbroadcast v19, $0x0;
	v14 =	vmov s4;
	v54 =	vld [tilespmem:s13+$0xFFFFFFC0]  }
0x3b5: {  	v12 =	vshrl.u32 v12, $0x7;
	v14 =	vshrl.u32 v14, $0x7;
	v26 =	vor.u32 v7, v26  }
0x3b6: {  	v10 =	vadd.s32 $0xFFFF3D00, v9;
	v11 =	vadd.s32 $0xFFFF3D00, v13;
	vm0 =	vgt.s32 v13, $0xC2FF  }
0x3b7: {  	v15 =	vadd.s32 $0xFFFF3D00, v17;
	v55 =	vadd.s32 $0xFFFF3D00, v18;
	vm1 =	vgt.s32 v10, $0x0  }
0x3b8: {  	v57 =	vadd.s32 $0xFFFF3D00, v20;
	v58 =	vadd.s32 $0xFFFF3D00, v23;
	v10 =	vnsel vm1, $0x0, v10  }
0x3b9: {  	v13 =	vld [tilespmem:s13+$0x20];
	v60 =	vadd.s32 $0xFFFF3D00, v54;
	vm7 =	vgt.s32 v9, $0xC2FF;
	vm2 =	vgt.s32 v11, $0x0  }
0x3ba: {  	vm3 =	vgt.s32 v55, $0x0;
	vm4 =	vgt.s32 v57, $0x0;
	vm5 =	vgt.s32 v58, $0x0  }
0x3bb: {  	vm8 =	vgt.s32 v60, $0x0;
	vm1 =	vgt.s32 v15, $0x0;
	v62 =	vnsel vm2, $0x0, v11  }
0x3bc: {  	v30 =	vnsel vm8, $0x0, v60;
	v11 =	vnsel vm4, $0x0, v57;
	vm4 =	vgt.s32 v18, $0xC2FF  }
0x3bd: {  	vm2 =	vgt.s32 v23, $0xC2FF;
	v63 =	vnsel vm1, $0x0, v15;
	v15 =	vnsel vm3, $0x0, v55;
	v61 =	vld.idx.msk [tilespmem:v10+s26+$0x0], $0xffff  }
0x3be: {  	vm3 =	vgt.s32 v20, $0xC2FF;
	v20 =	vshll.u32 v12, v8;
	v59 =	vadd.s32 $0xFFFF3D00, v13  }
0x3bf: {  	v20 =	vbroadcast v20, $0x0;
	vm1 =	vgt.s32 v13, $0xC2FF;
	vm6 =	vgt.s32 v59, $0x0  }
0x3c0: {  	v10 =	vnsel vm5, $0x0, v58;
	v9 =	vnsel vm6, $0x0, v59;
	vm6 =	vgt.s32 v54, $0xC2FF;
	v13 =	vld.idx.msk [tilespmem:v62+s26+$0x0], $0xffff  }
0x3c1: {  	vm5 =	vgt.s32 v17, $0xC2FF;
	v12 =	vld.idx.msk [tilespmem:v30+s26+$0x0], $0xffff;
	v17 =	vor.u32 v1, v22;
	v22 =	vshll.u32 v14, v8  }
0x3c2: {  	s3 =	simm.s32 $0x0;
	s4 =	simm.s32 $0xFFFFFF80;
	v18 =	vshrl.u32 v16, $0x7;
	v16 =	vor.u32 v0, v19;
	v14 =	vld.idx.msk [tilespmem:v63+s26+$0x0], $0xffff;
	v19 =	vbroadcast v22, $0x0;
	[tilespmem:v26+s9+$0x0] =	vst.idx.msk vm7, v61  }
.LBB2_29:
0x3c3: {  	s0 =	sadd.s32 $0x1080, s3;
	v20 =	vor.u32 v2, v20;
	v15 =	vld.idx.msk [tilespmem:v15+s26+$0x0], $0xffff;
	v21 =	vbroadcast v21, $0x0;
	v18 =	vshll.u32 v18, v8;
	s6 =	smov.u32 s3  }
0x3c4: {  	s8 =	sadd.s32 $0x10A0, s3;
	v22 =	vmov s0;
	s0 =	sadd.s32 $0x1090, s3;
	v19 =	vor.u32 v3, v19;
	v11 =	vld.idx.msk [tilespmem:v11+s26+$0x0], $0xffff;
	v18 =	vbroadcast v18, $0x0  }
0x3c5: {  	s4 =	sadd.s32 $0x10E0, s4;
	s13 =	sadd.s32 $0x80, s13;
	v24 =	vmov s8;
	v23 =	vmov s0;
	s0 =	sadd.s32 $0x10B0, s3;
	v21 =	vor.u32 v4, v21;
	v10 =	vld.idx.msk [tilespmem:v10+s26+$0x0], $0xffff  }
0x3c6: {  	s8 =	sadd.s32 $0x10D0, s6;
	s3 =	sadd.s32 $0x80, s3;
	v25 =	vmov s0;
	s0 =	sadd.s32 $0x10C0, s6;
	v26 =	vld [tilespmem:s13+$0x30];
	[tilespmem:v17+s9+$0x0] =	vst.idx.msk vm0, v13;
	v13 =	vor.u32 v5, v18;
	v17 =	vmov s4  }
0x3c7: {  	v28 =	vmov s8;
	p4 =	slt.u32 s3, $0xF80;
	s4 =	smov.u32 s6;
	v18 =	vld [tilespmem:s13+$0xFFFFFFD0];
	v27 =	vmov s0;
	[tilespmem:v16+s9+$0x0] =	vst.idx.msk vm6, v12;
	v12 =	vshrl.u32 v17, $0x7  }
0x3c8: {  	v16 =	vshrl.u32 v22, $0x7;
	v17 =	vshrl.u32 v23, $0x7;
	v22 =	vld [tilespmem:s13+$0xFFFFFFE0];
	[tilespmem:v20+s9+$0x0] =	vst.idx.msk vm5, v14;
	v12 =	vshll.u32 v12, v8  }
0x3c9: {  	v23 =	vshrl.u32 v25, $0x7;
	v14 =	vshrl.u32 v24, $0x7;
	v20 =	vld [tilespmem:s13+$0xFFFFFFF0];
	[tilespmem:v19+s9+$0x0] =	vst.idx.msk vm4, v15;
	v12 =	vbroadcast v12, $0x0  }
0x3ca: {  	v16 =	vshll.u32 v16, v8;
	v24 =	vshrl.u32 v27, $0x7;
	v15 =	vshll.u32 v17, v8;
	v17 =	vld [tilespmem:s13+$0x0];
	[tilespmem:v21+s9+$0x0] =	vst.idx.msk vm3, v11  }
0x3cb: {  	v19 =	vbroadcast v15, $0x0;
	v21 =	vld [tilespmem:s13+$0x10];
	v11 =	vadd.s32 $0xFFFF3D00, v26;
	[tilespmem:v13+s9+$0x0] =	vst.idx.msk vm2, v10;
	v10 =	vor.u32 v6, v12  }
0x3cc: {  	v12 =	vadd.s32 $0xFFFF3D00, v18;
	vm0 =	vgt.s32 v18, $0xC2FF;
	v13 =	vld [tilespmem:s13+$0x20];
	vm2 =	vgt.s32 v11, $0x0  }
0x3cd: {  	s0 =	sadd.s32 $0x10F0, s4;
	v18 =	vld [tilespmem:s13+$0xFFFFFFC0];
	vm3 =	vgt.s32 v12, $0x0;
	v15 =	vadd.s32 $0xFFFF3D00, v22;
	v11 =	vnsel vm2, $0x0, v11  }
0x3ce: {  	v27 =	vmov s0;
	vm2 =	vgt.s32 v15, $0x0;
	v25 =	vadd.s32 $0xFFFF3D00, v20;
	v9 =	vld.idx.msk [tilespmem:v9+s26+$0x0], $0xffff  }
0x3cf: {  	v27 =	vshrl.u32 v27, $0x7;
	vm4 =	vgt.s32 v25, $0x0;
	v29 =	vadd.s32 $0xFFFF3D00, v17  }
0x3d0: {  	v27 =	vshll.u32 v27, v8;
	vm5 =	vgt.s32 v29, $0x0;
	v30 =	vadd.s32 $0xFFFF3D00, v21  }
0x3d1: {  	v27 =	vbroadcast v27, $0x0;
	vm6 =	vgt.s32 v30, $0x0;
	v31 =	vadd.s32 $0xFFFF3D00, v13  }
0x3d2: {  	vm8 =	vgt.s32 v26, $0xC2FF;
	v32 =	vadd.s32 $0xFFFF3D00, v18;
	vm7 =	vgt.s32 v31, $0x0;
	v33 =	vld.idx.msk [tilespmem:v11+s26+$0x0], $0xffff  }
0x3d3: {  	v26 =	vor.u32 v7, v27;
	v12 =	vnsel vm3, $0x0, v12;
	vm9 =	vgt.s32 v32, $0x0  }
0x3d4: {  	v27 =	vnsel vm9, $0x0, v32;
	v32 =	vnsel vm2, $0x0, v15;
	v15 =	vnsel vm4, $0x0, v25;
	[tilespmem:v10+s9+$0x0] =	vst.idx.msk vm1, v9  }
0x3d5: {  	v11 =	vnsel vm5, $0x0, v29;
	v10 =	vnsel vm6, $0x0, v30;
	v9 =	vnsel vm7, $0x0, v31  }
.Ltmp17:
0x3d6: {  	vm5 =	vgt.s32 v22, $0xC2FF;
	vm6 =	vgt.s32 v18, $0xC2FF;
	vm4 =	vgt.s32 v20, $0xC2FF;
	(pc) =	sbr.rel @p4 .LBB2_29-.Ltmp17, $4  }
0x3d7: {  	vm3 =	vgt.s32 v17, $0xC2FF;
	vm2 =	vgt.s32 v21, $0xC2FF;
	vm1 =	vgt.s32 v13, $0xC2FF  }
0x3d8: {  	v16 =	vbroadcast v16, $0x0;
	v14 =	vshll.u32 v14, v8;
	v18 =	vshrl.u32 v28, $0x7;
	v13 =	vld.idx.msk [tilespmem:v12+s26+$0x0], $0xffff;
	[tilespmem:v26+s9+$0x0] =	vst.idx.msk vm8, v33  }
0x3d9: {  	v17 =	vor.u32 v1, v19;
	v19 =	vshll.u32 v23, v8;
	v20 =	vbroadcast v14, $0x0;
	v12 =	vld.idx.msk [tilespmem:v27+s26+$0x0], $0xffff  }
0x3da: {  	v16 =	vor.u32 v0, v16;
	v19 =	vbroadcast v19, $0x0;
	v21 =	vshll.u32 v24, v8;
	v14 =	vld.idx.msk [tilespmem:v32+s26+$0x0], $0xffff  }
0x3db: {  	_ = 	snop  }
0x3dc: {  	s0 =	sadd.s32 $0x10E0, s4  }
0x3dd: {  	v20 =	vor.u32 v2, v20;
	v22 =	vmov s0  }
0x3de: {  	v21 =	vbroadcast v21, $0x0;
	v18 =	vshll.u32 v18, v8;
	v22 =	vshrl.u32 v22, $0x7  }
0x3df: {  	v15 =	vld.idx.msk [tilespmem:v15+s26+$0x0], $0xffff;
	v19 =	vor.u32 v3, v19;
	v18 =	vbroadcast v18, $0x0;
	v22 =	vshll.u32 v22, v8  }
0x3e0: {  	v11 =	vld.idx.msk [tilespmem:v11+s26+$0x0], $0xffff;
	v21 =	vor.u32 v4, v21;
	v22 =	vbroadcast v22, $0x0  }
0x3e1: {  	v10 =	vld.idx.msk [tilespmem:v10+s26+$0x0], $0xffff;
	[tilespmem:v17+s9+$0x0] =	vst.idx.msk vm0, v13;
	v13 =	vor.u32 v5, v18  }
0x3e2: {  	v9 =	vld.idx.msk [tilespmem:v9+s26+$0x0], $0xffff;
	[tilespmem:v16+s9+$0x0] =	vst.idx.msk vm6, v12;
	v12 =	vor.u32 v6, v22  }
0x3e3: {  	[tilespmem:v20+s9+$0x0] =	vst.idx.msk vm5, v14  }
0x3e4: {  	[tilespmem:v19+s9+$0x0] =	vst.idx.msk vm4, v15  }
0x3e5: {  	[tilespmem:v21+s9+$0x0] =	vst.idx.msk vm3, v11  }
0x3e6: {  	[tilespmem:v13+s9+$0x0] =	vst.idx.msk vm2, v10  }
0x3e7: {  	s4 =	sadd.s32 s10, s17;
	s3 =	simm.s32 $0x1B700;
	[tilespmem:v12+s9+$0x0] =	vst.idx.msk vm1, v9  }
0x3e8: {  	[hbm4b:s4+s24] =	stream.strided.scatter [tilespmem:s3], [sflag:$0x4], $0x1000, s25, s24, $0x38;
	[tilespmem:$0x1EF00] =	vst v63  }
0x3e9: {  	_ =	swait.ge [sflag:s30], $0x1000  }
0x3ea: {  	[sflag:s30] =	ssyncset.done $0x0  }
0x3eb: {  	s13 =	simm.s32 $0x18740;
	[sflag:s30] =	ssyncadd.s32 $0xFFFFF000  }
0x3ec: {  	[tilespmem:s31], [sflag:$0x3] =	stream.linear.gather [spmem:s22], $0x1000, $0x38;
	[tilespmem:$0x1EF00] =	vst v63  }
0x3ed: {  	s6 =	simm.s32 $0x2000;
	s8 =	simm.s32 $0x2010;
	s23 =	simm.s32 $0x2020;
	v9 =	vld [tilespmem:s13+$0x30]  }
0x3ee: {  	v11 =	vmov s8;
	s8 =	simm.s32 $0x2050;
	v10 =	vmov s6;
	v12 =	vmov s23;
	s23 =	simm.s32 $0x2070;
	v13 =	vld [tilespmem:s13+$0xFFFFFFD0]  }
0x3ef: {  	s6 =	simm.s32 $0x2040;
	v16 =	vmov s8;
	v11 =	vshrl.u32 v11, $0x7;
	v26 =	vmov s23;
	v17 =	vld [tilespmem:s13+$0xFFFFFFE0]  }
0x3f0: {  	v15 =	vmov s6;
	v10 =	vshrl.u32 v10, $0x7;
	v26 =	vshrl.u32 v26, $0x7;
	v18 =	vld [tilespmem:s13+$0xFFFFFFF0]  }
0x3f1: {  	v19 =	vshll.u32 v10, v8;
	v10 =	vshll.u32 v11, v8;
	v26 =	vshll.u32 v26, v8;
	v20 =	vld [tilespmem:s13+$0x0]  }
0x3f2: {  	v21 =	vshrl.u32 v15, $0x7;
	v22 =	vbroadcast v10, $0x0;
	s4 =	simm.s32 $0x2030;
	v26 =	vbroadcast v26, $0x0;
	v23 =	vld [tilespmem:s13+$0x10]  }
0x3f3: {  	v19 =	vbroadcast v19, $0x0;
	v21 =	vshll.u32 v21, v8;
	v14 =	vmov s4;
	v24 =	vld [tilespmem:s13+$0xFFFFFFC0]  }
0x3f4: {  	v12 =	vshrl.u32 v12, $0x7;
	v14 =	vshrl.u32 v14, $0x7;
	v26 =	vor.u32 v7, v26  }
0x3f5: {  	v10 =	vadd.s32 $0xFFFF3D00, v9;
	v11 =	vadd.s32 $0xFFFF3D00, v13;
	vm0 =	vgt.s32 v13, $0xC2FF  }
0x3f6: {  	v15 =	vadd.s32 $0xFFFF3D00, v17;
	v25 =	vadd.s32 $0xFFFF3D00, v18;
	vm1 =	vgt.s32 v10, $0x0  }
0x3f7: {  	v27 =	vadd.s32 $0xFFFF3D00, v20;
	v28 =	vadd.s32 $0xFFFF3D00, v23;
	v10 =	vnsel vm1, $0x0, v10  }
0x3f8: {  	v13 =	vld [tilespmem:s13+$0x20];
	v30 =	vadd.s32 $0xFFFF3D00, v24;
	vm7 =	vgt.s32 v9, $0xC2FF;
	vm2 =	vgt.s32 v11, $0x0  }
0x3f9: {  	vm3 =	vgt.s32 v25, $0x0;
	vm4 =	vgt.s32 v27, $0x0;
	vm5 =	vgt.s32 v28, $0x0  }
0x3fa: {  	vm8 =	vgt.s32 v30, $0x0;
	vm1 =	vgt.s32 v15, $0x0;
	v32 =	vnsel vm2, $0x0, v11  }
0x3fb: {  	v30 =	vnsel vm8, $0x0, v30;
	v11 =	vnsel vm4, $0x0, v27;
	vm4 =	vgt.s32 v18, $0xC2FF  }
0x3fc: {  	vm2 =	vgt.s32 v23, $0xC2FF;
	v33 =	vnsel vm1, $0x0, v15;
	v15 =	vnsel vm3, $0x0, v25;
	v31 =	vld.idx.msk [tilespmem:v10+s26+$0x0], $0xffff  }
0x3fd: {  	vm3 =	vgt.s32 v20, $0xC2FF;
	v20 =	vshll.u32 v12, v8;
	v29 =	vadd.s32 $0xFFFF3D00, v13  }
0x3fe: {  	v20 =	vbroadcast v20, $0x0;
	vm1 =	vgt.s32 v13, $0xC2FF;
	vm6 =	vgt.s32 v29, $0x0  }
0x3ff: {  	v10 =	vnsel vm5, $0x0, v28;
	v9 =	vnsel vm6, $0x0, v29;
	vm6 =	vgt.s32 v24, $0xC2FF;
	v13 =	vld.idx.msk [tilespmem:v32+s26+$0x0], $0xffff  }
0x400: {  	vm5 =	vgt.s32 v17, $0xC2FF;
	v12 =	vld.idx.msk [tilespmem:v30+s26+$0x0], $0xffff;
	v17 =	vor.u32 v1, v22;
	v22 =	vshll.u32 v14, v8  }
0x401: {  	s3 =	simm.s32 $0x0;
	s4 =	simm.s32 $0xFFFFFF80;
	v18 =	vshrl.u32 v16, $0x7;
	v16 =	vor.u32 v0, v19;
	v14 =	vld.idx.msk [tilespmem:v33+s26+$0x0], $0xffff;
	v19 =	vbroadcast v22, $0x0;
	[tilespmem:v26+s9+$0x0] =	vst.idx.msk vm7, v31  }
.LBB2_31:
0x402: {  	s0 =	sadd.s32 $0x2080, s3;
	v20 =	vor.u32 v2, v20;
	v15 =	vld.idx.msk [tilespmem:v15+s26+$0x0], $0xffff;
	v21 =	vbroadcast v21, $0x0;
	v18 =	vshll.u32 v18, v8;
	s6 =	smov.u32 s3  }
0x403: {  	s8 =	sadd.s32 $0x20A0, s3;
	v22 =	vmov s0;
	s0 =	sadd.s32 $0x2090, s3;
	v19 =	vor.u32 v3, v19;
	v11 =	vld.idx.msk [tilespmem:v11+s26+$0x0], $0xffff;
	v18 =	vbroadcast v18, $0x0  }
0x404: {  	s4 =	sadd.s32 $0x20E0, s4;
	s13 =	sadd.s32 $0x80, s13;
	v24 =	vmov s8;
	v23 =	vmov s0;
	s0 =	sadd.s32 $0x20B0, s3;
	v21 =	vor.u32 v4, v21;
	v10 =	vld.idx.msk [tilespmem:v10+s26+$0x0], $0xffff  }
0x405: {  	s8 =	sadd.s32 $0x20D0, s6;
	s3 =	sadd.s32 $0x80, s3;
	v25 =	vmov s0;
	s0 =	sadd.s32 $0x20C0, s6;
	v26 =	vld [tilespmem:s13+$0x30];
	[tilespmem:v17+s9+$0x0] =	vst.idx.msk vm0, v13;
	v13 =	vor.u32 v5, v18;
	v17 =	vmov s4  }
0x406: {  	v28 =	vmov s8;
	p4 =	slt.u32 s3, $0xF80;
	s4 =	smov.u32 s6;
	v18 =	vld [tilespmem:s13+$0xFFFFFFD0];
	v27 =	vmov s0;
	[tilespmem:v16+s9+$0x0] =	vst.idx.msk vm6, v12;
	v12 =	vshrl.u32 v17, $0x7  }
0x407: {  	v16 =	vshrl.u32 v22, $0x7;
	v17 =	vshrl.u32 v23, $0x7;
	v22 =	vld [tilespmem:s13+$0xFFFFFFE0];
	[tilespmem:v20+s9+$0x0] =	vst.idx.msk vm5, v14;
	v12 =	vshll.u32 v12, v8  }
0x408: {  	v23 =	vshrl.u32 v25, $0x7;
	v14 =	vshrl.u32 v24, $0x7;
	v20 =	vld [tilespmem:s13+$0xFFFFFFF0];
	[tilespmem:v19+s9+$0x0] =	vst.idx.msk vm4, v15;
	v12 =	vbroadcast v12, $0x0  }
0x409: {  	v16 =	vshll.u32 v16, v8;
	v24 =	vshrl.u32 v27, $0x7;
	v15 =	vshll.u32 v17, v8;
	v17 =	vld [tilespmem:s13+$0x0];
	[tilespmem:v21+s9+$0x0] =	vst.idx.msk vm3, v11  }
0x40a: {  	v19 =	vbroadcast v15, $0x0;
	v21 =	vld [tilespmem:s13+$0x10];
	v11 =	vadd.s32 $0xFFFF3D00, v26;
	[tilespmem:v13+s9+$0x0] =	vst.idx.msk vm2, v10;
	v10 =	vor.u32 v6, v12  }
0x40b: {  	v12 =	vadd.s32 $0xFFFF3D00, v18;
	vm0 =	vgt.s32 v18, $0xC2FF;
	v13 =	vld [tilespmem:s13+$0x20];
	vm2 =	vgt.s32 v11, $0x0  }
0x40c: {  	s0 =	sadd.s32 $0x20F0, s4;
	v18 =	vld [tilespmem:s13+$0xFFFFFFC0];
	vm3 =	vgt.s32 v12, $0x0;
	v15 =	vadd.s32 $0xFFFF3D00, v22;
	v11 =	vnsel vm2, $0x0, v11  }
0x40d: {  	v27 =	vmov s0;
	vm2 =	vgt.s32 v15, $0x0;
	v25 =	vadd.s32 $0xFFFF3D00, v20;
	v9 =	vld.idx.msk [tilespmem:v9+s26+$0x0], $0xffff  }
0x40e: {  	v27 =	vshrl.u32 v27, $0x7;
	vm4 =	vgt.s32 v25, $0x0;
	v29 =	vadd.s32 $0xFFFF3D00, v17  }
0x40f: {  	v27 =	vshll.u32 v27, v8;
	vm5 =	vgt.s32 v29, $0x0;
	v30 =	vadd.s32 $0xFFFF3D00, v21  }
0x410: {  	v27 =	vbroadcast v27, $0x0;
	vm6 =	vgt.s32 v30, $0x0;
	v31 =	vadd.s32 $0xFFFF3D00, v13  }
0x411: {  	vm8 =	vgt.s32 v26, $0xC2FF;
	v32 =	vadd.s32 $0xFFFF3D00, v18;
	vm7 =	vgt.s32 v31, $0x0;
	v33 =	vld.idx.msk [tilespmem:v11+s26+$0x0], $0xffff  }
0x412: {  	v26 =	vor.u32 v7, v27;
	v12 =	vnsel vm3, $0x0, v12;
	vm9 =	vgt.s32 v32, $0x0  }
0x413: {  	v27 =	vnsel vm9, $0x0, v32;
	v32 =	vnsel vm2, $0x0, v15;
	v15 =	vnsel vm4, $0x0, v25;
	[tilespmem:v10+s9+$0x0] =	vst.idx.msk vm1, v9  }
0x414: {  	v11 =	vnsel vm5, $0x0, v29;
	v10 =	vnsel vm6, $0x0, v30;
	v9 =	vnsel vm7, $0x0, v31  }
.Ltmp18:
0x415: {  	vm5 =	vgt.s32 v22, $0xC2FF;
	vm6 =	vgt.s32 v18, $0xC2FF;
	vm4 =	vgt.s32 v20, $0xC2FF;
	(pc) =	sbr.rel @p4 .LBB2_31-.Ltmp18, $4  }
0x416: {  	vm3 =	vgt.s32 v17, $0xC2FF;
	vm2 =	vgt.s32 v21, $0xC2FF;
	vm1 =	vgt.s32 v13, $0xC2FF  }
0x417: {  	v16 =	vbroadcast v16, $0x0;
	v14 =	vshll.u32 v14, v8;
	v18 =	vshrl.u32 v28, $0x7;
	v13 =	vld.idx.msk [tilespmem:v12+s26+$0x0], $0xffff;
	[tilespmem:v26+s9+$0x0] =	vst.idx.msk vm8, v33  }
0x418: {  	v17 =	vor.u32 v1, v19;
	v19 =	vshll.u32 v23, v8;
	v20 =	vbroadcast v14, $0x0;
	v12 =	vld.idx.msk [tilespmem:v27+s26+$0x0], $0xffff  }
0x419: {  	v16 =	vor.u32 v0, v16;
	v19 =	vbroadcast v19, $0x0;
	v21 =	vshll.u32 v24, v8;
	v14 =	vld.idx.msk [tilespmem:v32+s26+$0x0], $0xffff  }
0x41a: {  	_ = 	snop  }
0x41b: {  	s0 =	sadd.s32 $0x20E0, s4  }
0x41c: {  	v20 =	vor.u32 v2, v20;
	v22 =	vmov s0  }
0x41d: {  	v21 =	vbroadcast v21, $0x0;
	v18 =	vshll.u32 v18, v8;
	v22 =	vshrl.u32 v22, $0x7  }
0x41e: {  	v15 =	vld.idx.msk [tilespmem:v15+s26+$0x0], $0xffff;
	v19 =	vor.u32 v3, v19;
	v18 =	vbroadcast v18, $0x0;
	v22 =	vshll.u32 v22, v8  }
0x41f: {  	v11 =	vld.idx.msk [tilespmem:v11+s26+$0x0], $0xffff;
	v21 =	vor.u32 v4, v21;
	v22 =	vbroadcast v22, $0x0  }
0x420: {  	v10 =	vld.idx.msk [tilespmem:v10+s26+$0x0], $0xffff;
	[tilespmem:v17+s9+$0x0] =	vst.idx.msk vm0, v13;
	v13 =	vor.u32 v5, v18  }
0x421: {  	v9 =	vld.idx.msk [tilespmem:v9+s26+$0x0], $0xffff;
	[tilespmem:v16+s9+$0x0] =	vst.idx.msk vm6, v12;
	v12 =	vor.u32 v6, v22  }
0x422: {  	[tilespmem:v20+s9+$0x0] =	vst.idx.msk vm5, v14  }
0x423: {  	[tilespmem:v19+s9+$0x0] =	vst.idx.msk vm4, v15  }
0x424: {  	[tilespmem:v21+s9+$0x0] =	vst.idx.msk vm3, v11  }
0x425: {  	[tilespmem:v13+s9+$0x0] =	vst.idx.msk vm2, v10  }
0x426: {  	s4 =	sadd.s32 s10, s18;
	s3 =	simm.s32 $0x1C700;
	[tilespmem:v12+s9+$0x0] =	vst.idx.msk vm1, v9  }
0x427: {  	[hbm4b:s4+s24] =	stream.strided.scatter [tilespmem:s3], [sflag:$0x4], $0x1000, s25, s24, $0x38;
	[tilespmem:$0x1EF00] =	vst v63  }
0x428: {  	_ =	swait.ge [sflag:s30], $0x1000  }
0x429: {  	[sflag:s30] =	ssyncset.done $0x0  }
0x42a: {  	s13 =	simm.s32 $0x19740;
	[sflag:s30] =	ssyncadd.s32 $0xFFFFF000  }
0x42b: {  	s6 =	simm.s32 $0x3000;
	s8 =	simm.s32 $0x3010;
	s23 =	simm.s32 $0x3020;
	v9 =	vld [tilespmem:s13+$0x30]  }
0x42c: {  	v11 =	vmov s8;
	s8 =	simm.s32 $0x3050;
	v10 =	vmov s6;
	v12 =	vmov s23;
	s23 =	simm.s32 $0x3070;
	v13 =	vld [tilespmem:s13+$0xFFFFFFD0]  }
0x42d: {  	s6 =	simm.s32 $0x3040;
	v16 =	vmov s8;
	v11 =	vshrl.u32 v11, $0x7;
	v26 =	vmov s23;
	v17 =	vld [tilespmem:s13+$0xFFFFFFE0]  }
0x42e: {  	v15 =	vmov s6;
	v10 =	vshrl.u32 v10, $0x7;
	v26 =	vshrl.u32 v26, $0x7;
	v18 =	vld [tilespmem:s13+$0xFFFFFFF0]  }
0x42f: {  	v19 =	vshll.u32 v10, v8;
	v10 =	vshll.u32 v11, v8;
	v26 =	vshll.u32 v26, v8;
	v20 =	vld [tilespmem:s13+$0x0]  }
0x430: {  	v21 =	vshrl.u32 v15, $0x7;
	v22 =	vbroadcast v10, $0x0;
	s4 =	simm.s32 $0x3030;
	v26 =	vbroadcast v26, $0x0;
	v23 =	vld [tilespmem:s13+$0x10]  }
0x431: {  	v19 =	vbroadcast v19, $0x0;
	v21 =	vshll.u32 v21, v8;
	v14 =	vmov s4;
	v24 =	vld [tilespmem:s13+$0xFFFFFFC0]  }
0x432: {  	v12 =	vshrl.u32 v12, $0x7;
	v14 =	vshrl.u32 v14, $0x7;
	v26 =	vor.u32 v7, v26  }
0x433: {  	v10 =	vadd.s32 $0xFFFF3D00, v9;
	v11 =	vadd.s32 $0xFFFF3D00, v13;
	vm0 =	vgt.s32 v13, $0xC2FF  }
0x434: {  	v15 =	vadd.s32 $0xFFFF3D00, v17;
	v25 =	vadd.s32 $0xFFFF3D00, v18;
	vm1 =	vgt.s32 v10, $0x0  }
0x435: {  	v27 =	vadd.s32 $0xFFFF3D00, v20;
	v28 =	vadd.s32 $0xFFFF3D00, v23;
	v10 =	vnsel vm1, $0x0, v10  }
0x436: {  	v13 =	vld [tilespmem:s13+$0x20];
	v30 =	vadd.s32 $0xFFFF3D00, v24;
	vm7 =	vgt.s32 v9, $0xC2FF;
	vm2 =	vgt.s32 v11, $0x0  }
0x437: {  	vm3 =	vgt.s32 v25, $0x0;
	vm4 =	vgt.s32 v27, $0x0;
	vm5 =	vgt.s32 v28, $0x0  }
0x438: {  	vm8 =	vgt.s32 v30, $0x0;
	vm1 =	vgt.s32 v15, $0x0;
	v32 =	vnsel vm2, $0x0, v11  }
0x439: {  	v30 =	vnsel vm8, $0x0, v30;
	v11 =	vnsel vm4, $0x0, v27;
	vm4 =	vgt.s32 v18, $0xC2FF  }
0x43a: {  	vm2 =	vgt.s32 v23, $0xC2FF;
	v33 =	vnsel vm1, $0x0, v15;
	v15 =	vnsel vm3, $0x0, v25;
	v31 =	vld.idx.msk [tilespmem:v10+s26+$0x0], $0xffff  }
0x43b: {  	vm3 =	vgt.s32 v20, $0xC2FF;
	v20 =	vshll.u32 v12, v8;
	v29 =	vadd.s32 $0xFFFF3D00, v13  }
0x43c: {  	v20 =	vbroadcast v20, $0x0;
	vm1 =	vgt.s32 v13, $0xC2FF;
	vm6 =	vgt.s32 v29, $0x0  }
0x43d: {  	v10 =	vnsel vm5, $0x0, v28;
	v9 =	vnsel vm6, $0x0, v29;
	vm6 =	vgt.s32 v24, $0xC2FF;
	v13 =	vld.idx.msk [tilespmem:v32+s26+$0x0], $0xffff  }
0x43e: {  	vm5 =	vgt.s32 v17, $0xC2FF;
	v12 =	vld.idx.msk [tilespmem:v30+s26+$0x0], $0xffff;
	v17 =	vor.u32 v1, v22;
	v22 =	vshll.u32 v14, v8  }
0x43f: {  	s3 =	simm.s32 $0x0;
	s4 =	simm.s32 $0xFFFFFF80;
	v18 =	vshrl.u32 v16, $0x7;
	v16 =	vor.u32 v0, v19;
	v14 =	vld.idx.msk [tilespmem:v33+s26+$0x0], $0xffff;
	v19 =	vbroadcast v22, $0x0;
	[tilespmem:v26+s9+$0x0] =	vst.idx.msk vm7, v31  }
.LBB2_33:
0x440: {  	s0 =	sadd.s32 $0x3080, s3;
	v20 =	vor.u32 v2, v20;
	v15 =	vld.idx.msk [tilespmem:v15+s26+$0x0], $0xffff;
	v21 =	vbroadcast v21, $0x0;
	v18 =	vshll.u32 v18, v8;
	s6 =	smov.u32 s3  }
0x441: {  	s8 =	sadd.s32 $0x30A0, s3;
	v22 =	vmov s0;
	s0 =	sadd.s32 $0x3090, s3;
	v19 =	vor.u32 v3, v19;
	v11 =	vld.idx.msk [tilespmem:v11+s26+$0x0], $0xffff;
	v18 =	vbroadcast v18, $0x0  }
0x442: {  	s4 =	sadd.s32 $0x30E0, s4;
	s13 =	sadd.s32 $0x80, s13;
	v24 =	vmov s8;
	v23 =	vmov s0;
	s0 =	sadd.s32 $0x30B0, s3;
	v21 =	vor.u32 v4, v21;
	v10 =	vld.idx.msk [tilespmem:v10+s26+$0x0], $0xffff  }
0x443: {  	s8 =	sadd.s32 $0x30D0, s6;
	s3 =	sadd.s32 $0x80, s3;
	v25 =	vmov s0;
	s0 =	sadd.s32 $0x30C0, s6;
	v26 =	vld [tilespmem:s13+$0x30];
	[tilespmem:v17+s9+$0x0] =	vst.idx.msk vm0, v13;
	v13 =	vor.u32 v5, v18;
	v17 =	vmov s4  }
0x444: {  	v28 =	vmov s8;
	p4 =	slt.u32 s3, $0xF80;
	s4 =	smov.u32 s6;
	v18 =	vld [tilespmem:s13+$0xFFFFFFD0];
	v27 =	vmov s0;
	[tilespmem:v16+s9+$0x0] =	vst.idx.msk vm6, v12;
	v12 =	vshrl.u32 v17, $0x7  }
0x445: {  	v16 =	vshrl.u32 v22, $0x7;
	v17 =	vshrl.u32 v23, $0x7;
	v22 =	vld [tilespmem:s13+$0xFFFFFFE0];
	[tilespmem:v20+s9+$0x0] =	vst.idx.msk vm5, v14;
	v12 =	vshll.u32 v12, v8  }
0x446: {  	v23 =	vshrl.u32 v25, $0x7;
	v14 =	vshrl.u32 v24, $0x7;
	v20 =	vld [tilespmem:s13+$0xFFFFFFF0];
	[tilespmem:v19+s9+$0x0] =	vst.idx.msk vm4, v15;
	v12 =	vbroadcast v12, $0x0  }
0x447: {  	v16 =	vshll.u32 v16, v8;
	v24 =	vshrl.u32 v27, $0x7;
	v15 =	vshll.u32 v17, v8;
	v17 =	vld [tilespmem:s13+$0x0];
	[tilespmem:v21+s9+$0x0] =	vst.idx.msk vm3, v11  }
0x448: {  	v19 =	vbroadcast v15, $0x0;
	v21 =	vld [tilespmem:s13+$0x10];
	v11 =	vadd.s32 $0xFFFF3D00, v26;
	[tilespmem:v13+s9+$0x0] =	vst.idx.msk vm2, v10;
	v10 =	vor.u32 v6, v12  }
0x449: {  	v12 =	vadd.s32 $0xFFFF3D00, v18;
	vm0 =	vgt.s32 v18, $0xC2FF;
	v13 =	vld [tilespmem:s13+$0x20];
	vm2 =	vgt.s32 v11, $0x0  }
0x44a: {  	s0 =	sadd.s32 $0x30F0, s4;
	v18 =	vld [tilespmem:s13+$0xFFFFFFC0];
	vm3 =	vgt.s32 v12, $0x0;
	v15 =	vadd.s32 $0xFFFF3D00, v22;
	v11 =	vnsel vm2, $0x0, v11  }
0x44b: {  	v27 =	vmov s0;
	vm2 =	vgt.s32 v15, $0x0;
	v25 =	vadd.s32 $0xFFFF3D00, v20;
	v9 =	vld.idx.msk [tilespmem:v9+s26+$0x0], $0xffff  }
0x44c: {  	v27 =	vshrl.u32 v27, $0x7;
	vm4 =	vgt.s32 v25, $0x0;
	v29 =	vadd.s32 $0xFFFF3D00, v17  }
0x44d: {  	v27 =	vshll.u32 v27, v8;
	vm5 =	vgt.s32 v29, $0x0;
	v30 =	vadd.s32 $0xFFFF3D00, v21  }
0x44e: {  	v27 =	vbroadcast v27, $0x0;
	vm6 =	vgt.s32 v30, $0x0;
	v31 =	vadd.s32 $0xFFFF3D00, v13  }
0x44f: {  	vm8 =	vgt.s32 v26, $0xC2FF;
	v32 =	vadd.s32 $0xFFFF3D00, v18;
	vm7 =	vgt.s32 v31, $0x0;
	v33 =	vld.idx.msk [tilespmem:v11+s26+$0x0], $0xffff  }
0x450: {  	v26 =	vor.u32 v7, v27;
	v12 =	vnsel vm3, $0x0, v12;
	vm9 =	vgt.s32 v32, $0x0  }
0x451: {  	v27 =	vnsel vm9, $0x0, v32;
	v32 =	vnsel vm2, $0x0, v15;
	v15 =	vnsel vm4, $0x0, v25;
	[tilespmem:v10+s9+$0x0] =	vst.idx.msk vm1, v9  }
0x452: {  	v11 =	vnsel vm5, $0x0, v29;
	v10 =	vnsel vm6, $0x0, v30;
	v9 =	vnsel vm7, $0x0, v31  }
.Ltmp19:
0x453: {  	vm5 =	vgt.s32 v22, $0xC2FF;
	vm6 =	vgt.s32 v18, $0xC2FF;
	vm4 =	vgt.s32 v20, $0xC2FF;
	(pc) =	sbr.rel @p4 .LBB2_33-.Ltmp19, $4  }
0x454: {  	vm3 =	vgt.s32 v17, $0xC2FF;
	vm2 =	vgt.s32 v21, $0xC2FF;
	vm1 =	vgt.s32 v13, $0xC2FF  }
0x455: {  	v16 =	vbroadcast v16, $0x0;
	v14 =	vshll.u32 v14, v8;
	v18 =	vshrl.u32 v28, $0x7;
	v13 =	vld.idx.msk [tilespmem:v12+s26+$0x0], $0xffff;
	[tilespmem:v26+s9+$0x0] =	vst.idx.msk vm8, v33  }
0x456: {  	v17 =	vor.u32 v1, v19;
	v19 =	vshll.u32 v23, v8;
	v20 =	vbroadcast v14, $0x0;
	v12 =	vld.idx.msk [tilespmem:v27+s26+$0x0], $0xffff  }
0x457: {  	v16 =	vor.u32 v0, v16;
	v19 =	vbroadcast v19, $0x0;
	v21 =	vshll.u32 v24, v8;
	v14 =	vld.idx.msk [tilespmem:v32+s26+$0x0], $0xffff  }
0x458: {  	_ = 	snop  }
0x459: {  	s0 =	sadd.s32 $0x30E0, s4  }
0x45a: {  	v20 =	vor.u32 v2, v20;
	v22 =	vmov s0  }
0x45b: {  	v21 =	vbroadcast v21, $0x0;
	v18 =	vshll.u32 v18, v8;
	v22 =	vshrl.u32 v22, $0x7  }
0x45c: {  	v15 =	vld.idx.msk [tilespmem:v15+s26+$0x0], $0xffff;
	v19 =	vor.u32 v3, v19;
	v18 =	vbroadcast v18, $0x0;
	v22 =	vshll.u32 v22, v8  }
0x45d: {  	v11 =	vld.idx.msk [tilespmem:v11+s26+$0x0], $0xffff;
	v21 =	vor.u32 v4, v21;
	v22 =	vbroadcast v22, $0x0  }
0x45e: {  	v10 =	vld.idx.msk [tilespmem:v10+s26+$0x0], $0xffff;
	[tilespmem:v17+s9+$0x0] =	vst.idx.msk vm0, v13;
	v62 =	vor.u32 v5, v18  }
0x45f: {  	v9 =	vld.idx.msk [tilespmem:v9+s26+$0x0], $0xffff;
	[tilespmem:v16+s9+$0x0] =	vst.idx.msk vm6, v12;
	v63 =	vor.u32 v6, v22  }
0x460: {  	[tilespmem:v20+s9+$0x0] =	vst.idx.msk vm5, v14  }
.Ltmp20:
0x461: {  	[tilespmem:v19+s9+$0x0] =	vst.idx.msk vm4, v15;
	(pc) =	sbr.rel @!p3 .LBB2_35-.Ltmp20, $4  }
0x462: {  	[tilespmem:v21+s9+$0x0] =	vst.idx.msk vm3, v11  }
0x463: {  	[tilespmem:v62+s9+$0x0] =	vst.idx.msk vm2, v10  }
0x464: {  	s23 =	sadd.s32 s10, s19;
	s3 =	simm.s32 $0x1D700;
	[tilespmem:v63+s9+$0x0] =	vst.idx.msk vm1, v9  }
0x465: {  	[hbm4b:s23+s24] =	stream.strided.scatter [tilespmem:s3], [sflag:$0x4], $0x1000, s25, s24, $0x38;
	[tilespmem:$0x1EF00] =	vst v63  }
.Ltmp21:
0x466: {  	(pc) =	sbr.rel .LBB2_36-.Ltmp21, $3  }
0x467: {  	_ =	sdelay $0x1  }
0x468: {  	[bflag:$0x0] =	sbarrier.arrive $0xFFFF  }
0x469: {  	s13 =	smov.u32 s15  }
.LBB2_38:
0x46a: {  	_ =	sfence.sel $0x180000  }
0x46b: {  	[bflag:$0x0] =	sbarrier.arrive $0xFFFF  }
0x46c: {  	_ =	strace $0x90000047  }
0x46d: {  	[bflag:$0x2] =	sbarrier.arrive $0xFFFF  }
0x46e: {  	s0 =	rddreg [dreg:$0x5]  }
0x46f: {  	s0 =	sadd.s32 @!p0 $0x100000, s0  }
0x470: {  	[sflag:s0] =	ssyncadd.tile.s32 @!p0 $0x1;
	_ =	shalt  }
.Lfunc_end2:
_tile_overlayer_lowered:
.L_overlay_start_2:
0x471: {  	(tag) =	ssettag $0x2  }
0x472: {  	s0 =	rddreg [dreg:$0x0];
	s2 =	stileid.u32  }
0x473: {  	s1 =	rddreg [dreg:$0x1];
	p0 =	sne.s32 s2, $0x0  }
0x474: {  	s3 =	rddreg [dreg:$0x2];
	[bflag:$0x3] =	sbarrier.arrive $0xFFFF;
	s2 =	simm.s32 @!p0 $0x1C06  }
0x475: {  	[timem:s3], [sflag:s2] =	dma.local @!p0 [hbm:s0], s1  }
0x476: {  	s0 =	simm.s32 @!p0 $0x6  }
0x477: {  	_ =	swait.ge @!p0 [sflag:s0], s1  }
0x478: {  	s1 =	ssub.s32 @!p0 $0x0, s1;
	[sflag:s0] =	ssyncset.done @!p0 $0x0  }
0x479: {  	[sflag:s0] =	ssyncadd.s32 @!p0 s1  }
0x47a: {  	[bflag:$0x3] =	sbarrier.arrive $0xFFFF  }
0x47b: {  	_ =	shalt  }

</sc_bundles>
